<compile_context>
chip_gen: v7x
topology: tpu7x:2x2x1
jax: 0.10.2.dev20260603
libtpu: 0.0.44.dev20260713+nightly
codegen_flags: <defaults>
</compile_context>

<pallas_src>
import functools

import jax
import jax.numpy as jnp
from jax import lax
from jax.experimental import pallas as pl
from jax.experimental.pallas import tpu as pltpu
from jax.experimental.pallas import tpu_sc as plsc

NC, NS = 2, 16
NW = NC * NS
BATCH, N_FIELDS = 16384, 26
D = 64
NUM_ROWS = 1000000
BR_W = BATCH // NW
GB = 32
NGROUP = BR_W // GB
NBUF = 2

_mesh = plsc.VectorSubcoreMesh(
    core_axis_name="c", subcore_axis_name="s", num_cores=NC, num_subcores=NS)


@functools.partial(
    pl.kernel,
    out_type=jax.ShapeDtypeStruct((BATCH, 32, 128), jnp.float32),
    mesh=_mesh,
    scratch_types=[
        pltpu.VMEM((BR_W, N_FIELDS), jnp.int32),
        pltpu.VMEM((GB, N_FIELDS, D), jnp.float32),
        pltpu.VMEM((GB, N_FIELDS, D), jnp.float32),
        pltpu.SemaphoreType.DMA,
        pltpu.SemaphoreType.DMA,
        pltpu.SemaphoreType.DMA,
        pltpu.SemaphoreType.DMA,
    ],
    compiler_params=pltpu.CompilerParams(use_tc_tiling_on_sc=False),
)
def _gather(ids_hbm, table_hbm, out_hbm, idx_v, rows0, rows1,
            gs0, gs1, ws0, ws1):
    wid = lax.axis_index("s") * NC + lax.axis_index("c")
    base = wid * BR_W
    pltpu.sync_copy(ids_hbm.at[pl.ds(base, BR_W)], idx_v)

    rows = (rows0, rows1)
    gsem = (gs0, gs1)
    wsem = (ws0, ws1)

    def fire_g(g, s):
        @pl.loop(0, GB)
        def _row(j):
            pltpu.async_copy(table_hbm.at[idx_v.at[g * GB + j]],
                             rows[s].at[j], gsem[s])

    def drain_g(s):
        pltpu.make_async_copy(
            out_hbm.at[pl.ds(0, GB), pl.ds(0, N_FIELDS), pl.ds(0, D)],
            rows[s], gsem[s]).wait()

    def _wslice(g):
        return out_hbm.at[pl.ds(base + g * GB, GB), pl.ds(0, N_FIELDS),
                          pl.ds(0, D)]

    def fire_w(g, s):
        pltpu.async_copy(rows[s], _wslice(g), wsem[s])

    def drain_w(g, s):
        pltpu.make_async_copy(rows[s], _wslice(g), wsem[s]).wait()

    fire_g(0, 0)
    for g in range(NGROUP):
        gf = g + 1
        if gf < NGROUP:
            if gf >= NBUF:
                drain_w(gf - NBUF, gf % NBUF)
            fire_g(gf, gf % NBUF)
        s = g % NBUF
        drain_g(s)
        fire_w(g, s)
    for g in range(NGROUP - NBUF, NGROUP):
        drain_w(g, g % NBUF)


def kernel(ids, table):
    table2 = jnp.pad(table, ((0, 0), (0, D))).reshape(2 * NUM_ROWS, D)
    ids2 = jnp.asarray(ids, jnp.int32) * 2
    out_big = _gather(ids2, table2)
    return out_big[:, :N_FIELDS, :D]

# --- scband reference (transcript-rebuilt; emitter-appended) ---
"""Pipeline reference for scband-psembedding-34153579937814 (READ-ONLY COPY).

The authoritative reference and input builder live on the scoring server;
editing this copy changes nothing except your own understanding.
"""

import jax, jax.numpy as jnp
import numpy as np

NUM_EMBEDDINGS = 1000000
EMBEDDING_DIM = 64
BATCH = 16384
N_FIELDS = 26


def setup_inputs(seed: int = 0) -> dict:
    key = jax.random.key(seed)
    k_ids, k_tab = jax.random.split(key)
    ids = jax.random.randint(k_ids, (BATCH, N_FIELDS), 0, NUM_EMBEDDINGS, dtype=jnp.int64)
    # Learned parameter: the embedding table stored in the PS kv-store.
    # PSEmbedding stores a buffer of shape (num_embeddings, 2, embedding_dim)
    # where slot 0 is the embedding and slot 1 is the optimizer accumulator.
    # Forward only reads slot 0, so we materialize the embedding slice,
    # xavier-uniform initialized as in kv_init.
    fan_in, fan_out = NUM_EMBEDDINGS, EMBEDDING_DIM
    limit = float(np.sqrt(6.0 / (fan_in + fan_out)))
    table = jax.random.uniform(
        k_tab, (NUM_EMBEDDINGS, EMBEDDING_DIM), dtype=jnp.float32,
        minval=-limit, maxval=limit)
    return {"ids": ids, "table": table}


def reference(ids, table):
    # PSEmbedding.forward: pull rows keyed by ids (key_offset=0) from the kv
    # store into a buffer of shape ids.size() + (2, embedding_dim), then
    # return the embedding slice (select index 0 along the penultimate dim).
    # Faithful dense-gather equivalent: gather rows of the embedding table.
    embeddings = jnp.take(table, ids, axis=0)  # [BATCH, N_FIELDS, EMBEDDING_DIM]
    return embeddings

if __name__ == "__main__":
    import jax
    _d = setup_inputs()
    print(jax.jit(kernel)(*tuple(_d.values())))

</pallas_src>

<mosaic_0001>
#map = affine_map<(d0, d1) -> (0, 0)>
#map1 = affine_map<(d0, d1) -> (0, 0, 0)>
module attributes {stable_mosaic.version = 14 : i64} {
  func.func @_gather(%arg0: i32, %arg1: i32, %arg2: memref<16384x26xi32, #tpu.memory_space<hbm>>, %arg3: memref<2000000x64xf32, #tpu.memory_space<hbm>>, %arg4: memref<16384x32x128xf32, #tpu.memory_space<hbm>>, %arg5: memref<512x26xi32, #tpu.memory_space<vmem>>, %arg6: memref<32x26x64xf32, #tpu.memory_space<vmem>>, %arg7: memref<32x26x64xf32, #tpu.memory_space<vmem>>, %arg8: memref<!tpu.dma_semaphore, #tpu.memory_space<semaphore_mem>>, %arg9: memref<!tpu.dma_semaphore, #tpu.memory_space<semaphore_mem>>, %arg10: memref<!tpu.dma_semaphore, #tpu.memory_space<semaphore_mem>>, %arg11: memref<!tpu.dma_semaphore, #tpu.memory_space<semaphore_mem>>) attributes {dimension_semantics = [#tpu.dimension_semantics<core_parallel>, #tpu.dimension_semantics<subcore_parallel>], iteration_bounds = array<i64: 2, 16>, scalar_prefetch = 0 : i64, scratch_operands = 7 : i64, tpu.core_type = #tpu.core_type<sc_vector_subcore>, window_params = [{transform_indices = #map}, {transform_indices = #map}, {transform_indices = #map1}]} {
    %mul3A = arith.constant 2 : i32
    %mul3A_0 = arith.muli %arg1, %mul3A : i32
    %add3A = arith.addi %mul3A_0, %arg0 : i32
    %mul3A_1 = arith.constant 512 : i32
    %mul3A_2 = arith.muli %add3A, %mul3A_1 : i32
    "tpu.region"() ({
      %run_scoped3A = tpu.sem_alloc : memref<!tpu.dma_semaphore, #tpu.memory_space<semaphore_mem>>
      %dma_start3A_464 = arith.constant 0 : i32
      %dma_start3A_465 = tpu.memref_slice %arg2[%mul3A_2, %dma_start3A_464] : memref<16384x26xi32, #tpu.memory_space<hbm>> -> memref<512x26xi32, #tpu.memory_space<hbm>>
      %dma_start3A_466 = arith.constant 0 : i32
      %dma_start3A_467 = tpu.memref_slice %arg2[%mul3A_2, %dma_start3A_466] : memref<16384x26xi32, #tpu.memory_space<hbm>> -> memref<512x26xi32, #tpu.memory_space<hbm>>
      tpu.enqueue_dma source(%dma_start3A_467 : memref<512x26xi32, #tpu.memory_space<hbm>>) target(%arg5 : memref<512x26xi32, #tpu.memory_space<vmem>>) target_semaphore(%run_scoped3A : memref<!tpu.dma_semaphore, #tpu.memory_space<semaphore_mem>>)
      %dma_wait3A_468 = arith.constant 0 : i32
      %dma_wait3A_469 = tpu.memref_slice %arg2[%mul3A_2, %dma_wait3A_468] : memref<16384x26xi32, #tpu.memory_space<hbm>> -> memref<512x26xi32, #tpu.memory_space<hbm>>
      %dma_wait3A_470 = arith.constant 0 : i32
      %dma_wait3A_471 = tpu.memref_slice %arg2[%mul3A_2, %dma_wait3A_470] : memref<16384x26xi32, #tpu.memory_space<hbm>> -> memref<512x26xi32, #tpu.memory_space<hbm>>
      tpu.wait_dma2 semaphore(%run_scoped3A : memref<!tpu.dma_semaphore, #tpu.memory_space<semaphore_mem>>) src(%dma_wait3A_471 : memref<512x26xi32, #tpu.memory_space<hbm>>) dst(%arg5 : memref<512x26xi32, #tpu.memory_space<vmem>>)
      tpu.yield
    }) : () -> ()
    %scan3A = arith.constant 0 : i32
    %scan3A_3 = arith.constant 32 : i32
    %scan3A_4 = arith.addi %scan3A, %scan3A_3 : i32
    %scan3A_5 = arith.constant 1 : i32
    scf.for %scan3A_464 = %scan3A to %scan3A_4 step %scan3A_5  : i32 {
      %mul3A_465 = arith.constant 1 : i32
      %mul3A_466 = arith.muli %scan3A_464, %mul3A_465 : i32
      %add3A_467 = arith.constant 0 : i32
      %add3A_468 = arith.addi %add3A_467, %mul3A_466 : i32
      %add3A_469 = arith.constant 0 : i32
      %add3A_470 = arith.addi %add3A_469, %add3A_468 : i32
      %dma_start3A_471 = arith.constant 0 : i32
      %dma_start3A_472 = arith.constant 0 : i32
      %dma_start3A_473 = tpu.memref_slice %arg6[%add3A_468, %dma_start3A_471, %dma_start3A_472] : memref<32x26x64xf32, #tpu.memory_space<vmem>> -> memref<1x26x64xf32, #tpu.memory_space<vmem>>
      %dma_start3A_474 = tpu.memref_squeeze %dma_start3A_473 : memref<1x26x64xf32, #tpu.memory_space<vmem>> -> memref<26x64xf32, #tpu.memory_space<vmem>>
      %dma_start3A_475 = arith.constant 0 : i32
      %dma_start3A_476 = tpu.memref_slice %arg5[%add3A_470, %dma_start3A_475] : memref<512x26xi32, #tpu.memory_space<vmem>> -> memref<1x26xi32, #tpu.memory_space<vmem>>
      %dma_start3A_477 = tpu.memref_squeeze %dma_start3A_476 : memref<1x26xi32, #tpu.memory_space<vmem>> -> memref<26xi32, #tpu.memory_space<vmem>>
      %dma_start3A_478 = arith.constant 0 : i32
      %dma_start3A_479 = arith.constant 0 : i32
      %dma_start3A_480 = tpu.memref_slice %arg3[%dma_start3A_478, %dma_start3A_479] : memref<2000000x64xf32, #tpu.memory_space<hbm>> -> memref<2000000x64xf32, #tpu.memory_space<hbm>>
      tpu.enqueue_indirect_dma source(%dma_start3A_480 : memref<2000000x64xf32, #tpu.memory_space<hbm>>) target(%dma_start3A_474 : memref<26x64xf32, #tpu.memory_space<vmem>>) offsets(%dma_start3A_477 : memref<26xi32, #tpu.memory_space<vmem>>) semaphore(%arg8 : memref<!tpu.dma_semaphore, #tpu.memory_space<semaphore_mem>>)
    }
    %scan3A_6 = arith.constant 32 : i32
    %scan3A_7 = arith.constant 0 : i32
    %scan3A_8 = arith.constant 32 : i32
    %scan3A_9 = arith.addi %scan3A_7, %scan3A_8 : i32
    %scan3A_10 = arith.constant 1 : i32
    scf.for %scan3A_464 = %scan3A_7 to %scan3A_9 step %scan3A_10  : i32 {
      %mul3A_465 = arith.constant 1 : i32
      %mul3A_466 = arith.muli %scan3A_464, %mul3A_465 : i32
      %add3A_467 = arith.constant 0 : i32
      %add3A_468 = arith.addi %add3A_467, %mul3A_466 : i32
      %add3A_469 = arith.constant 32 : i32
      %add3A_470 = arith.addi %add3A_469, %add3A_468 : i32
      %dma_start3A_471 = arith.constant 0 : i32
      %dma_start3A_472 = arith.constant 0 : i32
      %dma_start3A_473 = tpu.memref_slice %arg7[%add3A_468, %dma_start3A_471, %dma_start3A_472] : memref<32x26x64xf32, #tpu.memory_space<vmem>> -> memref<1x26x64xf32, #tpu.memory_space<vmem>>
      %dma_start3A_474 = tpu.memref_squeeze %dma_start3A_473 : memref<1x26x64xf32, #tpu.memory_space<vmem>> -> memref<26x64xf32, #tpu.memory_space<vmem>>
      %dma_start3A_475 = arith.constant 0 : i32
      %dma_start3A_476 = tpu.memref_slice %arg5[%add3A_470, %dma_start3A_475] : memref<512x26xi32, #tpu.memory_space<vmem>> -> memref<1x26xi32, #tpu.memory_space<vmem>>
      %dma_start3A_477 = tpu.memref_squeeze %dma_start3A_476 : memref<1x26xi32, #tpu.memory_space<vmem>> -> memref<26xi32, #tpu.memory_space<vmem>>
      %dma_start3A_478 = arith.constant 0 : i32
      %dma_start3A_479 = arith.constant 0 : i32
      %dma_start3A_480 = tpu.memref_slice %arg3[%dma_start3A_478, %dma_start3A_479] : memref<2000000x64xf32, #tpu.memory_space<hbm>> -> memref<2000000x64xf32, #tpu.memory_space<hbm>>
      tpu.enqueue_indirect_dma source(%dma_start3A_480 : memref<2000000x64xf32, #tpu.memory_space<hbm>>) target(%dma_start3A_474 : memref<26x64xf32, #tpu.memory_space<vmem>>) offsets(%dma_start3A_477 : memref<26xi32, #tpu.memory_space<vmem>>) semaphore(%arg9 : memref<!tpu.dma_semaphore, #tpu.memory_space<semaphore_mem>>)
    }
    %scan3A_11 = arith.constant 32 : i32
    %dma_wait3A = arith.constant 0 : i32
    %dma_wait3A_12 = arith.constant 0 : i32
    %dma_wait3A_13 = arith.constant 0 : i32
    %dma_wait3A_14 = tpu.memref_slice %arg4[%dma_wait3A, %dma_wait3A_12, %dma_wait3A_13] : memref<16384x32x128xf32, #tpu.memory_space<hbm>> -> memref<32x26x64xf32, #tpu.memory_space<hbm>>
    %dma_wait3A_15 = arith.constant 0 : i32
    %dma_wait3A_16 = arith.constant 0 : i32
    %dma_wait3A_17 = arith.constant 0 : i32
    %dma_wait3A_18 = tpu.memref_slice %arg4[%dma_wait3A_15, %dma_wait3A_16, %dma_wait3A_17] : memref<16384x32x128xf32, #tpu.memory_space<hbm>> -> memref<32x26x64xf32, #tpu.memory_space<hbm>>
    tpu.wait_dma2 semaphore(%arg8 : memref<!tpu.dma_semaphore, #tpu.memory_space<semaphore_mem>>) src(%dma_wait3A_18 : memref<32x26x64xf32, #tpu.memory_space<hbm>>) dst(%arg6 : memref<32x26x64xf32, #tpu.memory_space<vmem>>)
    %add3A_19 = arith.constant 0 : i32
    %add3A_20 = arith.addi %mul3A_2, %add3A_19 : i32
    %dma_start3A = arith.constant 0 : i32
    %dma_start3A_21 = arith.constant 0 : i32
    %dma_start3A_22 = tpu.memref_slice %arg4[%add3A_20, %dma_start3A, %dma_start3A_21] : memref<16384x32x128xf32, #tpu.memory_space<hbm>> -> memref<32x26x64xf32, #tpu.memory_space<hbm>>
    %dma_start3A_23 = arith.constant 0 : i32
    %dma_start3A_24 = arith.constant 0 : i32
    %dma_start3A_25 = tpu.memref_slice %arg4[%add3A_20, %dma_start3A_23, %dma_start3A_24] : memref<16384x32x128xf32, #tpu.memory_space<hbm>> -> memref<32x26x64xf32, #tpu.memory_space<hbm>>
    tpu.enqueue_dma source(%arg6 : memref<32x26x64xf32, #tpu.memory_space<vmem>>) target(%dma_start3A_25 : memref<32x26x64xf32, #tpu.memory_space<hbm>>) target_semaphore(%arg10 : memref<!tpu.dma_semaphore, #tpu.memory_space<semaphore_mem>>)
    %add3A_26 = arith.constant 0 : i32
    %add3A_27 = arith.addi %mul3A_2, %add3A_26 : i32
    %dma_wait3A_28 = arith.constant 0 : i32
    %dma_wait3A_29 = arith.constant 0 : i32
    %dma_wait3A_30 = tpu.memref_slice %arg4[%add3A_27, %dma_wait3A_28, %dma_wait3A_29] : memref<16384x32x128xf32, #tpu.memory_space<hbm>> -> memref<32x26x64xf32, #tpu.memory_space<hbm>>
    %dma_wait3A_31 = arith.constant 0 : i32
    %dma_wait3A_32 = arith.constant 0 : i32
    %dma_wait3A_33 = tpu.memref_slice %arg4[%add3A_27, %dma_wait3A_31, %dma_wait3A_32] : memref<16384x32x128xf32, #tpu.memory_space<hbm>> -> memref<32x26x64xf32, #tpu.memory_space<hbm>>
    tpu.wait_dma2 semaphore(%arg10 : memref<!tpu.dma_semaphore, #tpu.memory_space<semaphore_mem>>) src(%arg6 : memref<32x26x64xf32, #tpu.memory_space<vmem>>) dst(%dma_wait3A_33 : memref<32x26x64xf32, #tpu.memory_space<hbm>>)
    %scan3A_34 = arith.constant 0 : i32
    %scan3A_35 = arith.constant 32 : i32
    %scan3A_36 = arith.addi %scan3A_34, %scan3A_35 : i32
    %scan3A_37 = arith.constant 1 : i32
    scf.for %scan3A_464 = %scan3A_34 to %scan3A_36 step %scan3A_37  : i32 {
      %mul3A_465 = arith.constant 1 : i32
      %mul3A_466 = arith.muli %scan3A_464, %mul3A_465 : i32
      %add3A_467 = arith.constant 0 : i32
      %add3A_468 = arith.addi %add3A_467, %mul3A_466 : i32
      %add3A_469 = arith.constant 64 : i32
      %add3A_470 = arith.addi %add3A_469, %add3A_468 : i32
      %dma_start3A_471 = arith.constant 0 : i32
      %dma_start3A_472 = arith.constant 0 : i32
      %dma_start3A_473 = tpu.memref_slice %arg6[%add3A_468, %dma_start3A_471, %dma_start3A_472] : memref<32x26x64xf32, #tpu.memory_space<vmem>> -> memref<1x26x64xf32, #tpu.memory_space<vmem>>
      %dma_start3A_474 = tpu.memref_squeeze %dma_start3A_473 : memref<1x26x64xf32, #tpu.memory_space<vmem>> -> memref<26x64xf32, #tpu.memory_space<vmem>>
      %dma_start3A_475 = arith.constant 0 : i32
      %dma_start3A_476 = tpu.memref_slice %arg5[%add3A_470, %dma_start3A_475] : memref<512x26xi32, #tpu.memory_space<vmem>> -> memref<1x26xi32, #tpu.memory_space<vmem>>
      %dma_start3A_477 = tpu.memref_squeeze %dma_start3A_476 : memref<1x26xi32, #tpu.memory_space<vmem>> -> memref<26xi32, #tpu.memory_space<vmem>>
      %dma_start3A_478 = arith.constant 0 : i32
      %dma_start3A_479 = arith.constant 0 : i32
      %dma_start3A_480 = tpu.memref_slice %arg3[%dma_start3A_478, %dma_start3A_479] : memref<2000000x64xf32, #tpu.memory_space<hbm>> -> memref<2000000x64xf32, #tpu.memory_space<hbm>>
      tpu.enqueue_indirect_dma source(%dma_start3A_480 : memref<2000000x64xf32, #tpu.memory_space<hbm>>) target(%dma_start3A_474 : memref<26x64xf32, #tpu.memory_space<vmem>>) offsets(%dma_start3A_477 : memref<26xi32, #tpu.memory_space<vmem>>) semaphore(%arg8 : memref<!tpu.dma_semaphore, #tpu.memory_space<semaphore_mem>>)
    }
    %scan3A_38 = arith.constant 32 : i32
    %dma_wait3A_39 = arith.constant 0 : i32
    %dma_wait3A_40 = arith.constant 0 : i32
    %dma_wait3A_41 = arith.constant 0 : i32
    %dma_wait3A_42 = tpu.memref_slice %arg4[%dma_wait3A_39, %dma_wait3A_40, %dma_wait3A_41] : memref<16384x32x128xf32, #tpu.memory_space<hbm>> -> memref<32x26x64xf32, #tpu.memory_space<hbm>>
    %dma_wait3A_43 = arith.constant 0 : i32
    %dma_wait3A_44 = arith.constant 0 : i32
    %dma_wait3A_45 = arith.constant 0 : i32
    %dma_wait3A_46 = tpu.memref_slice %arg4[%dma_wait3A_43, %dma_wait3A_44, %dma_wait3A_45] : memref<16384x32x128xf32, #tpu.memory_space<hbm>> -> memref<32x26x64xf32, #tpu.memory_space<hbm>>
    tpu.wait_dma2 semaphore(%arg9 : memref<!tpu.dma_semaphore, #tpu.memory_space<semaphore_mem>>) src(%dma_wait3A_46 : memref<32x26x64xf32, #tpu.memory_space<hbm>>) dst(%arg7 : memref<32x26x64xf32, #tpu.memory_space<vmem>>)
    %add3A_47 = arith.constant 32 : i32
    %add3A_48 = arith.addi %mul3A_2, %add3A_47 : i32
    %dma_start3A_49 = arith.constant 0 : i32
    %dma_start3A_50 = arith.constant 0 : i32
    %dma_start3A_51 = tpu.memref_slice %arg4[%add3A_48, %dma_start3A_49, %dma_start3A_50] : memref<16384x32x128xf32, #tpu.memory_space<hbm>> -> memref<32x26x64xf32, #tpu.memory_space<hbm>>
    %dma_start3A_52 = arith.constant 0 : i32
    %dma_start3A_53 = arith.constant 0 : i32
    %dma_start3A_54 = tpu.memref_slice %arg4[%add3A_48, %dma_start3A_52, %dma_start3A_53] : memref<16384x32x128xf32, #tpu.memory_space<hbm>> -> memref<32x26x64xf32, #tpu.memory_space<hbm>>
    tpu.enqueue_dma source(%arg7 : memref<32x26x64xf32, #tpu.memory_space<vmem>>) target(%dma_start3A_54 : memref<32x26x64xf32, #tpu.memory_space<hbm>>) target_semaphore(%arg11 : memref<!tpu.dma_semaphore, #tpu.memory_space<semaphore_mem>>)
    %add3A_55 = arith.constant 32 : i32
    %add3A_56 = arith.addi %mul3A_2, %add3A_55 : i32
    %dma_wait3A_57 = arith.constant 0 : i32
    %dma_wait3A_58 = arith.constant 0 : i32
    %dma_wait3A_59 = tpu.memref_slice %arg4[%add3A_56, %dma_wait3A_57, %dma_wait3A_58] : memref<16384x32x128xf32, #tpu.memory_space<hbm>> -> memref<32x26x64xf32, #tpu.memory_space<hbm>>
    %dma_wait3A_60 = arith.constant 0 : i32
    %dma_wait3A_61 = arith.constant 0 : i32
    %dma_wait3A_62 = tpu.memref_slice %arg4[%add3A_56, %dma_wait3A_60, %dma_wait3A_61] : memref<16384x32x128xf32, #tpu.memory_space<hbm>> -> memref<32x26x64xf32, #tpu.memory_space<hbm>>
    tpu.wait_dma2 semaphore(%arg11 : memref<!tpu.dma_semaphore, #tpu.memory_space<semaphore_mem>>) src(%arg7 : memref<32x26x64xf32, #tpu.memory_space<vmem>>) dst(%dma_wait3A_62 : memref<32x26x64xf32, #tpu.memory_space<hbm>>)
    %scan3A_63 = arith.constant 0 : i32
    %scan3A_64 = arith.constant 32 : i32
    %scan3A_65 = arith.addi %scan3A_63, %scan3A_64 : i32
    %scan3A_66 = arith.constant 1 : i32
    scf.for %scan3A_464 = %scan3A_63 to %scan3A_65 step %scan3A_66  : i32 {
      %mul3A_465 = arith.constant 1 : i32
      %mul3A_466 = arith.muli %scan3A_464, %mul3A_465 : i32
      %add3A_467 = arith.constant 0 : i32
      %add3A_468 = arith.addi %add3A_467, %mul3A_466 : i32
      %add3A_469 = arith.constant 96 : i32
      %add3A_470 = arith.addi %add3A_469, %add3A_468 : i32
      %dma_start3A_471 = arith.constant 0 : i32
      %dma_start3A_472 = arith.constant 0 : i32
      %dma_start3A_473 = tpu.memref_slice %arg7[%add3A_468, %dma_start3A_471, %dma_start3A_472] : memref<32x26x64xf32, #tpu.memory_space<vmem>> -> memref<1x26x64xf32, #tpu.memory_space<vmem>>
      %dma_start3A_474 = tpu.memref_squeeze %dma_start3A_473 : memref<1x26x64xf32, #tpu.memory_space<vmem>> -> memref<26x64xf32, #tpu.memory_space<vmem>>
      %dma_start3A_475 = arith.constant 0 : i32
      %dma_start3A_476 = tpu.memref_slice %arg5[%add3A_470, %dma_start3A_475] : memref<512x26xi32, #tpu.memory_space<vmem>> -> memref<1x26xi32, #tpu.memory_space<vmem>>
      %dma_start3A_477 = tpu.memref_squeeze %dma_start3A_476 : memref<1x26xi32, #tpu.memory_space<vmem>> -> memref<26xi32, #tpu.memory_space<vmem>>
      %dma_start3A_478 = arith.constant 0 : i32
      %dma_start3A_479 = arith.constant 0 : i32
      %dma_start3A_480 = tpu.memref_slice %arg3[%dma_start3A_478, %dma_start3A_479] : memref<2000000x64xf32, #tpu.memory_space<hbm>> -> memref<2000000x64xf32, #tpu.memory_space<hbm>>
      tpu.enqueue_indirect_dma source(%dma_start3A_480 : memref<2000000x64xf32, #tpu.memory_space<hbm>>) target(%dma_start3A_474 : memref<26x64xf32, #tpu.memory_space<vmem>>) offsets(%dma_start3A_477 : memref<26xi32, #tpu.memory_space<vmem>>) semaphore(%arg9 : memref<!tpu.dma_semaphore, #tpu.memory_space<semaphore_mem>>)
    }
    %scan3A_67 = arith.constant 32 : i32
    %dma_wait3A_68 = arith.constant 0 : i32
    %dma_wait3A_69 = arith.constant 0 : i32
    %dma_wait3A_70 = arith.constant 0 : i32
    %dma_wait3A_71 = tpu.memref_slice %arg4[%dma_wait3A_68, %dma_wait3A_69, %dma_wait3A_70] : memref<16384x32x128xf32, #tpu.memory_space<hbm>> -> memref<32x26x64xf32, #tpu.memory_space<hbm>>
    %dma_wait3A_72 = arith.constant 0 : i32
    %dma_wait3A_73 = arith.constant 0 : i32
    %dma_wait3A_74 = arith.constant 0 : i32
    %dma_wait3A_75 = tpu.memref_slice %arg4[%dma_wait3A_72, %dma_wait3A_73, %dma_wait3A_74] : memref<16384x32x128xf32, #tpu.memory_space<hbm>> -> memref<32x26x64xf32, #tpu.memory_space<hbm>>
    tpu.wait_dma2 semaphore(%arg8 : memref<!tpu.dma_semaphore, #tpu.memory_space<semaphore_mem>>) src(%dma_wait3A_75 : memref<32x26x64xf32, #tpu.memory_space<hbm>>) dst(%arg6 : memref<32x26x64xf32, #tpu.memory_space<vmem>>)
    %add3A_76 = arith.constant 64 : i32
    %add3A_77 = arith.addi %mul3A_2, %add3A_76 : i32
    %dma_start3A_78 = arith.constant 0 : i32
    %dma_start3A_79 = arith.constant 0 : i32
    %dma_start3A_80 = tpu.memref_slice %arg4[%add3A_77, %dma_start3A_78, %dma_start3A_79] : memref<16384x32x128xf32, #tpu.memory_space<hbm>> -> memref<32x26x64xf32, #tpu.memory_space<hbm>>
    %dma_start3A_81 = arith.constant 0 : i32
    %dma_start3A_82 = arith.constant 0 : i32
    %dma_start3A_83 = tpu.memref_slice %arg4[%add3A_77, %dma_start3A_81, %dma_start3A_82] : memref<16384x32x128xf32, #tpu.memory_space<hbm>> -> memref<32x26x64xf32, #tpu.memory_space<hbm>>
    tpu.enqueue_dma source(%arg6 : memref<32x26x64xf32, #tpu.memory_space<vmem>>) target(%dma_start3A_83 : memref<32x26x64xf32, #tpu.memory_space<hbm>>) target_semaphore(%arg10 : memref<!tpu.dma_semaphore, #tpu.memory_space<semaphore_mem>>)
    %add3A_84 = arith.constant 64 : i32
    %add3A_85 = arith.addi %mul3A_2, %add3A_84 : i32
    %dma_wait3A_86 = arith.constant 0 : i32
    %dma_wait3A_87 = arith.constant 0 : i32
    %dma_wait3A_88 = tpu.memref_slice %arg4[%add3A_85, %dma_wait3A_86, %dma_wait3A_87] : memref<16384x32x128xf32, #tpu.memory_space<hbm>> -> memref<32x26x64xf32, #tpu.memory_space<hbm>>
    %dma_wait3A_89 = arith.constant 0 : i32
    %dma_wait3A_90 = arith.constant 0 : i32
    %dma_wait3A_91 = tpu.memref_slice %arg4[%add3A_85, %dma_wait3A_89, %dma_wait3A_90] : memref<16384x32x128xf32, #tpu.memory_space<hbm>> -> memref<32x26x64xf32, #tpu.memory_space<hbm>>
    tpu.wait_dma2 semaphore(%arg10 : memref<!tpu.dma_semaphore, #tpu.memory_space<semaphore_mem>>) src(%arg6 : memref<32x26x64xf32, #tpu.memory_space<vmem>>) dst(%dma_wait3A_91 : memref<32x26x64xf32, #tpu.memory_space<hbm>>)
    %scan3A_92 = arith.constant 0 : i32
    %scan3A_93 = arith.constant 32 : i32
    %scan3A_94 = arith.addi %scan3A_92, %scan3A_93 : i32
    %scan3A_95 = arith.constant 1 : i32
    scf.for %scan3A_464 = %scan3A_92 to %scan3A_94 step %scan3A_95  : i32 {
      %mul3A_465 = arith.constant 1 : i32
      %mul3A_466 = arith.muli %scan3A_464, %mul3A_465 : i32
      %add3A_467 = arith.constant 0 : i32
      %add3A_468 = arith.addi %add3A_467, %mul3A_466 : i32
      %add3A_469 = arith.constant 128 : i32
      %add3A_470 = arith.addi %add3A_469, %add3A_468 : i32
      %dma_start3A_471 = arith.constant 0 : i32
      %dma_start3A_472 = arith.constant 0 : i32
      %dma_start3A_473 = tpu.memref_slice %arg6[%add3A_468, %dma_start3A_471, %dma_start3A_472] : memref<32x26x64xf32, #tpu.memory_space<vmem>> -> memref<1x26x64xf32, #tpu.memory_space<vmem>>
      %dma_start3A_474 = tpu.memref_squeeze %dma_start3A_473 : memref<1x26x64xf32, #tpu.memory_space<vmem>> -> memref<26x64xf32, #tpu.memory_space<vmem>>
      %dma_start3A_475 = arith.constant 0 : i32
      %dma_start3A_476 = tpu.memref_slice %arg5[%add3A_470, %dma_start3A_475] : memref<512x26xi32, #tpu.memory_space<vmem>> -> memref<1x26xi32, #tpu.memory_space<vmem>>
      %dma_start3A_477 = tpu.memref_squeeze %dma_start3A_476 : memref<1x26xi32, #tpu.memory_space<vmem>> -> memref<26xi32, #tpu.memory_space<vmem>>
      %dma_start3A_478 = arith.constant 0 : i32
      %dma_start3A_479 = arith.constant 0 : i32
      %dma_start3A_480 = tpu.memref_slice %arg3[%dma_start3A_478, %dma_start3A_479] : memref<2000000x64xf32, #tpu.memory_space<hbm>> -> memref<2000000x64xf32, #tpu.memory_space<hbm>>
      tpu.enqueue_indirect_dma source(%dma_start3A_480 : memref<2000000x64xf32, #tpu.memory_space<hbm>>) target(%dma_start3A_474 : memref<26x64xf32, #tpu.memory_space<vmem>>) offsets(%dma_start3A_477 : memref<26xi32, #tpu.memory_space<vmem>>) semaphore(%arg8 : memref<!tpu.dma_semaphore, #tpu.memory_space<semaphore_mem>>)
    }
    %scan3A_96 = arith.constant 32 : i32
    %dma_wait3A_97 = arith.constant 0 : i32
    %dma_wait3A_98 = arith.constant 0 : i32
    %dma_wait3A_99 = arith.constant 0 : i32
    %dma_wait3A_100 = tpu.memref_slice %arg4[%dma_wait3A_97, %dma_wait3A_98, %dma_wait3A_99] : memref<16384x32x128xf32, #tpu.memory_space<hbm>> -> memref<32x26x64xf32, #tpu.memory_space<hbm>>
    %dma_wait3A_101 = arith.constant 0 : i32
    %dma_wait3A_102 = arith.constant 0 : i32
    %dma_wait3A_103 = arith.constant 0 : i32
    %dma_wait3A_104 = tpu.memref_slice %arg4[%dma_wait3A_101, %dma_wait3A_102, %dma_wait3A_103] : memref<16384x32x128xf32, #tpu.memory_space<hbm>> -> memref<32x26x64xf32, #tpu.memory_space<hbm>>
    tpu.wait_dma2 semaphore(%arg9 : memref<!tpu.dma_semaphore, #tpu.memory_space<semaphore_mem>>) src(%dma_wait3A_104 : memref<32x26x64xf32, #tpu.memory_space<hbm>>) dst(%arg7 : memref<32x26x64xf32, #tpu.memory_space<vmem>>)
    %add3A_105 = arith.constant 96 : i32
    %add3A_106 = arith.addi %mul3A_2, %add3A_105 : i32
    %dma_start3A_107 = arith.constant 0 : i32
    %dma_start3A_108 = arith.constant 0 : i32
    %dma_start3A_109 = tpu.memref_slice %arg4[%add3A_106, %dma_start3A_107, %dma_start3A_108] : memref<16384x32x128xf32, #tpu.memory_space<hbm>> -> memref<32x26x64xf32, #tpu.memory_space<hbm>>
    %dma_start3A_110 = arith.constant 0 : i32
    %dma_start3A_111 = arith.constant 0 : i32
    %dma_start3A_112 = tpu.memref_slice %arg4[%add3A_106, %dma_start3A_110, %dma_start3A_111] : memref<16384x32x128xf32, #tpu.memory_space<hbm>> -> memref<32x26x64xf32, #tpu.memory_space<hbm>>
    tpu.enqueue_dma source(%arg7 : memref<32x26x64xf32, #tpu.memory_space<vmem>>) target(%dma_start3A_112 : memref<32x26x64xf32, #tpu.memory_space<hbm>>) target_semaphore(%arg11 : memref<!tpu.dma_semaphore, #tpu.memory_space<semaphore_mem>>)
    %add3A_113 = arith.constant 96 : i32
    %add3A_114 = arith.addi %mul3A_2, %add3A_113 : i32
    %dma_wait3A_115 = arith.constant 0 : i32
    %dma_wait3A_116 = arith.constant 0 : i32
    %dma_wait3A_117 = tpu.memref_slice %arg4[%add3A_114, %dma_wait3A_115, %dma_wait3A_116] : memref<16384x32x128xf32, #tpu.memory_space<hbm>> -> memref<32x26x64xf32, #tpu.memory_space<hbm>>
    %dma_wait3A_118 = arith.constant 0 : i32
    %dma_wait3A_119 = arith.constant 0 : i32
    %dma_wait3A_120 = tpu.memref_slice %arg4[%add3A_114, %dma_wait3A_118, %dma_wait3A_119] : memref<16384x32x128xf32, #tpu.memory_space<hbm>> -> memref<32x26x64xf32, #tpu.memory_space<hbm>>
    tpu.wait_dma2 semaphore(%arg11 : memref<!tpu.dma_semaphore, #tpu.memory_space<semaphore_mem>>) src(%arg7 : memref<32x26x64xf32, #tpu.memory_space<vmem>>) dst(%dma_wait3A_120 : memref<32x26x64xf32, #tpu.memory_space<hbm>>)
    %scan3A_121 = arith.constant 0 : i32
    %scan3A_122 = arith.constant 32 : i32
    %scan3A_123 = arith.addi %scan3A_121, %scan3A_122 : i32
    %scan3A_124 = arith.constant 1 : i32
    scf.for %scan3A_464 = %scan3A_121 to %scan3A_123 step %scan3A_124  : i32 {
      %mul3A_465 = arith.constant 1 : i32
      %mul3A_466 = arith.muli %scan3A_464, %mul3A_465 : i32
      %add3A_467 = arith.constant 0 : i32
      %add3A_468 = arith.addi %add3A_467, %mul3A_466 : i32
      %add3A_469 = arith.constant 160 : i32
      %add3A_470 = arith.addi %add3A_469, %add3A_468 : i32
      %dma_start3A_471 = arith.constant 0 : i32
      %dma_start3A_472 = arith.constant 0 : i32
      %dma_start3A_473 = tpu.memref_slice %arg7[%add3A_468, %dma_start3A_471, %dma_start3A_472] : memref<32x26x64xf32, #tpu.memory_space<vmem>> -> memref<1x26x64xf32, #tpu.memory_space<vmem>>
      %dma_start3A_474 = tpu.memref_squeeze %dma_start3A_473 : memref<1x26x64xf32, #tpu.memory_space<vmem>> -> memref<26x64xf32, #tpu.memory_space<vmem>>
      %dma_start3A_475 = arith.constant 0 : i32
      %dma_start3A_476 = tpu.memref_slice %arg5[%add3A_470, %dma_start3A_475] : memref<512x26xi32, #tpu.memory_space<vmem>> -> memref<1x26xi32, #tpu.memory_space<vmem>>
      %dma_start3A_477 = tpu.memref_squeeze %dma_start3A_476 : memref<1x26xi32, #tpu.memory_space<vmem>> -> memref<26xi32, #tpu.memory_space<vmem>>
      %dma_start3A_478 = arith.constant 0 : i32
      %dma_start3A_479 = arith.constant 0 : i32
      %dma_start3A_480 = tpu.memref_slice %arg3[%dma_start3A_478, %dma_start3A_479] : memref<2000000x64xf32, #tpu.memory_space<hbm>> -> memref<2000000x64xf32, #tpu.memory_space<hbm>>
      tpu.enqueue_indirect_dma source(%dma_start3A_480 : memref<2000000x64xf32, #tpu.memory_space<hbm>>) target(%dma_start3A_474 : memref<26x64xf32, #tpu.memory_space<vmem>>) offsets(%dma_start3A_477 : memref<26xi32, #tpu.memory_space<vmem>>) semaphore(%arg9 : memref<!tpu.dma_semaphore, #tpu.memory_space<semaphore_mem>>)
    }
    %scan3A_125 = arith.constant 32 : i32
    %dma_wait3A_126 = arith.constant 0 : i32
    %dma_wait3A_127 = arith.constant 0 : i32
    %dma_wait3A_128 = arith.constant 0 : i32
    %dma_wait3A_129 = tpu.memref_slice %arg4[%dma_wait3A_126, %dma_wait3A_127, %dma_wait3A_128] : memref<16384x32x128xf32, #tpu.memory_space<hbm>> -> memref<32x26x64xf32, #tpu.memory_space<hbm>>
    %dma_wait3A_130 = arith.constant 0 : i32
    %dma_wait3A_131 = arith.constant 0 : i32
    %dma_wait3A_132 = arith.constant 0 : i32
    %dma_wait3A_133 = tpu.memref_slice %arg4[%dma_wait3A_130, %dma_wait3A_131, %dma_wait3A_132] : memref<16384x32x128xf32, #tpu.memory_space<hbm>> -> memref<32x26x64xf32, #tpu.memory_space<hbm>>
    tpu.wait_dma2 semaphore(%arg8 : memref<!tpu.dma_semaphore, #tpu.memory_space<semaphore_mem>>) src(%dma_wait3A_133 : memref<32x26x64xf32, #tpu.memory_space<hbm>>) dst(%arg6 : memref<32x26x64xf32, #tpu.memory_space<vmem>>)
    %add3A_134 = arith.constant 128 : i32
    %add3A_135 = arith.addi %mul3A_2, %add3A_134 : i32
    %dma_start3A_136 = arith.constant 0 : i32
    %dma_start3A_137 = arith.constant 0 : i32
    %dma_start3A_138 = tpu.memref_slice %arg4[%add3A_135, %dma_start3A_136, %dma_start3A_137] : memref<16384x32x128xf32, #tpu.memory_space<hbm>> -> memref<32x26x64xf32, #tpu.memory_space<hbm>>
    %dma_start3A_139 = arith.constant 0 : i32
    %dma_start3A_140 = arith.constant 0 : i32
    %dma_start3A_141 = tpu.memref_slice %arg4[%add3A_135, %dma_start3A_139, %dma_start3A_140] : memref<16384x32x128xf32, #tpu.memory_space<hbm>> -> memref<32x26x64xf32, #tpu.memory_space<hbm>>
    tpu.enqueue_dma source(%arg6 : memref<32x26x64xf32, #tpu.memory_space<vmem>>) target(%dma_start3A_141 : memref<32x26x64xf32, #tpu.memory_space<hbm>>) target_semaphore(%arg10 : memref<!tpu.dma_semaphore, #tpu.memory_space<semaphore_mem>>)
    %add3A_142 = arith.constant 128 : i32
    %add3A_143 = arith.addi %mul3A_2, %add3A_142 : i32
    %dma_wait3A_144 = arith.constant 0 : i32
    %dma_wait3A_145 = arith.constant 0 : i32
    %dma_wait3A_146 = tpu.memref_slice %arg4[%add3A_143, %dma_wait3A_144, %dma_wait3A_145] : memref<16384x32x128xf32, #tpu.memory_space<hbm>> -> memref<32x26x64xf32, #tpu.memory_space<hbm>>
    %dma_wait3A_147 = arith.constant 0 : i32
    %dma_wait3A_148 = arith.constant 0 : i32
    %dma_wait3A_149 = tpu.memref_slice %arg4[%add3A_143, %dma_wait3A_147, %dma_wait3A_148] : memref<16384x32x128xf32, #tpu.memory_space<hbm>> -> memref<32x26x64xf32, #tpu.memory_space<hbm>>
    tpu.wait_dma2 semaphore(%arg10 : memref<!tpu.dma_semaphore, #tpu.memory_space<semaphore_mem>>) src(%arg6 : memref<32x26x64xf32, #tpu.memory_space<vmem>>) dst(%dma_wait3A_149 : memref<32x26x64xf32, #tpu.memory_space<hbm>>)
    %scan3A_150 = arith.constant 0 : i32
    %scan3A_151 = arith.constant 32 : i32
    %scan3A_152 = arith.addi %scan3A_150, %scan3A_151 : i32
    %scan3A_153 = arith.constant 1 : i32
    scf.for %scan3A_464 = %scan3A_150 to %scan3A_152 step %scan3A_153  : i32 {
      %mul3A_465 = arith.constant 1 : i32
      %mul3A_466 = arith.muli %scan3A_464, %mul3A_465 : i32
      %add3A_467 = arith.constant 0 : i32
      %add3A_468 = arith.addi %add3A_467, %mul3A_466 : i32
      %add3A_469 = arith.constant 192 : i32
      %add3A_470 = arith.addi %add3A_469, %add3A_468 : i32
      %dma_start3A_471 = arith.constant 0 : i32
      %dma_start3A_472 = arith.constant 0 : i32
      %dma_start3A_473 = tpu.memref_slice %arg6[%add3A_468, %dma_start3A_471, %dma_start3A_472] : memref<32x26x64xf32, #tpu.memory_space<vmem>> -> memref<1x26x64xf32, #tpu.memory_space<vmem>>
      %dma_start3A_474 = tpu.memref_squeeze %dma_start3A_473 : memref<1x26x64xf32, #tpu.memory_space<vmem>> -> memref<26x64xf32, #tpu.memory_space<vmem>>
      %dma_start3A_475 = arith.constant 0 : i32
      %dma_start3A_476 = tpu.memref_slice %arg5[%add3A_470, %dma_start3A_475] : memref<512x26xi32, #tpu.memory_space<vmem>> -> memref<1x26xi32, #tpu.memory_space<vmem>>
      %dma_start3A_477 = tpu.memref_squeeze %dma_start3A_476 : memref<1x26xi32, #tpu.memory_space<vmem>> -> memref<26xi32, #tpu.memory_space<vmem>>
      %dma_start3A_478 = arith.constant 0 : i32
      %dma_start3A_479 = arith.constant 0 : i32
      %dma_start3A_480 = tpu.memref_slice %arg3[%dma_start3A_478, %dma_start3A_479] : memref<2000000x64xf32, #tpu.memory_space<hbm>> -> memref<2000000x64xf32, #tpu.memory_space<hbm>>
      tpu.enqueue_indirect_dma source(%dma_start3A_480 : memref<2000000x64xf32, #tpu.memory_space<hbm>>) target(%dma_start3A_474 : memref<26x64xf32, #tpu.memory_space<vmem>>) offsets(%dma_start3A_477 : memref<26xi32, #tpu.memory_space<vmem>>) semaphore(%arg8 : memref<!tpu.dma_semaphore, #tpu.memory_space<semaphore_mem>>)
    }
    %scan3A_154 = arith.constant 32 : i32
    %dma_wait3A_155 = arith.constant 0 : i32
    %dma_wait3A_156 = arith.constant 0 : i32
    %dma_wait3A_157 = arith.constant 0 : i32
    %dma_wait3A_158 = tpu.memref_slice %arg4[%dma_wait3A_155, %dma_wait3A_156, %dma_wait3A_157] : memref<16384x32x128xf32, #tpu.memory_space<hbm>> -> memref<32x26x64xf32, #tpu.memory_space<hbm>>
    %dma_wait3A_159 = arith.constant 0 : i32
    %dma_wait3A_160 = arith.constant 0 : i32
    %dma_wait3A_161 = arith.constant 0 : i32
    %dma_wait3A_162 = tpu.memref_slice %arg4[%dma_wait3A_159, %dma_wait3A_160, %dma_wait3A_161] : memref<16384x32x128xf32, #tpu.memory_space<hbm>> -> memref<32x26x64xf32, #tpu.memory_space<hbm>>
    tpu.wait_dma2 semaphore(%arg9 : memref<!tpu.dma_semaphore, #tpu.memory_space<semaphore_mem>>) src(%dma_wait3A_162 : memref<32x26x64xf32, #tpu.memory_space<hbm>>) dst(%arg7 : memref<32x26x64xf32, #tpu.memory_space<vmem>>)
    %add3A_163 = arith.constant 160 : i32
    %add3A_164 = arith.addi %mul3A_2, %add3A_163 : i32
    %dma_start3A_165 = arith.constant 0 : i32
    %dma_start3A_166 = arith.constant 0 : i32
    %dma_start3A_167 = tpu.memref_slice %arg4[%add3A_164, %dma_start3A_165, %dma_start3A_166] : memref<16384x32x128xf32, #tpu.memory_space<hbm>> -> memref<32x26x64xf32, #tpu.memory_space<hbm>>
    %dma_start3A_168 = arith.constant 0 : i32
    %dma_start3A_169 = arith.constant 0 : i32
    %dma_start3A_170 = tpu.memref_slice %arg4[%add3A_164, %dma_start3A_168, %dma_start3A_169] : memref<16384x32x128xf32, #tpu.memory_space<hbm>> -> memref<32x26x64xf32, #tpu.memory_space<hbm>>
    tpu.enqueue_dma source(%arg7 : memref<32x26x64xf32, #tpu.memory_space<vmem>>) target(%dma_start3A_170 : memref<32x26x64xf32, #tpu.memory_space<hbm>>) target_semaphore(%arg11 : memref<!tpu.dma_semaphore, #tpu.memory_space<semaphore_mem>>)
    %add3A_171 = arith.constant 160 : i32
    %add3A_172 = arith.addi %mul3A_2, %add3A_171 : i32
    %dma_wait3A_173 = arith.constant 0 : i32
    %dma_wait3A_174 = arith.constant 0 : i32
    %dma_wait3A_175 = tpu.memref_slice %arg4[%add3A_172, %dma_wait3A_173, %dma_wait3A_174] : memref<16384x32x128xf32, #tpu.memory_space<hbm>> -> memref<32x26x64xf32, #tpu.memory_space<hbm>>
    %dma_wait3A_176 = arith.constant 0 : i32
    %dma_wait3A_177 = arith.constant 0 : i32
    %dma_wait3A_178 = tpu.memref_slice %arg4[%add3A_172, %dma_wait3A_176, %dma_wait3A_177] : memref<16384x32x128xf32, #tpu.memory_space<hbm>> -> memref<32x26x64xf32, #tpu.memory_space<hbm>>
    tpu.wait_dma2 semaphore(%arg11 : memref<!tpu.dma_semaphore, #tpu.memory_space<semaphore_mem>>) src(%arg7 : memref<32x26x64xf32, #tpu.memory_space<vmem>>) dst(%dma_wait3A_178 : memref<32x26x64xf32, #tpu.memory_space<hbm>>)
    %scan3A_179 = arith.constant 0 : i32
    %scan3A_180 = arith.constant 32 : i32
    %scan3A_181 = arith.addi %scan3A_179, %scan3A_180 : i32
    %scan3A_182 = arith.constant 1 : i32
    scf.for %scan3A_464 = %scan3A_179 to %scan3A_181 step %scan3A_182  : i32 {
      %mul3A_465 = arith.constant 1 : i32
      %mul3A_466 = arith.muli %scan3A_464, %mul3A_465 : i32
      %add3A_467 = arith.constant 0 : i32
      %add3A_468 = arith.addi %add3A_467, %mul3A_466 : i32
      %add3A_469 = arith.constant 224 : i32
      %add3A_470 = arith.addi %add3A_469, %add3A_468 : i32
      %dma_start3A_471 = arith.constant 0 : i32
      %dma_start3A_472 = arith.constant 0 : i32
      %dma_start3A_473 = tpu.memref_slice %arg7[%add3A_468, %dma_start3A_471, %dma_start3A_472] : memref<32x26x64xf32, #tpu.memory_space<vmem>> -> memref<1x26x64xf32, #tpu.memory_space<vmem>>
      %dma_start3A_474 = tpu.memref_squeeze %dma_start3A_473 : memref<1x26x64xf32, #tpu.memory_space<vmem>> -> memref<26x64xf32, #tpu.memory_space<vmem>>
      %dma_start3A_475 = arith.constant 0 : i32
      %dma_start3A_476 = tpu.memref_slice %arg5[%add3A_470, %dma_start3A_475] : memref<512x26xi32, #tpu.memory_space<vmem>> -> memref<1x26xi32, #tpu.memory_space<vmem>>
      %dma_start3A_477 = tpu.memref_squeeze %dma_start3A_476 : memref<1x26xi32, #tpu.memory_space<vmem>> -> memref<26xi32, #tpu.memory_space<vmem>>
      %dma_start3A_478 = arith.constant 0 : i32
      %dma_start3A_479 = arith.constant 0 : i32
      %dma_start3A_480 = tpu.memref_slice %arg3[%dma_start3A_478, %dma_start3A_479] : memref<2000000x64xf32, #tpu.memory_space<hbm>> -> memref<2000000x64xf32, #tpu.memory_space<hbm>>
      tpu.enqueue_indirect_dma source(%dma_start3A_480 : memref<2000000x64xf32, #tpu.memory_space<hbm>>) target(%dma_start3A_474 : memref<26x64xf32, #tpu.memory_space<vmem>>) offsets(%dma_start3A_477 : memref<26xi32, #tpu.memory_space<vmem>>) semaphore(%arg9 : memref<!tpu.dma_semaphore, #tpu.memory_space<semaphore_mem>>)
    }
    %scan3A_183 = arith.constant 32 : i32
    %dma_wait3A_184 = arith.constant 0 : i32
    %dma_wait3A_185 = arith.constant 0 : i32
    %dma_wait3A_186 = arith.constant 0 : i32
    %dma_wait3A_187 = tpu.memref_slice %arg4[%dma_wait3A_184, %dma_wait3A_185, %dma_wait3A_186] : memref<16384x32x128xf32, #tpu.memory_space<hbm>> -> memref<32x26x64xf32, #tpu.memory_space<hbm>>
    %dma_wait3A_188 = arith.constant 0 : i32
    %dma_wait3A_189 = arith.constant 0 : i32
    %dma_wait3A_190 = arith.constant 0 : i32
    %dma_wait3A_191 = tpu.memref_slice %arg4[%dma_wait3A_188, %dma_wait3A_189, %dma_wait3A_190] : memref<16384x32x128xf32, #tpu.memory_space<hbm>> -> memref<32x26x64xf32, #tpu.memory_space<hbm>>
    tpu.wait_dma2 semaphore(%arg8 : memref<!tpu.dma_semaphore, #tpu.memory_space<semaphore_mem>>) src(%dma_wait3A_191 : memref<32x26x64xf32, #tpu.memory_space<hbm>>) dst(%arg6 : memref<32x26x64xf32, #tpu.memory_space<vmem>>)
    %add3A_192 = arith.constant 192 : i32
    %add3A_193 = arith.addi %mul3A_2, %add3A_192 : i32
    %dma_start3A_194 = arith.constant 0 : i32
    %dma_start3A_195 = arith.constant 0 : i32
    %dma_start3A_196 = tpu.memref_slice %arg4[%add3A_193, %dma_start3A_194, %dma_start3A_195] : memref<16384x32x128xf32, #tpu.memory_space<hbm>> -> memref<32x26x64xf32, #tpu.memory_space<hbm>>
    %dma_start3A_197 = arith.constant 0 : i32
    %dma_start3A_198 = arith.constant 0 : i32
    %dma_start3A_199 = tpu.memref_slice %arg4[%add3A_193, %dma_start3A_197, %dma_start3A_198] : memref<16384x32x128xf32, #tpu.memory_space<hbm>> -> memref<32x26x64xf32, #tpu.memory_space<hbm>>
    tpu.enqueue_dma source(%arg6 : memref<32x26x64xf32, #tpu.memory_space<vmem>>) target(%dma_start3A_199 : memref<32x26x64xf32, #tpu.memory_space<hbm>>) target_semaphore(%arg10 : memref<!tpu.dma_semaphore, #tpu.memory_space<semaphore_mem>>)
    %add3A_200 = arith.constant 192 : i32
    %add3A_201 = arith.addi %mul3A_2, %add3A_200 : i32
    %dma_wait3A_202 = arith.constant 0 : i32
    %dma_wait3A_203 = arith.constant 0 : i32
    %dma_wait3A_204 = tpu.memref_slice %arg4[%add3A_201, %dma_wait3A_202, %dma_wait3A_203] : memref<16384x32x128xf32, #tpu.memory_space<hbm>> -> memref<32x26x64xf32, #tpu.memory_space<hbm>>
    %dma_wait3A_205 = arith.constant 0 : i32
    %dma_wait3A_206 = arith.constant 0 : i32
    %dma_wait3A_207 = tpu.memref_slice %arg4[%add3A_201, %dma_wait3A_205, %dma_wait3A_206] : memref<16384x32x128xf32, #tpu.memory_space<hbm>> -> memref<32x26x64xf32, #tpu.memory_space<hbm>>
    tpu.wait_dma2 semaphore(%arg10 : memref<!tpu.dma_semaphore, #tpu.memory_space<semaphore_mem>>) src(%arg6 : memref<32x26x64xf32, #tpu.memory_space<vmem>>) dst(%dma_wait3A_207 : memref<32x26x64xf32, #tpu.memory_space<hbm>>)
    %scan3A_208 = arith.constant 0 : i32
    %scan3A_209 = arith.constant 32 : i32
    %scan3A_210 = arith.addi %scan3A_208, %scan3A_209 : i32
    %scan3A_211 = arith.constant 1 : i32
    scf.for %scan3A_464 = %scan3A_208 to %scan3A_210 step %scan3A_211  : i32 {
      %mul3A_465 = arith.constant 1 : i32
      %mul3A_466 = arith.muli %scan3A_464, %mul3A_465 : i32
      %add3A_467 = arith.constant 0 : i32
      %add3A_468 = arith.addi %add3A_467, %mul3A_466 : i32
      %add3A_469 = arith.constant 256 : i32
      %add3A_470 = arith.addi %add3A_469, %add3A_468 : i32
      %dma_start3A_471 = arith.constant 0 : i32
      %dma_start3A_472 = arith.constant 0 : i32
      %dma_start3A_473 = tpu.memref_slice %arg6[%add3A_468, %dma_start3A_471, %dma_start3A_472] : memref<32x26x64xf32, #tpu.memory_space<vmem>> -> memref<1x26x64xf32, #tpu.memory_space<vmem>>
      %dma_start3A_474 = tpu.memref_squeeze %dma_start3A_473 : memref<1x26x64xf32, #tpu.memory_space<vmem>> -> memref<26x64xf32, #tpu.memory_space<vmem>>
      %dma_start3A_475 = arith.constant 0 : i32
      %dma_start3A_476 = tpu.memref_slice %arg5[%add3A_470, %dma_start3A_475] : memref<512x26xi32, #tpu.memory_space<vmem>> -> memref<1x26xi32, #tpu.memory_space<vmem>>
      %dma_start3A_477 = tpu.memref_squeeze %dma_start3A_476 : memref<1x26xi32, #tpu.memory_space<vmem>> -> memref<26xi32, #tpu.memory_space<vmem>>
      %dma_start3A_478 = arith.constant 0 : i32
      %dma_start3A_479 = arith.constant 0 : i32
      %dma_start3A_480 = tpu.memref_slice %arg3[%dma_start3A_478, %dma_start3A_479] : memref<2000000x64xf32, #tpu.memory_space<hbm>> -> memref<2000000x64xf32, #tpu.memory_space<hbm>>
      tpu.enqueue_indirect_dma source(%dma_start3A_480 : memref<2000000x64xf32, #tpu.memory_space<hbm>>) target(%dma_start3A_474 : memref<26x64xf32, #tpu.memory_space<vmem>>) offsets(%dma_start3A_477 : memref<26xi32, #tpu.memory_space<vmem>>) semaphore(%arg8 : memref<!tpu.dma_semaphore, #tpu.memory_space<semaphore_mem>>)
    }
    %scan3A_212 = arith.constant 32 : i32
    %dma_wait3A_213 = arith.constant 0 : i32
    %dma_wait3A_214 = arith.constant 0 : i32
    %dma_wait3A_215 = arith.constant 0 : i32
    %dma_wait3A_216 = tpu.memref_slice %arg4[%dma_wait3A_213, %dma_wait3A_214, %dma_wait3A_215] : memref<16384x32x128xf32, #tpu.memory_space<hbm>> -> memref<32x26x64xf32, #tpu.memory_space<hbm>>
    %dma_wait3A_217 = arith.constant 0 : i32
    %dma_wait3A_218 = arith.constant 0 : i32
    %dma_wait3A_219 = arith.constant 0 : i32
    %dma_wait3A_220 = tpu.memref_slice %arg4[%dma_wait3A_217, %dma_wait3A_218, %dma_wait3A_219] : memref<16384x32x128xf32, #tpu.memory_space<hbm>> -> memref<32x26x64xf32, #tpu.memory_space<hbm>>
    tpu.wait_dma2 semaphore(%arg9 : memref<!tpu.dma_semaphore, #tpu.memory_space<semaphore_mem>>) src(%dma_wait3A_220 : memref<32x26x64xf32, #tpu.memory_space<hbm>>) dst(%arg7 : memref<32x26x64xf32, #tpu.memory_space<vmem>>)
    %add3A_221 = arith.constant 224 : i32
    %add3A_222 = arith.addi %mul3A_2, %add3A_221 : i32
    %dma_start3A_223 = arith.constant 0 : i32
    %dma_start3A_224 = arith.constant 0 : i32
    %dma_start3A_225 = tpu.memref_slice %arg4[%add3A_222, %dma_start3A_223, %dma_start3A_224] : memref<16384x32x128xf32, #tpu.memory_space<hbm>> -> memref<32x26x64xf32, #tpu.memory_space<hbm>>
    %dma_start3A_226 = arith.constant 0 : i32
    %dma_start3A_227 = arith.constant 0 : i32
    %dma_start3A_228 = tpu.memref_slice %arg4[%add3A_222, %dma_start3A_226, %dma_start3A_227] : memref<16384x32x128xf32, #tpu.memory_space<hbm>> -> memref<32x26x64xf32, #tpu.memory_space<hbm>>
    tpu.enqueue_dma source(%arg7 : memref<32x26x64xf32, #tpu.memory_space<vmem>>) target(%dma_start3A_228 : memref<32x26x64xf32, #tpu.memory_space<hbm>>) target_semaphore(%arg11 : memref<!tpu.dma_semaphore, #tpu.memory_space<semaphore_mem>>)
    %add3A_229 = arith.constant 224 : i32
    %add3A_230 = arith.addi %mul3A_2, %add3A_229 : i32
    %dma_wait3A_231 = arith.constant 0 : i32
    %dma_wait3A_232 = arith.constant 0 : i32
    %dma_wait3A_233 = tpu.memref_slice %arg4[%add3A_230, %dma_wait3A_231, %dma_wait3A_232] : memref<16384x32x128xf32, #tpu.memory_space<hbm>> -> memref<32x26x64xf32, #tpu.memory_space<hbm>>
    %dma_wait3A_234 = arith.constant 0 : i32
    %dma_wait3A_235 = arith.constant 0 : i32
    %dma_wait3A_236 = tpu.memref_slice %arg4[%add3A_230, %dma_wait3A_234, %dma_wait3A_235] : memref<16384x32x128xf32, #tpu.memory_space<hbm>> -> memref<32x26x64xf32, #tpu.memory_space<hbm>>
    tpu.wait_dma2 semaphore(%arg11 : memref<!tpu.dma_semaphore, #tpu.memory_space<semaphore_mem>>) src(%arg7 : memref<32x26x64xf32, #tpu.memory_space<vmem>>) dst(%dma_wait3A_236 : memref<32x26x64xf32, #tpu.memory_space<hbm>>)
    %scan3A_237 = arith.constant 0 : i32
    %scan3A_238 = arith.constant 32 : i32
    %scan3A_239 = arith.addi %scan3A_237, %scan3A_238 : i32
    %scan3A_240 = arith.constant 1 : i32
    scf.for %scan3A_464 = %scan3A_237 to %scan3A_239 step %scan3A_240  : i32 {
      %mul3A_465 = arith.constant 1 : i32
      %mul3A_466 = arith.muli %scan3A_464, %mul3A_465 : i32
      %add3A_467 = arith.constant 0 : i32
      %add3A_468 = arith.addi %add3A_467, %mul3A_466 : i32
      %add3A_469 = arith.constant 288 : i32
      %add3A_470 = arith.addi %add3A_469, %add3A_468 : i32
      %dma_start3A_471 = arith.constant 0 : i32
      %dma_start3A_472 = arith.constant 0 : i32
      %dma_start3A_473 = tpu.memref_slice %arg7[%add3A_468, %dma_start3A_471, %dma_start3A_472] : memref<32x26x64xf32, #tpu.memory_space<vmem>> -> memref<1x26x64xf32, #tpu.memory_space<vmem>>
      %dma_start3A_474 = tpu.memref_squeeze %dma_start3A_473 : memref<1x26x64xf32, #tpu.memory_space<vmem>> -> memref<26x64xf32, #tpu.memory_space<vmem>>
      %dma_start3A_475 = arith.constant 0 : i32
      %dma_start3A_476 = tpu.memref_slice %arg5[%add3A_470, %dma_start3A_475] : memref<512x26xi32, #tpu.memory_space<vmem>> -> memref<1x26xi32, #tpu.memory_space<vmem>>
      %dma_start3A_477 = tpu.memref_squeeze %dma_start3A_476 : memref<1x26xi32, #tpu.memory_space<vmem>> -> memref<26xi32, #tpu.memory_space<vmem>>
      %dma_start3A_478 = arith.constant 0 : i32
      %dma_start3A_479 = arith.constant 0 : i32
      %dma_start3A_480 = tpu.memref_slice %arg3[%dma_start3A_478, %dma_start3A_479] : memref<2000000x64xf32, #tpu.memory_space<hbm>> -> memref<2000000x64xf32, #tpu.memory_space<hbm>>
      tpu.enqueue_indirect_dma source(%dma_start3A_480 : memref<2000000x64xf32, #tpu.memory_space<hbm>>) target(%dma_start3A_474 : memref<26x64xf32, #tpu.memory_space<vmem>>) offsets(%dma_start3A_477 : memref<26xi32, #tpu.memory_space<vmem>>) semaphore(%arg9 : memref<!tpu.dma_semaphore, #tpu.memory_space<semaphore_mem>>)
    }
    %scan3A_241 = arith.constant 32 : i32
    %dma_wait3A_242 = arith.constant 0 : i32
    %dma_wait3A_243 = arith.constant 0 : i32
    %dma_wait3A_244 = arith.constant 0 : i32
    %dma_wait3A_245 = tpu.memref_slice %arg4[%dma_wait3A_242, %dma_wait3A_243, %dma_wait3A_244] : memref<16384x32x128xf32, #tpu.memory_space<hbm>> -> memref<32x26x64xf32, #tpu.memory_space<hbm>>
    %dma_wait3A_246 = arith.constant 0 : i32
    %dma_wait3A_247 = arith.constant 0 : i32
    %dma_wait3A_248 = arith.constant 0 : i32
    %dma_wait3A_249 = tpu.memref_slice %arg4[%dma_wait3A_246, %dma_wait3A_247, %dma_wait3A_248] : memref<16384x32x128xf32, #tpu.memory_space<hbm>> -> memref<32x26x64xf32, #tpu.memory_space<hbm>>
    tpu.wait_dma2 semaphore(%arg8 : memref<!tpu.dma_semaphore, #tpu.memory_space<semaphore_mem>>) src(%dma_wait3A_249 : memref<32x26x64xf32, #tpu.memory_space<hbm>>) dst(%arg6 : memref<32x26x64xf32, #tpu.memory_space<vmem>>)
    %add3A_250 = arith.constant 256 : i32
    %add3A_251 = arith.addi %mul3A_2, %add3A_250 : i32
    %dma_start3A_252 = arith.constant 0 : i32
    %dma_start3A_253 = arith.constant 0 : i32
    %dma_start3A_254 = tpu.memref_slice %arg4[%add3A_251, %dma_start3A_252, %dma_start3A_253] : memref<16384x32x128xf32, #tpu.memory_space<hbm>> -> memref<32x26x64xf32, #tpu.memory_space<hbm>>
    %dma_start3A_255 = arith.constant 0 : i32
    %dma_start3A_256 = arith.constant 0 : i32
    %dma_start3A_257 = tpu.memref_slice %arg4[%add3A_251, %dma_start3A_255, %dma_start3A_256] : memref<16384x32x128xf32, #tpu.memory_space<hbm>> -> memref<32x26x64xf32, #tpu.memory_space<hbm>>
    tpu.enqueue_dma source(%arg6 : memref<32x26x64xf32, #tpu.memory_space<vmem>>) target(%dma_start3A_257 : memref<32x26x64xf32, #tpu.memory_space<hbm>>) target_semaphore(%arg10 : memref<!tpu.dma_semaphore, #tpu.memory_space<semaphore_mem>>)
    %add3A_258 = arith.constant 256 : i32
    %add3A_259 = arith.addi %mul3A_2, %add3A_258 : i32
    %dma_wait3A_260 = arith.constant 0 : i32
    %dma_wait3A_261 = arith.constant 0 : i32
    %dma_wait3A_262 = tpu.memref_slice %arg4[%add3A_259, %dma_wait3A_260, %dma_wait3A_261] : memref<16384x32x128xf32, #tpu.memory_space<hbm>> -> memref<32x26x64xf32, #tpu.memory_space<hbm>>
    %dma_wait3A_263 = arith.constant 0 : i32
    %dma_wait3A_264 = arith.constant 0 : i32
    %dma_wait3A_265 = tpu.memref_slice %arg4[%add3A_259, %dma_wait3A_263, %dma_wait3A_264] : memref<16384x32x128xf32, #tpu.memory_space<hbm>> -> memref<32x26x64xf32, #tpu.memory_space<hbm>>
    tpu.wait_dma2 semaphore(%arg10 : memref<!tpu.dma_semaphore, #tpu.memory_space<semaphore_mem>>) src(%arg6 : memref<32x26x64xf32, #tpu.memory_space<vmem>>) dst(%dma_wait3A_265 : memref<32x26x64xf32, #tpu.memory_space<hbm>>)
    %scan3A_266 = arith.constant 0 : i32
    %scan3A_267 = arith.constant 32 : i32
    %scan3A_268 = arith.addi %scan3A_266, %scan3A_267 : i32
    %scan3A_269 = arith.constant 1 : i32
    scf.for %scan3A_464 = %scan3A_266 to %scan3A_268 step %scan3A_269  : i32 {
      %mul3A_465 = arith.constant 1 : i32
      %mul3A_466 = arith.muli %scan3A_464, %mul3A_465 : i32
      %add3A_467 = arith.constant 0 : i32
      %add3A_468 = arith.addi %add3A_467, %mul3A_466 : i32
      %add3A_469 = arith.constant 320 : i32
      %add3A_470 = arith.addi %add3A_469, %add3A_468 : i32
      %dma_start3A_471 = arith.constant 0 : i32
      %dma_start3A_472 = arith.constant 0 : i32
      %dma_start3A_473 = tpu.memref_slice %arg6[%add3A_468, %dma_start3A_471, %dma_start3A_472] : memref<32x26x64xf32, #tpu.memory_space<vmem>> -> memref<1x26x64xf32, #tpu.memory_space<vmem>>
      %dma_start3A_474 = tpu.memref_squeeze %dma_start3A_473 : memref<1x26x64xf32, #tpu.memory_space<vmem>> -> memref<26x64xf32, #tpu.memory_space<vmem>>
      %dma_start3A_475 = arith.constant 0 : i32
      %dma_start3A_476 = tpu.memref_slice %arg5[%add3A_470, %dma_start3A_475] : memref<512x26xi32, #tpu.memory_space<vmem>> -> memref<1x26xi32, #tpu.memory_space<vmem>>
      %dma_start3A_477 = tpu.memref_squeeze %dma_start3A_476 : memref<1x26xi32, #tpu.memory_space<vmem>> -> memref<26xi32, #tpu.memory_space<vmem>>
      %dma_start3A_478 = arith.constant 0 : i32
      %dma_start3A_479 = arith.constant 0 : i32
      %dma_start3A_480 = tpu.memref_slice %arg3[%dma_start3A_478, %dma_start3A_479] : memref<2000000x64xf32, #tpu.memory_space<hbm>> -> memref<2000000x64xf32, #tpu.memory_space<hbm>>
      tpu.enqueue_indirect_dma source(%dma_start3A_480 : memref<2000000x64xf32, #tpu.memory_space<hbm>>) target(%dma_start3A_474 : memref<26x64xf32, #tpu.memory_space<vmem>>) offsets(%dma_start3A_477 : memref<26xi32, #tpu.memory_space<vmem>>) semaphore(%arg8 : memref<!tpu.dma_semaphore, #tpu.memory_space<semaphore_mem>>)
    }
    %scan3A_270 = arith.constant 32 : i32
    %dma_wait3A_271 = arith.constant 0 : i32
    %dma_wait3A_272 = arith.constant 0 : i32
    %dma_wait3A_273 = arith.constant 0 : i32
    %dma_wait3A_274 = tpu.memref_slice %arg4[%dma_wait3A_271, %dma_wait3A_272, %dma_wait3A_273] : memref<16384x32x128xf32, #tpu.memory_space<hbm>> -> memref<32x26x64xf32, #tpu.memory_space<hbm>>
    %dma_wait3A_275 = arith.constant 0 : i32
    %dma_wait3A_276 = arith.constant 0 : i32
    %dma_wait3A_277 = arith.constant 0 : i32
    %dma_wait3A_278 = tpu.memref_slice %arg4[%dma_wait3A_275, %dma_wait3A_276, %dma_wait3A_277] : memref<16384x32x128xf32, #tpu.memory_space<hbm>> -> memref<32x26x64xf32, #tpu.memory_space<hbm>>
    tpu.wait_dma2 semaphore(%arg9 : memref<!tpu.dma_semaphore, #tpu.memory_space<semaphore_mem>>) src(%dma_wait3A_278 : memref<32x26x64xf32, #tpu.memory_space<hbm>>) dst(%arg7 : memref<32x26x64xf32, #tpu.memory_space<vmem>>)
    %add3A_279 = arith.constant 288 : i32
    %add3A_280 = arith.addi %mul3A_2, %add3A_279 : i32
    %dma_start3A_281 = arith.constant 0 : i32
    %dma_start3A_282 = arith.constant 0 : i32
    %dma_start3A_283 = tpu.memref_slice %arg4[%add3A_280, %dma_start3A_281, %dma_start3A_282] : memref<16384x32x128xf32, #tpu.memory_space<hbm>> -> memref<32x26x64xf32, #tpu.memory_space<hbm>>
    %dma_start3A_284 = arith.constant 0 : i32
    %dma_start3A_285 = arith.constant 0 : i32
    %dma_start3A_286 = tpu.memref_slice %arg4[%add3A_280, %dma_start3A_284, %dma_start3A_285] : memref<16384x32x128xf32, #tpu.memory_space<hbm>> -> memref<32x26x64xf32, #tpu.memory_space<hbm>>
    tpu.enqueue_dma source(%arg7 : memref<32x26x64xf32, #tpu.memory_space<vmem>>) target(%dma_start3A_286 : memref<32x26x64xf32, #tpu.memory_space<hbm>>) target_semaphore(%arg11 : memref<!tpu.dma_semaphore, #tpu.memory_space<semaphore_mem>>)
    %add3A_287 = arith.constant 288 : i32
    %add3A_288 = arith.addi %mul3A_2, %add3A_287 : i32
    %dma_wait3A_289 = arith.constant 0 : i32
    %dma_wait3A_290 = arith.constant 0 : i32
    %dma_wait3A_291 = tpu.memref_slice %arg4[%add3A_288, %dma_wait3A_289, %dma_wait3A_290] : memref<16384x32x128xf32, #tpu.memory_space<hbm>> -> memref<32x26x64xf32, #tpu.memory_space<hbm>>
    %dma_wait3A_292 = arith.constant 0 : i32
    %dma_wait3A_293 = arith.constant 0 : i32
    %dma_wait3A_294 = tpu.memref_slice %arg4[%add3A_288, %dma_wait3A_292, %dma_wait3A_293] : memref<16384x32x128xf32, #tpu.memory_space<hbm>> -> memref<32x26x64xf32, #tpu.memory_space<hbm>>
    tpu.wait_dma2 semaphore(%arg11 : memref<!tpu.dma_semaphore, #tpu.memory_space<semaphore_mem>>) src(%arg7 : memref<32x26x64xf32, #tpu.memory_space<vmem>>) dst(%dma_wait3A_294 : memref<32x26x64xf32, #tpu.memory_space<hbm>>)
    %scan3A_295 = arith.constant 0 : i32
    %scan3A_296 = arith.constant 32 : i32
    %scan3A_297 = arith.addi %scan3A_295, %scan3A_296 : i32
    %scan3A_298 = arith.constant 1 : i32
    scf.for %scan3A_464 = %scan3A_295 to %scan3A_297 step %scan3A_298  : i32 {
      %mul3A_465 = arith.constant 1 : i32
      %mul3A_466 = arith.muli %scan3A_464, %mul3A_465 : i32
      %add3A_467 = arith.constant 0 : i32
      %add3A_468 = arith.addi %add3A_467, %mul3A_466 : i32
      %add3A_469 = arith.constant 352 : i32
      %add3A_470 = arith.addi %add3A_469, %add3A_468 : i32
      %dma_start3A_471 = arith.constant 0 : i32
      %dma_start3A_472 = arith.constant 0 : i32
      %dma_start3A_473 = tpu.memref_slice %arg7[%add3A_468, %dma_start3A_471, %dma_start3A_472] : memref<32x26x64xf32, #tpu.memory_space<vmem>> -> memref<1x26x64xf32, #tpu.memory_space<vmem>>
      %dma_start3A_474 = tpu.memref_squeeze %dma_start3A_473 : memref<1x26x64xf32, #tpu.memory_space<vmem>> -> memref<26x64xf32, #tpu.memory_space<vmem>>
      %dma_start3A_475 = arith.constant 0 : i32
      %dma_start3A_476 = tpu.memref_slice %arg5[%add3A_470, %dma_start3A_475] : memref<512x26xi32, #tpu.memory_space<vmem>> -> memref<1x26xi32, #tpu.memory_space<vmem>>
      %dma_start3A_477 = tpu.memref_squeeze %dma_start3A_476 : memref<1x26xi32, #tpu.memory_space<vmem>> -> memref<26xi32, #tpu.memory_space<vmem>>
      %dma_start3A_478 = arith.constant 0 : i32
      %dma_start3A_479 = arith.constant 0 : i32
      %dma_start3A_480 = tpu.memref_slice %arg3[%dma_start3A_478, %dma_start3A_479] : memref<2000000x64xf32, #tpu.memory_space<hbm>> -> memref<2000000x64xf32, #tpu.memory_space<hbm>>
      tpu.enqueue_indirect_dma source(%dma_start3A_480 : memref<2000000x64xf32, #tpu.memory_space<hbm>>) target(%dma_start3A_474 : memref<26x64xf32, #tpu.memory_space<vmem>>) offsets(%dma_start3A_477 : memref<26xi32, #tpu.memory_space<vmem>>) semaphore(%arg9 : memref<!tpu.dma_semaphore, #tpu.memory_space<semaphore_mem>>)
    }
    %scan3A_299 = arith.constant 32 : i32
    %dma_wait3A_300 = arith.constant 0 : i32
    %dma_wait3A_301 = arith.constant 0 : i32
    %dma_wait3A_302 = arith.constant 0 : i32
    %dma_wait3A_303 = tpu.memref_slice %arg4[%dma_wait3A_300, %dma_wait3A_301, %dma_wait3A_302] : memref<16384x32x128xf32, #tpu.memory_space<hbm>> -> memref<32x26x64xf32, #tpu.memory_space<hbm>>
    %dma_wait3A_304 = arith.constant 0 : i32
    %dma_wait3A_305 = arith.constant 0 : i32
    %dma_wait3A_306 = arith.constant 0 : i32
    %dma_wait3A_307 = tpu.memref_slice %arg4[%dma_wait3A_304, %dma_wait3A_305, %dma_wait3A_306] : memref<16384x32x128xf32, #tpu.memory_space<hbm>> -> memref<32x26x64xf32, #tpu.memory_space<hbm>>
    tpu.wait_dma2 semaphore(%arg8 : memref<!tpu.dma_semaphore, #tpu.memory_space<semaphore_mem>>) src(%dma_wait3A_307 : memref<32x26x64xf32, #tpu.memory_space<hbm>>) dst(%arg6 : memref<32x26x64xf32, #tpu.memory_space<vmem>>)
    %add3A_308 = arith.constant 320 : i32
    %add3A_309 = arith.addi %mul3A_2, %add3A_308 : i32
    %dma_start3A_310 = arith.constant 0 : i32
    %dma_start3A_311 = arith.constant 0 : i32
    %dma_start3A_312 = tpu.memref_slice %arg4[%add3A_309, %dma_start3A_310, %dma_start3A_311] : memref<16384x32x128xf32, #tpu.memory_space<hbm>> -> memref<32x26x64xf32, #tpu.memory_space<hbm>>
    %dma_start3A_313 = arith.constant 0 : i32
    %dma_start3A_314 = arith.constant 0 : i32
    %dma_start3A_315 = tpu.memref_slice %arg4[%add3A_309, %dma_start3A_313, %dma_start3A_314] : memref<16384x32x128xf32, #tpu.memory_space<hbm>> -> memref<32x26x64xf32, #tpu.memory_space<hbm>>
    tpu.enqueue_dma source(%arg6 : memref<32x26x64xf32, #tpu.memory_space<vmem>>) target(%dma_start3A_315 : memref<32x26x64xf32, #tpu.memory_space<hbm>>) target_semaphore(%arg10 : memref<!tpu.dma_semaphore, #tpu.memory_space<semaphore_mem>>)
    %add3A_316 = arith.constant 320 : i32
    %add3A_317 = arith.addi %mul3A_2, %add3A_316 : i32
    %dma_wait3A_318 = arith.constant 0 : i32
    %dma_wait3A_319 = arith.constant 0 : i32
    %dma_wait3A_320 = tpu.memref_slice %arg4[%add3A_317, %dma_wait3A_318, %dma_wait3A_319] : memref<16384x32x128xf32, #tpu.memory_space<hbm>> -> memref<32x26x64xf32, #tpu.memory_space<hbm>>
    %dma_wait3A_321 = arith.constant 0 : i32
    %dma_wait3A_322 = arith.constant 0 : i32
    %dma_wait3A_323 = tpu.memref_slice %arg4[%add3A_317, %dma_wait3A_321, %dma_wait3A_322] : memref<16384x32x128xf32, #tpu.memory_space<hbm>> -> memref<32x26x64xf32, #tpu.memory_space<hbm>>
    tpu.wait_dma2 semaphore(%arg10 : memref<!tpu.dma_semaphore, #tpu.memory_space<semaphore_mem>>) src(%arg6 : memref<32x26x64xf32, #tpu.memory_space<vmem>>) dst(%dma_wait3A_323 : memref<32x26x64xf32, #tpu.memory_space<hbm>>)
    %scan3A_324 = arith.constant 0 : i32
    %scan3A_325 = arith.constant 32 : i32
    %scan3A_326 = arith.addi %scan3A_324, %scan3A_325 : i32
    %scan3A_327 = arith.constant 1 : i32
    scf.for %scan3A_464 = %scan3A_324 to %scan3A_326 step %scan3A_327  : i32 {
      %mul3A_465 = arith.constant 1 : i32
      %mul3A_466 = arith.muli %scan3A_464, %mul3A_465 : i32
      %add3A_467 = arith.constant 0 : i32
      %add3A_468 = arith.addi %add3A_467, %mul3A_466 : i32
      %add3A_469 = arith.constant 384 : i32
      %add3A_470 = arith.addi %add3A_469, %add3A_468 : i32
      %dma_start3A_471 = arith.constant 0 : i32
      %dma_start3A_472 = arith.constant 0 : i32
      %dma_start3A_473 = tpu.memref_slice %arg6[%add3A_468, %dma_start3A_471, %dma_start3A_472] : memref<32x26x64xf32, #tpu.memory_space<vmem>> -> memref<1x26x64xf32, #tpu.memory_space<vmem>>
      %dma_start3A_474 = tpu.memref_squeeze %dma_start3A_473 : memref<1x26x64xf32, #tpu.memory_space<vmem>> -> memref<26x64xf32, #tpu.memory_space<vmem>>
      %dma_start3A_475 = arith.constant 0 : i32
      %dma_start3A_476 = tpu.memref_slice %arg5[%add3A_470, %dma_start3A_475] : memref<512x26xi32, #tpu.memory_space<vmem>> -> memref<1x26xi32, #tpu.memory_space<vmem>>
      %dma_start3A_477 = tpu.memref_squeeze %dma_start3A_476 : memref<1x26xi32, #tpu.memory_space<vmem>> -> memref<26xi32, #tpu.memory_space<vmem>>
      %dma_start3A_478 = arith.constant 0 : i32
      %dma_start3A_479 = arith.constant 0 : i32
      %dma_start3A_480 = tpu.memref_slice %arg3[%dma_start3A_478, %dma_start3A_479] : memref<2000000x64xf32, #tpu.memory_space<hbm>> -> memref<2000000x64xf32, #tpu.memory_space<hbm>>
      tpu.enqueue_indirect_dma source(%dma_start3A_480 : memref<2000000x64xf32, #tpu.memory_space<hbm>>) target(%dma_start3A_474 : memref<26x64xf32, #tpu.memory_space<vmem>>) offsets(%dma_start3A_477 : memref<26xi32, #tpu.memory_space<vmem>>) semaphore(%arg8 : memref<!tpu.dma_semaphore, #tpu.memory_space<semaphore_mem>>)
    }
    %scan3A_328 = arith.constant 32 : i32
    %dma_wait3A_329 = arith.constant 0 : i32
    %dma_wait3A_330 = arith.constant 0 : i32
    %dma_wait3A_331 = arith.constant 0 : i32
    %dma_wait3A_332 = tpu.memref_slice %arg4[%dma_wait3A_329, %dma_wait3A_330, %dma_wait3A_331] : memref<16384x32x128xf32, #tpu.memory_space<hbm>> -> memref<32x26x64xf32, #tpu.memory_space<hbm>>
    %dma_wait3A_333 = arith.constant 0 : i32
    %dma_wait3A_334 = arith.constant 0 : i32
    %dma_wait3A_335 = arith.constant 0 : i32
    %dma_wait3A_336 = tpu.memref_slice %arg4[%dma_wait3A_333, %dma_wait3A_334, %dma_wait3A_335] : memref<16384x32x128xf32, #tpu.memory_space<hbm>> -> memref<32x26x64xf32, #tpu.memory_space<hbm>>
    tpu.wait_dma2 semaphore(%arg9 : memref<!tpu.dma_semaphore, #tpu.memory_space<semaphore_mem>>) src(%dma_wait3A_336 : memref<32x26x64xf32, #tpu.memory_space<hbm>>) dst(%arg7 : memref<32x26x64xf32, #tpu.memory_space<vmem>>)
    %add3A_337 = arith.constant 352 : i32
    %add3A_338 = arith.addi %mul3A_2, %add3A_337 : i32
    %dma_start3A_339 = arith.constant 0 : i32
    %dma_start3A_340 = arith.constant 0 : i32
    %dma_start3A_341 = tpu.memref_slice %arg4[%add3A_338, %dma_start3A_339, %dma_start3A_340] : memref<16384x32x128xf32, #tpu.memory_space<hbm>> -> memref<32x26x64xf32, #tpu.memory_space<hbm>>
    %dma_start3A_342 = arith.constant 0 : i32
    %dma_start3A_343 = arith.constant 0 : i32
    %dma_start3A_344 = tpu.memref_slice %arg4[%add3A_338, %dma_start3A_342, %dma_start3A_343] : memref<16384x32x128xf32, #tpu.memory_space<hbm>> -> memref<32x26x64xf32, #tpu.memory_space<hbm>>
    tpu.enqueue_dma source(%arg7 : memref<32x26x64xf32, #tpu.memory_space<vmem>>) target(%dma_start3A_344 : memref<32x26x64xf32, #tpu.memory_space<hbm>>) target_semaphore(%arg11 : memref<!tpu.dma_semaphore, #tpu.memory_space<semaphore_mem>>)
    %add3A_345 = arith.constant 352 : i32
    %add3A_346 = arith.addi %mul3A_2, %add3A_345 : i32
    %dma_wait3A_347 = arith.constant 0 : i32
    %dma_wait3A_348 = arith.constant 0 : i32
    %dma_wait3A_349 = tpu.memref_slice %arg4[%add3A_346, %dma_wait3A_347, %dma_wait3A_348] : memref<16384x32x128xf32, #tpu.memory_space<hbm>> -> memref<32x26x64xf32, #tpu.memory_space<hbm>>
    %dma_wait3A_350 = arith.constant 0 : i32
    %dma_wait3A_351 = arith.constant 0 : i32
    %dma_wait3A_352 = tpu.memref_slice %arg4[%add3A_346, %dma_wait3A_350, %dma_wait3A_351] : memref<16384x32x128xf32, #tpu.memory_space<hbm>> -> memref<32x26x64xf32, #tpu.memory_space<hbm>>
    tpu.wait_dma2 semaphore(%arg11 : memref<!tpu.dma_semaphore, #tpu.memory_space<semaphore_mem>>) src(%arg7 : memref<32x26x64xf32, #tpu.memory_space<vmem>>) dst(%dma_wait3A_352 : memref<32x26x64xf32, #tpu.memory_space<hbm>>)
    %scan3A_353 = arith.constant 0 : i32
    %scan3A_354 = arith.constant 32 : i32
    %scan3A_355 = arith.addi %scan3A_353, %scan3A_354 : i32
    %scan3A_356 = arith.constant 1 : i32
    scf.for %scan3A_464 = %scan3A_353 to %scan3A_355 step %scan3A_356  : i32 {
      %mul3A_465 = arith.constant 1 : i32
      %mul3A_466 = arith.muli %scan3A_464, %mul3A_465 : i32
      %add3A_467 = arith.constant 0 : i32
      %add3A_468 = arith.addi %add3A_467, %mul3A_466 : i32
      %add3A_469 = arith.constant 416 : i32
      %add3A_470 = arith.addi %add3A_469, %add3A_468 : i32
      %dma_start3A_471 = arith.constant 0 : i32
      %dma_start3A_472 = arith.constant 0 : i32
      %dma_start3A_473 = tpu.memref_slice %arg7[%add3A_468, %dma_start3A_471, %dma_start3A_472] : memref<32x26x64xf32, #tpu.memory_space<vmem>> -> memref<1x26x64xf32, #tpu.memory_space<vmem>>
      %dma_start3A_474 = tpu.memref_squeeze %dma_start3A_473 : memref<1x26x64xf32, #tpu.memory_space<vmem>> -> memref<26x64xf32, #tpu.memory_space<vmem>>
      %dma_start3A_475 = arith.constant 0 : i32
      %dma_start3A_476 = tpu.memref_slice %arg5[%add3A_470, %dma_start3A_475] : memref<512x26xi32, #tpu.memory_space<vmem>> -> memref<1x26xi32, #tpu.memory_space<vmem>>
      %dma_start3A_477 = tpu.memref_squeeze %dma_start3A_476 : memref<1x26xi32, #tpu.memory_space<vmem>> -> memref<26xi32, #tpu.memory_space<vmem>>
      %dma_start3A_478 = arith.constant 0 : i32
      %dma_start3A_479 = arith.constant 0 : i32
      %dma_start3A_480 = tpu.memref_slice %arg3[%dma_start3A_478, %dma_start3A_479] : memref<2000000x64xf32, #tpu.memory_space<hbm>> -> memref<2000000x64xf32, #tpu.memory_space<hbm>>
      tpu.enqueue_indirect_dma source(%dma_start3A_480 : memref<2000000x64xf32, #tpu.memory_space<hbm>>) target(%dma_start3A_474 : memref<26x64xf32, #tpu.memory_space<vmem>>) offsets(%dma_start3A_477 : memref<26xi32, #tpu.memory_space<vmem>>) semaphore(%arg9 : memref<!tpu.dma_semaphore, #tpu.memory_space<semaphore_mem>>)
    }
    %scan3A_357 = arith.constant 32 : i32
    %dma_wait3A_358 = arith.constant 0 : i32
    %dma_wait3A_359 = arith.constant 0 : i32
    %dma_wait3A_360 = arith.constant 0 : i32
    %dma_wait3A_361 = tpu.memref_slice %arg4[%dma_wait3A_358, %dma_wait3A_359, %dma_wait3A_360] : memref<16384x32x128xf32, #tpu.memory_space<hbm>> -> memref<32x26x64xf32, #tpu.memory_space<hbm>>
    %dma_wait3A_362 = arith.constant 0 : i32
    %dma_wait3A_363 = arith.constant 0 : i32
    %dma_wait3A_364 = arith.constant 0 : i32
    %dma_wait3A_365 = tpu.memref_slice %arg4[%dma_wait3A_362, %dma_wait3A_363, %dma_wait3A_364] : memref<16384x32x128xf32, #tpu.memory_space<hbm>> -> memref<32x26x64xf32, #tpu.memory_space<hbm>>
    tpu.wait_dma2 semaphore(%arg8 : memref<!tpu.dma_semaphore, #tpu.memory_space<semaphore_mem>>) src(%dma_wait3A_365 : memref<32x26x64xf32, #tpu.memory_space<hbm>>) dst(%arg6 : memref<32x26x64xf32, #tpu.memory_space<vmem>>)
    %add3A_366 = arith.constant 384 : i32
    %add3A_367 = arith.addi %mul3A_2, %add3A_366 : i32
    %dma_start3A_368 = arith.constant 0 : i32
    %dma_start3A_369 = arith.constant 0 : i32
    %dma_start3A_370 = tpu.memref_slice %arg4[%add3A_367, %dma_start3A_368, %dma_start3A_369] : memref<16384x32x128xf32, #tpu.memory_space<hbm>> -> memref<32x26x64xf32, #tpu.memory_space<hbm>>
    %dma_start3A_371 = arith.constant 0 : i32
    %dma_start3A_372 = arith.constant 0 : i32
    %dma_start3A_373 = tpu.memref_slice %arg4[%add3A_367, %dma_start3A_371, %dma_start3A_372] : memref<16384x32x128xf32, #tpu.memory_space<hbm>> -> memref<32x26x64xf32, #tpu.memory_space<hbm>>
    tpu.enqueue_dma source(%arg6 : memref<32x26x64xf32, #tpu.memory_space<vmem>>) target(%dma_start3A_373 : memref<32x26x64xf32, #tpu.memory_space<hbm>>) target_semaphore(%arg10 : memref<!tpu.dma_semaphore, #tpu.memory_space<semaphore_mem>>)
    %add3A_374 = arith.constant 384 : i32
    %add3A_375 = arith.addi %mul3A_2, %add3A_374 : i32
    %dma_wait3A_376 = arith.constant 0 : i32
    %dma_wait3A_377 = arith.constant 0 : i32
    %dma_wait3A_378 = tpu.memref_slice %arg4[%add3A_375, %dma_wait3A_376, %dma_wait3A_377] : memref<16384x32x128xf32, #tpu.memory_space<hbm>> -> memref<32x26x64xf32, #tpu.memory_space<hbm>>
    %dma_wait3A_379 = arith.constant 0 : i32
    %dma_wait3A_380 = arith.constant 0 : i32
    %dma_wait3A_381 = tpu.memref_slice %arg4[%add3A_375, %dma_wait3A_379, %dma_wait3A_380] : memref<16384x32x128xf32, #tpu.memory_space<hbm>> -> memref<32x26x64xf32, #tpu.memory_space<hbm>>
    tpu.wait_dma2 semaphore(%arg10 : memref<!tpu.dma_semaphore, #tpu.memory_space<semaphore_mem>>) src(%arg6 : memref<32x26x64xf32, #tpu.memory_space<vmem>>) dst(%dma_wait3A_381 : memref<32x26x64xf32, #tpu.memory_space<hbm>>)
    %scan3A_382 = arith.constant 0 : i32
    %scan3A_383 = arith.constant 32 : i32
    %scan3A_384 = arith.addi %scan3A_382, %scan3A_383 : i32
    %scan3A_385 = arith.constant 1 : i32
    scf.for %scan3A_464 = %scan3A_382 to %scan3A_384 step %scan3A_385  : i32 {
      %mul3A_465 = arith.constant 1 : i32
      %mul3A_466 = arith.muli %scan3A_464, %mul3A_465 : i32
      %add3A_467 = arith.constant 0 : i32
      %add3A_468 = arith.addi %add3A_467, %mul3A_466 : i32
      %add3A_469 = arith.constant 448 : i32
      %add3A_470 = arith.addi %add3A_469, %add3A_468 : i32
      %dma_start3A_471 = arith.constant 0 : i32
      %dma_start3A_472 = arith.constant 0 : i32
      %dma_start3A_473 = tpu.memref_slice %arg6[%add3A_468, %dma_start3A_471, %dma_start3A_472] : memref<32x26x64xf32, #tpu.memory_space<vmem>> -> memref<1x26x64xf32, #tpu.memory_space<vmem>>
      %dma_start3A_474 = tpu.memref_squeeze %dma_start3A_473 : memref<1x26x64xf32, #tpu.memory_space<vmem>> -> memref<26x64xf32, #tpu.memory_space<vmem>>
      %dma_start3A_475 = arith.constant 0 : i32
      %dma_start3A_476 = tpu.memref_slice %arg5[%add3A_470, %dma_start3A_475] : memref<512x26xi32, #tpu.memory_space<vmem>> -> memref<1x26xi32, #tpu.memory_space<vmem>>
      %dma_start3A_477 = tpu.memref_squeeze %dma_start3A_476 : memref<1x26xi32, #tpu.memory_space<vmem>> -> memref<26xi32, #tpu.memory_space<vmem>>
      %dma_start3A_478 = arith.constant 0 : i32
      %dma_start3A_479 = arith.constant 0 : i32
      %dma_start3A_480 = tpu.memref_slice %arg3[%dma_start3A_478, %dma_start3A_479] : memref<2000000x64xf32, #tpu.memory_space<hbm>> -> memref<2000000x64xf32, #tpu.memory_space<hbm>>
      tpu.enqueue_indirect_dma source(%dma_start3A_480 : memref<2000000x64xf32, #tpu.memory_space<hbm>>) target(%dma_start3A_474 : memref<26x64xf32, #tpu.memory_space<vmem>>) offsets(%dma_start3A_477 : memref<26xi32, #tpu.memory_space<vmem>>) semaphore(%arg8 : memref<!tpu.dma_semaphore, #tpu.memory_space<semaphore_mem>>)
    }
    %scan3A_386 = arith.constant 32 : i32
    %dma_wait3A_387 = arith.constant 0 : i32
    %dma_wait3A_388 = arith.constant 0 : i32
    %dma_wait3A_389 = arith.constant 0 : i32
    %dma_wait3A_390 = tpu.memref_slice %arg4[%dma_wait3A_387, %dma_wait3A_388, %dma_wait3A_389] : memref<16384x32x128xf32, #tpu.memory_space<hbm>> -> memref<32x26x64xf32, #tpu.memory_space<hbm>>
    %dma_wait3A_391 = arith.constant 0 : i32
    %dma_wait3A_392 = arith.constant 0 : i32
    %dma_wait3A_393 = arith.constant 0 : i32
    %dma_wait3A_394 = tpu.memref_slice %arg4[%dma_wait3A_391, %dma_wait3A_392, %dma_wait3A_393] : memref<16384x32x128xf32, #tpu.memory_space<hbm>> -> memref<32x26x64xf32, #tpu.memory_space<hbm>>
    tpu.wait_dma2 semaphore(%arg9 : memref<!tpu.dma_semaphore, #tpu.memory_space<semaphore_mem>>) src(%dma_wait3A_394 : memref<32x26x64xf32, #tpu.memory_space<hbm>>) dst(%arg7 : memref<32x26x64xf32, #tpu.memory_space<vmem>>)
    %add3A_395 = arith.constant 416 : i32
    %add3A_396 = arith.addi %mul3A_2, %add3A_395 : i32
    %dma_start3A_397 = arith.constant 0 : i32
    %dma_start3A_398 = arith.constant 0 : i32
    %dma_start3A_399 = tpu.memref_slice %arg4[%add3A_396, %dma_start3A_397, %dma_start3A_398] : memref<16384x32x128xf32, #tpu.memory_space<hbm>> -> memref<32x26x64xf32, #tpu.memory_space<hbm>>
    %dma_start3A_400 = arith.constant 0 : i32
    %dma_start3A_401 = arith.constant 0 : i32
    %dma_start3A_402 = tpu.memref_slice %arg4[%add3A_396, %dma_start3A_400, %dma_start3A_401] : memref<16384x32x128xf32, #tpu.memory_space<hbm>> -> memref<32x26x64xf32, #tpu.memory_space<hbm>>
    tpu.enqueue_dma source(%arg7 : memref<32x26x64xf32, #tpu.memory_space<vmem>>) target(%dma_start3A_402 : memref<32x26x64xf32, #tpu.memory_space<hbm>>) target_semaphore(%arg11 : memref<!tpu.dma_semaphore, #tpu.memory_space<semaphore_mem>>)
    %add3A_403 = arith.constant 416 : i32
    %add3A_404 = arith.addi %mul3A_2, %add3A_403 : i32
    %dma_wait3A_405 = arith.constant 0 : i32
    %dma_wait3A_406 = arith.constant 0 : i32
    %dma_wait3A_407 = tpu.memref_slice %arg4[%add3A_404, %dma_wait3A_405, %dma_wait3A_406] : memref<16384x32x128xf32, #tpu.memory_space<hbm>> -> memref<32x26x64xf32, #tpu.memory_space<hbm>>
    %dma_wait3A_408 = arith.constant 0 : i32
    %dma_wait3A_409 = arith.constant 0 : i32
    %dma_wait3A_410 = tpu.memref_slice %arg4[%add3A_404, %dma_wait3A_408, %dma_wait3A_409] : memref<16384x32x128xf32, #tpu.memory_space<hbm>> -> memref<32x26x64xf32, #tpu.memory_space<hbm>>
    tpu.wait_dma2 semaphore(%arg11 : memref<!tpu.dma_semaphore, #tpu.memory_space<semaphore_mem>>) src(%arg7 : memref<32x26x64xf32, #tpu.memory_space<vmem>>) dst(%dma_wait3A_410 : memref<32x26x64xf32, #tpu.memory_space<hbm>>)
    %scan3A_411 = arith.constant 0 : i32
    %scan3A_412 = arith.constant 32 : i32
    %scan3A_413 = arith.addi %scan3A_411, %scan3A_412 : i32
    %scan3A_414 = arith.constant 1 : i32
    scf.for %scan3A_464 = %scan3A_411 to %scan3A_413 step %scan3A_414  : i32 {
      %mul3A_465 = arith.constant 1 : i32
      %mul3A_466 = arith.muli %scan3A_464, %mul3A_465 : i32
      %add3A_467 = arith.constant 0 : i32
      %add3A_468 = arith.addi %add3A_467, %mul3A_466 : i32
      %add3A_469 = arith.constant 480 : i32
      %add3A_470 = arith.addi %add3A_469, %add3A_468 : i32
      %dma_start3A_471 = arith.constant 0 : i32
      %dma_start3A_472 = arith.constant 0 : i32
      %dma_start3A_473 = tpu.memref_slice %arg7[%add3A_468, %dma_start3A_471, %dma_start3A_472] : memref<32x26x64xf32, #tpu.memory_space<vmem>> -> memref<1x26x64xf32, #tpu.memory_space<vmem>>
      %dma_start3A_474 = tpu.memref_squeeze %dma_start3A_473 : memref<1x26x64xf32, #tpu.memory_space<vmem>> -> memref<26x64xf32, #tpu.memory_space<vmem>>
      %dma_start3A_475 = arith.constant 0 : i32
      %dma_start3A_476 = tpu.memref_slice %arg5[%add3A_470, %dma_start3A_475] : memref<512x26xi32, #tpu.memory_space<vmem>> -> memref<1x26xi32, #tpu.memory_space<vmem>>
      %dma_start3A_477 = tpu.memref_squeeze %dma_start3A_476 : memref<1x26xi32, #tpu.memory_space<vmem>> -> memref<26xi32, #tpu.memory_space<vmem>>
      %dma_start3A_478 = arith.constant 0 : i32
      %dma_start3A_479 = arith.constant 0 : i32
      %dma_start3A_480 = tpu.memref_slice %arg3[%dma_start3A_478, %dma_start3A_479] : memref<2000000x64xf32, #tpu.memory_space<hbm>> -> memref<2000000x64xf32, #tpu.memory_space<hbm>>
      tpu.enqueue_indirect_dma source(%dma_start3A_480 : memref<2000000x64xf32, #tpu.memory_space<hbm>>) target(%dma_start3A_474 : memref<26x64xf32, #tpu.memory_space<vmem>>) offsets(%dma_start3A_477 : memref<26xi32, #tpu.memory_space<vmem>>) semaphore(%arg9 : memref<!tpu.dma_semaphore, #tpu.memory_space<semaphore_mem>>)
    }
    %scan3A_415 = arith.constant 32 : i32
    %dma_wait3A_416 = arith.constant 0 : i32
    %dma_wait3A_417 = arith.constant 0 : i32
    %dma_wait3A_418 = arith.constant 0 : i32
    %dma_wait3A_419 = tpu.memref_slice %arg4[%dma_wait3A_416, %dma_wait3A_417, %dma_wait3A_418] : memref<16384x32x128xf32, #tpu.memory_space<hbm>> -> memref<32x26x64xf32, #tpu.memory_space<hbm>>
    %dma_wait3A_420 = arith.constant 0 : i32
    %dma_wait3A_421 = arith.constant 0 : i32
    %dma_wait3A_422 = arith.constant 0 : i32
    %dma_wait3A_423 = tpu.memref_slice %arg4[%dma_wait3A_420, %dma_wait3A_421, %dma_wait3A_422] : memref<16384x32x128xf32, #tpu.memory_space<hbm>> -> memref<32x26x64xf32, #tpu.memory_space<hbm>>
    tpu.wait_dma2 semaphore(%arg8 : memref<!tpu.dma_semaphore, #tpu.memory_space<semaphore_mem>>) src(%dma_wait3A_423 : memref<32x26x64xf32, #tpu.memory_space<hbm>>) dst(%arg6 : memref<32x26x64xf32, #tpu.memory_space<vmem>>)
    %add3A_424 = arith.constant 448 : i32
    %add3A_425 = arith.addi %mul3A_2, %add3A_424 : i32
    %dma_start3A_426 = arith.constant 0 : i32
    %dma_start3A_427 = arith.constant 0 : i32
    %dma_start3A_428 = tpu.memref_slice %arg4[%add3A_425, %dma_start3A_426, %dma_start3A_427] : memref<16384x32x128xf32, #tpu.memory_space<hbm>> -> memref<32x26x64xf32, #tpu.memory_space<hbm>>
    %dma_start3A_429 = arith.constant 0 : i32
    %dma_start3A_430 = arith.constant 0 : i32
    %dma_start3A_431 = tpu.memref_slice %arg4[%add3A_425, %dma_start3A_429, %dma_start3A_430] : memref<16384x32x128xf32, #tpu.memory_space<hbm>> -> memref<32x26x64xf32, #tpu.memory_space<hbm>>
    tpu.enqueue_dma source(%arg6 : memref<32x26x64xf32, #tpu.memory_space<vmem>>) target(%dma_start3A_431 : memref<32x26x64xf32, #tpu.memory_space<hbm>>) target_semaphore(%arg10 : memref<!tpu.dma_semaphore, #tpu.memory_space<semaphore_mem>>)
    %dma_wait3A_432 = arith.constant 0 : i32
    %dma_wait3A_433 = arith.constant 0 : i32
    %dma_wait3A_434 = arith.constant 0 : i32
    %dma_wait3A_435 = tpu.memref_slice %arg4[%dma_wait3A_432, %dma_wait3A_433, %dma_wait3A_434] : memref<16384x32x128xf32, #tpu.memory_space<hbm>> -> memref<32x26x64xf32, #tpu.memory_space<hbm>>
    %dma_wait3A_436 = arith.constant 0 : i32
    %dma_wait3A_437 = arith.constant 0 : i32
    %dma_wait3A_438 = arith.constant 0 : i32
    %dma_wait3A_439 = tpu.memref_slice %arg4[%dma_wait3A_436, %dma_wait3A_437, %dma_wait3A_438] : memref<16384x32x128xf32, #tpu.memory_space<hbm>> -> memref<32x26x64xf32, #tpu.memory_space<hbm>>
    tpu.wait_dma2 semaphore(%arg9 : memref<!tpu.dma_semaphore, #tpu.memory_space<semaphore_mem>>) src(%dma_wait3A_439 : memref<32x26x64xf32, #tpu.memory_space<hbm>>) dst(%arg7 : memref<32x26x64xf32, #tpu.memory_space<vmem>>)
    %add3A_440 = arith.constant 480 : i32
    %add3A_441 = arith.addi %mul3A_2, %add3A_440 : i32
    %dma_start3A_442 = arith.constant 0 : i32
    %dma_start3A_443 = arith.constant 0 : i32
    %dma_start3A_444 = tpu.memref_slice %arg4[%add3A_441, %dma_start3A_442, %dma_start3A_443] : memref<16384x32x128xf32, #tpu.memory_space<hbm>> -> memref<32x26x64xf32, #tpu.memory_space<hbm>>
    %dma_start3A_445 = arith.constant 0 : i32
    %dma_start3A_446 = arith.constant 0 : i32
    %dma_start3A_447 = tpu.memref_slice %arg4[%add3A_441, %dma_start3A_445, %dma_start3A_446] : memref<16384x32x128xf32, #tpu.memory_space<hbm>> -> memref<32x26x64xf32, #tpu.memory_space<hbm>>
    tpu.enqueue_dma source(%arg7 : memref<32x26x64xf32, #tpu.memory_space<vmem>>) target(%dma_start3A_447 : memref<32x26x64xf32, #tpu.memory_space<hbm>>) target_semaphore(%arg11 : memref<!tpu.dma_semaphore, #tpu.memory_space<semaphore_mem>>)
    %add3A_448 = arith.constant 448 : i32
    %add3A_449 = arith.addi %mul3A_2, %add3A_448 : i32
    %dma_wait3A_450 = arith.constant 0 : i32
    %dma_wait3A_451 = arith.constant 0 : i32
    %dma_wait3A_452 = tpu.memref_slice %arg4[%add3A_449, %dma_wait3A_450, %dma_wait3A_451] : memref<16384x32x128xf32, #tpu.memory_space<hbm>> -> memref<32x26x64xf32, #tpu.memory_space<hbm>>
    %dma_wait3A_453 = arith.constant 0 : i32
    %dma_wait3A_454 = arith.constant 0 : i32
    %dma_wait3A_455 = tpu.memref_slice %arg4[%add3A_449, %dma_wait3A_453, %dma_wait3A_454] : memref<16384x32x128xf32, #tpu.memory_space<hbm>> -> memref<32x26x64xf32, #tpu.memory_space<hbm>>
    tpu.wait_dma2 semaphore(%arg10 : memref<!tpu.dma_semaphore, #tpu.memory_space<semaphore_mem>>) src(%arg6 : memref<32x26x64xf32, #tpu.memory_space<vmem>>) dst(%dma_wait3A_455 : memref<32x26x64xf32, #tpu.memory_space<hbm>>)
    %add3A_456 = arith.constant 480 : i32
    %add3A_457 = arith.addi %mul3A_2, %add3A_456 : i32
    %dma_wait3A_458 = arith.constant 0 : i32
    %dma_wait3A_459 = arith.constant 0 : i32
    %dma_wait3A_460 = tpu.memref_slice %arg4[%add3A_457, %dma_wait3A_458, %dma_wait3A_459] : memref<16384x32x128xf32, #tpu.memory_space<hbm>> -> memref<32x26x64xf32, #tpu.memory_space<hbm>>
    %dma_wait3A_461 = arith.constant 0 : i32
    %dma_wait3A_462 = arith.constant 0 : i32
    %dma_wait3A_463 = tpu.memref_slice %arg4[%add3A_457, %dma_wait3A_461, %dma_wait3A_462] : memref<16384x32x128xf32, #tpu.memory_space<hbm>> -> memref<32x26x64xf32, #tpu.memory_space<hbm>>
    tpu.wait_dma2 semaphore(%arg11 : memref<!tpu.dma_semaphore, #tpu.memory_space<semaphore_mem>>) src(%arg7 : memref<32x26x64xf32, #tpu.memory_space<vmem>>) dst(%dma_wait3A_463 : memref<32x26x64xf32, #tpu.memory_space<hbm>>)
    return
  }
}

</mosaic_0001>

<sc_bundles>
// kernel: kernel.3.cloned.1.call-start
scs
__scs_entry_jumppad:
0x0: {  	(pc) =	sbr.rel $0x88, $3  }
0x1: {  	(tag) =	ssettag $0x0;
	lr =	simm.s32 $0x1  }
0x2: {  	[smem:$0x3F9F] =	sst lr;
	_ =	strace $0xD0000000  }
0x3: {  	_ = 	snop  }
0x4: {  	_ = 	snop  }
0x5: {  	_ = 	snop  }
0x6: {  	_ = 	snop  }
0x7: {  	_ = 	snop  }
__scs_overlays_trampoline_lowered:
0x8: {  	[smem:$0x3FAE] =	sst s0  }
0x9: {  	[smem:$0x3FAF] =	sst s1  }
0xa: {  	[smem:$0x3FB0] =	sst s2  }
0xb: {  	[smem:$0x3FB1] =	sst s3  }
0xc: {  	[smem:$0x3FB2] =	sst s4  }
0xd: {  	[smem:$0x3FB3] =	sst s5  }
0xe: {  	[smem:$0x3FB4] =	sst s6  }
0xf: {  	[smem:$0x3FB5] =	sst s7  }
0x10: {  	[smem:$0x3FB6] =	sst s8  }
0x11: {  	[smem:$0x3FB7] =	sst s9;
	s0 =	simm.s32 @!p0 $0x0  }
0x12: {  	s1 =	sld [smem:$0x3F9D];
	s0 =	simm.s32 @p0 $0x1  }
0x13: {  	[smem:$0x3FB8] =	sst s0;
	s0 =	simm.s32 @!p1 $0x0  }
0x14: {  	s2 =	sld [smem:$0x3F9C];
	s0 =	simm.s32 @p1 $0x1  }
0x15: {  	[smem:$0x3FB9] =	sst s0;
	s0 =	simm.s32 @!p2 $0x0  }
0x16: {  	s3 =	sld [smem:$0x3FDB];
	s0 =	simm.s32 @p2 $0x1  }
0x17: {  	s4 =	simm.s32 $0x1BF5;
	[smem:$0x3FBB] =	sst s0  }
0x18: {  	s0 =	sld [smem:$0x3F9E];
	_ =	swait.ge [sflag:s4], $0x0  }
0x19: {  	s7 =	sld [smem:$0x3F9F]  }
0x1a: {  	s8 =	sadd.s32 $0xFFFFE003, lr  }
0x1b: {  	s9 =	sadd.s32 $0xFFFFFEF7, lr;
	s5 =	simm.s32 $0xFFFFFFFF;
	p2 =	slt.u32 s8, $0xFFFFF086  }
0x1c: {  	p1 =	slt.u32 s9, $0xF7A;
	s5 =	simm.s32 @!p2 $0x0  }
0x1d: {  	s5 =	simm.s32 @p1 $0x1;
	p0 =	seq.s32 s7, s2  }
0x1e: {  	s7 =	smul.u32 @!p0 $0xF7A, s2;
	p2 =	seq.s32 @!p0 s5, $0x0  }
0x1f: {  	s9 =	smul.u32 $0xF7A, s1;
	s8 =	simm.s32 @!p0 $0x1BF5;
	p2 =	por !p2, p0  }
0x20: {  	[sflag:s8] =	ssyncset.s32 @!p0 $0xFFFFF086;
	s6 =	sadd.s32 @!p0 s3, s7;
	s7 =	simm.s32 @!p0 $0x108  }
0x21: {  	s3 =	sadd.s32 s3, s9;
	s6 =	sadd.s32 @!p0 $0x88, s6;
	s7 =	simm.s32 @p2 $0x1082  }
0x22: {  	[simem:s7], [sflag:s8] =	dma.local @!p0 [hbm:s6], $0xF7A  }
0x23: {  	s9 =	sor.u32 $0xD0000000, s2;
	s6 =	simm.s32 $0x108;
	_ =	swait.ge @!p0 [sflag:s8], $0x0  }
0x24: {  	s3 =	sadd.s32 $0x88, s3;
	s6 =	simm.s32 @!p1 $0x1082;
	[sflag:s4] =	ssyncset.s32 $0xFFFFF086  }
0x25: {  	[simem:s6], [sflag:s4] =	dma.local [hbm:s3], $0xF7A  }
0x26: {  	[smem:$0x3F9F] =	sst s1;
	(tag) =	ssettag s2;
	_ =	strace s9  }
0x27: {  	s1 =	sld [smem:$0x3FAF]  }
0x28: {  	s2 =	sld [smem:$0x3FB0]  }
0x29: {  	s4 =	sld [smem:$0x3FB2]  }
0x2a: {  	p0 =	seq.s32 s5, $0x0;
	s5 =	sld [smem:$0x3FB3]  }
0x2b: {  	s6 =	sld [smem:$0x3FB4]  }
0x2c: {  	s7 =	sld [smem:$0x3FB5]  }
0x2d: {  	s3 =	simm.s32 $0x108;
	s8 =	sld [smem:$0x3FB6]  }
0x2e: {  	s3 =	simm.s32 @!p0 $0x1082;
	s9 =	sld [smem:$0x3FB7]  }
0x2f: {  	lr =	sadd.s32 s0, s3;
	s0 =	sld [smem:$0x3FAE]  }
0x30: {  	s3 =	sld [smem:$0x3FB1]  }
0x31: {  	[smem:$0x3FBA] =	sst s10  }
0x32: {  	s10 =	sld [smem:$0x3FB8];
	_ =	sdelay $0x3  }
0x33: {  	p0 =	seq.s32 s10, $0x1;
	s10 =	sld [smem:$0x3FBA];
	_ =	sdelay $0x3  }
0x34: {  	[smem:$0x3FBA] =	sst s10  }
0x35: {  	s10 =	sld [smem:$0x3FB9];
	_ =	sdelay $0x3  }
0x36: {  	p1 =	seq.s32 s10, $0x1;
	s10 =	sld [smem:$0x3FBA];
	_ =	sdelay $0x3  }
0x37: {  	[smem:$0x3FBA] =	sst s10  }
0x38: {  	s10 =	sld [smem:$0x3FBB]  }
0x39: {  	_ = 	snop;
	(pc) =	sbr.ind lr, $3  }
0x3a: {  	_ = 	snop  }
0x3b: {  	_ = 	snop  }
0x3c: {  	p2 =	seq.s32 s10, $0x1;
	s10 =	sld [smem:$0x3FBA]  }
0x3d: {  	_ =	shalt  }
0x3e: {  	_ =	shalt  }
0x3f: {  	_ =	shalt  }
0x40: {  	_ =	shalt  }
0x41: {  	_ =	shalt  }
0x42: {  	_ =	shalt  }
0x43: {  	_ =	shalt  }
0x44: {  	_ =	shalt  }
0x45: {  	_ =	shalt  }
0x46: {  	_ =	shalt  }
0x47: {  	_ =	shalt  }
0x48: {  	_ =	shalt  }
0x49: {  	_ =	shalt  }
0x4a: {  	_ =	shalt  }
0x4b: {  	_ =	shalt  }
0x4c: {  	_ =	shalt  }
0x4d: {  	_ =	shalt  }
0x4e: {  	_ =	shalt  }
0x4f: {  	_ =	shalt  }
0x50: {  	_ =	shalt  }
0x51: {  	_ =	shalt  }
0x52: {  	_ =	shalt  }
0x53: {  	_ =	shalt  }
0x54: {  	_ =	shalt  }
0x55: {  	_ =	shalt  }
0x56: {  	_ =	shalt  }
0x57: {  	_ =	shalt  }
0x58: {  	_ =	shalt  }
0x59: {  	_ =	shalt  }
0x5a: {  	_ =	shalt  }
0x5b: {  	_ =	shalt  }
0x5c: {  	_ =	shalt  }
0x5d: {  	_ =	shalt  }
0x5e: {  	_ =	shalt  }
0x5f: {  	_ =	shalt  }
0x60: {  	_ =	shalt  }
0x61: {  	_ =	shalt  }
0x62: {  	_ =	shalt  }
0x63: {  	_ =	shalt  }
0x64: {  	_ =	shalt  }
0x65: {  	_ =	shalt  }
0x66: {  	_ =	shalt  }
0x67: {  	_ =	shalt  }
0x68: {  	_ =	shalt  }
0x69: {  	_ =	shalt  }
0x6a: {  	_ =	shalt  }
0x6b: {  	_ =	shalt  }
0x6c: {  	_ =	shalt  }
0x6d: {  	_ =	shalt  }
0x6e: {  	_ =	shalt  }
0x6f: {  	_ =	shalt  }
0x70: {  	_ =	shalt  }
0x71: {  	_ =	shalt  }
0x72: {  	_ =	shalt  }
0x73: {  	_ =	shalt  }
0x74: {  	_ =	shalt  }
0x75: {  	_ =	shalt  }
0x76: {  	_ =	shalt  }
0x77: {  	_ =	shalt  }
0x78: {  	_ =	shalt  }
0x79: {  	_ =	shalt  }
0x7a: {  	_ =	shalt  }
0x7b: {  	_ =	shalt  }
0x7c: {  	_ =	shalt  }
0x7d: {  	_ =	shalt  }
0x7e: {  	_ =	shalt  }
0x7f: {  	_ =	shalt  }
0x80: {  	_ =	shalt  }
0x81: {  	_ =	shalt  }
0x82: {  	_ =	shalt  }
0x83: {  	_ =	shalt  }
0x84: {  	_ =	shalt  }
0x85: {  	_ =	shalt  }
0x86: {  	_ =	shalt  }
0x87: {  	_ =	shalt  }
.Lfunc_end0:
.L_simem_size_0:
called_computation.2_lowered:
.L_overlay_start_0:
0x88: {  	s2 =	sld [smem:$0x3FD9]  }
0x89: {  	s3 =	sld [smem:$0x3FFE];
	_ =	sdelay $0x1  }
0x8a: {  	s1 =	srdreg.scid  }
0x8b: {  	s0 =	sand.u32 $0x1, s1  }
0x8c: {  	s17 =	sshll.u32 s0, $0xA;
	s2 =	sadd.s32 s3, s2  }
0x8d: {  	s2 =	sadd.s32 s2, s17  }
0x8e: {  	[smem:$0x3FC6] =	sst s2  }
0x8f: {  	_ = 	snop  }
0x90: {  	s2 =	sld [smem:$0x3FD0];
	(tm) =	ssettm $0x1  }
0x91: {  	s18 =	sld [smem:$0x3FFB];
	_ =	sdelay $0x3  }
0x92: {  	_ =	strace s18  }
0x93: {  	s3 =	sld [smem:$0x3FFC];
	_ =	sdelay $0x3  }
0x94: {  	_ =	strace s3  }
0x95: {  	s3 =	sld [smem:$0x3FFD];
	_ =	sdelay $0x3  }
0x96: {  	_ =	strace s3  }
0x97: {  	_ =	strace $0x8FFFFFFF  }
0x98: {  	s19 =	sld [smem:$0x3FDB];
	_ =	sdelay $0x1  }
0x99: {  	s4 =	simm.s32 $_scs_section_size  }
0x9a: {  	s5 =	simm.s32 $_size__tile_overlayer_lowered;
	s6 =	simm.s32 $_tile_overlayer_lowered  }
0x9b: {  	s22 =	simm.s32 $0x1BFF;
	s21 =	sshll.u32 s6, $0x1;
	s3 =	sadd.s32 s4, s19  }
0x9c: {  	s7 =	simm.s32 $0x0;
	s20 =	sshll.u32 s5, $0x1;
	s5 =	sadd.s32 s21, s3  }
0x9d: {  	[timem:s7], [sflag:s22] =	dma.local [hbm:s5], s20  }
0x9e: {  	_ =	swait.ge [sflag:s22], s20  }
0x9f: {  	s4 =	ssub.s32 $0x0, s20;
	[sflag:s22] =	ssyncset.done $0x0  }
0xa0: {  	[sflag:s22] =	ssyncadd.s32 s4;
	_ =	sdelay $0x1  }
0xa1: {  	s23 =	simm.s32 $0x1B8B  }
0xa2: {  	_ =	swait.ge [sflag:s23], $0x1  }
0xa3: {  	[sflag:s23] =	ssyncset.done $0x0  }
0xa4: {  	s25 =	simm.s32 $0x1B8E;
	s24 =	sld [smem:$0x3FFE];
	[sflag:s23] =	ssyncadd.s32 $0xFFFFFFFF  }
0xa5: {  	s26 =	simm.s32 $execute0_lowered;
	[smem:$0x3FD2] =	sst s25  }
0xa6: {  	s5 =	sshll.u32 s26, $0x1;
	_ =	strace $0x80000049;
	[dreg:$0x1] =	wrdreg $0xFFFFFFFF  }
0xa7: {  	s28 =	simm.s32 $_size_execute0_lowered;
	s3 =	sadd.s32 s3, s5;
	[dreg:$0x0] =	wrdreg $0x0  }
0xa8: {  	s5 =	sshll.u32 s28, $0x1;
	[dreg:$0x2] =	wrdreg s3  }
0xa9: {  	[dreg:$0x3] =	wrdreg s5  }
0xaa: {  	[dreg:$0x4] =	wrdreg $0xC0  }
0xab: {  	_ =	task [dreg:s7], $0x5FFFF  }
0xac: {  	[dreg:$0x1] =	wrdreg $0xFFFFFFFF  }
0xad: {  	[dreg:$0x0] =	wrdreg $0x60  }
0xae: {  	[dreg:$0x2] =	wrdreg s2  }
0xaf: {  	[dreg:$0x3] =	wrdreg s24  }
0xb0: {  	[dreg:$0x4] =	wrdreg $0x9  }
0xb1: {  	_ =	task.clear_ibuf [dreg:s7], $0x5FFFF;
	_ =	strace $0x90000049  }
0xb2: {  	s29 =	simm.s32 $0x9;
	_ =	strace $0x8000004B  }
0xb3: {  	_ =	swait.ge [sflag:s29], $0x1  }
0xb4: {  	[sflag:s29] =	ssyncadd.s32 $0xFFFFFFFF  }
0xb5: {  	_ =	strace $0x9000004B  }
0xb6: {  	_ =	sfence  }
0xb7: {  	s30 =	sld [smem:$0x0];
	_ =	sdelay $0x2  }
0xb8: {  	s31 =	sshll.u32 s1, $0xD;
	s1 =	sshrl.u32 s1, $0x2  }
0xb9: {  	s3 =	sand.u32 $0x4000, s31;
	s1 =	sadd.s32 s1, s30  }
0xba: {  	s0 =	sor.u32 s3, s0;
	s1 =	sshll.u32 s1, $0x11  }
0xbb: {  	s0 =	sor.u32 s1, s0  }
0xbc: {  	s0 =	sadd.s32 $0x8F2B, s0  }
0xbd: {  	[sflag:s0] =	ssyncadd.remote.s32 $0x1  }
0xbe: {  	_ =	sfence.sel $0xFFFF  }
0xbf: {  	[dreg:$0x0] =	wrdreg $0xFFFFFFFF;
	(pc) =	sbr.abs _section_cstart, $3  }
0xc0: {  	[dreg:$0x1] =	wrdreg $0xFFFFFFFF  }
0xc1: {  	_ =	task.clear_ibuf [dreg:s7], $0x2FFFF;
	_ =	strace $0x9FFFFFFF  }
0xc2: {  	(tm) =	ssettm $0x7FFFFFFF  }
0xc3: {  	_ =	shalt  }
tec
execute0_lowered:
.L_overlay_start_1:
0x0: {  	(tag) =	ssettag $0x1  }
0x1: {  	s0 =	rddreg [dreg:$0x0]  }
0x2: {  	s1 =	rddreg [dreg:$0x1];
	s2 =	srdreg.scid  }
0x3: {  	s4 =	simm.s32 $0x0;
	s3 =	stileid.u32;
	s23 =	simm.s32 $0x1A  }
0x4: {  	s31 =	simm.s32 $0x80;
	s21 =	simm.s32 $0x3;
	s22 =	simm.s32 $0x4000  }
0x5: {  	s25 =	simm.s32 $0x2;
	s28 =	simm.s32 $0x4;
	s30 =	simm.s32 $0x0  }
0x6: {  	s2 =	sand.u32 $0x1, s2;
	[smem:$0x7FF] =	sst s4;
	s3 =	sshll.u32 s3, $0xA  }
0x7: {  	s26 =	sshll.u32 s2, $0x9;
	_ =	strace $0x8000004A;
	s2 =	ssub.s32 $0x2, s2  }
0x8: {  	s4 =	sor.u32 s26, s3;
	s3 =	sadd.s32 $0xF43200, s1;
	s6 =	sshrl.u32 s2, $0x1  }
0x9: {  	s26 =	simm.s32 $0x40;
	s5 =	sshll.u32 s4, $0x9;
	s4 =	sshll.u32 s4, $0x2  }
0xa: {  	s2 =	ssub.s32 s2, s6;
	s1 =	sadd.s32 s5, s1;
	s0 =	sadd.s32 s0, s4  }
0xb: {  	s29 =	smax.u32 s2, $0x1;
	s2 =	simm.s32 $0x1D980;
	s4 =	simm.s32 $0x1  }
0xc: {  	[dreg:$0x3] =	wrdreg s0;
	s5 =	sadd.s32 $0xE00, s1;
	s6 =	sadd.s32 $0x4E00, s1  }
0xd: {  	s7 =	sadd.s32 $0x8E00, s1;
	s8 =	sadd.s32 $0xCE00, s1;
	s9 =	sadd.s32 $0x10E00, s1  }
0xe: {  	s10 =	sadd.s32 $0x14E00, s1;
	s11 =	sadd.s32 $0x18E00, s1;
	s12 =	sadd.s32 $0x1CE00, s1  }
0xf: {  	s13 =	sadd.s32 $0x20E00, s1;
	s14 =	sadd.s32 $0x24E00, s1;
	s15 =	sadd.s32 $0x28E00, s1  }
0x10: {  	s16 =	sadd.s32 $0x2CE00, s1;
	s17 =	sadd.s32 $0x30E00, s1;
	s18 =	sadd.s32 $0x34E00, s1  }
0x11: {  	s19 =	sadd.s32 $0x38E00, s1;
	s20 =	sadd.s32 $0x3CE00, s1;
	[dreg:$0x4] =	wrdreg s29  }
.LBB2_1:
0x12: {  	s0 =	simm.s32 $0x0;
	s1 =	rddreg [dreg:$0x3];
	s24 =	simm.s32 $0x5  }
0x13: {  	[tilespmem:s0], [sflag:$0x5] =	stream.linear.gather [hbm4b:s1+s0], $0x4000, $0x38;
	[tilespmem:$0x1E000] =	vst v63  }
0x14: {  	_ =	swait.ge [sflag:s24], $0x4000  }
0x15: {  	[sflag:s24] =	ssyncset.done $0x0  }
0x16: {  	[sflag:s24] =	ssyncadd.s32 $0xFFFFC000  }
0x17: {  	[tilespmem:s22], [sflag:$0x1] =	stream.indirect.gather [hbm4b:s3+s23], $0x40, s0, s23, $0xb8;
	[tilespmem:$0x1E000] =	vst v63  }
0x18: {  	s1 =	simm.s32 $0x20;
	s24 =	simm.s32 $0x4680  }
0x19: {  	[tilespmem:s24], [sflag:$0x1] =	stream.indirect.gather [hbm4b:s3+s23], $0x40, s1, s23, $0xb8;
	[tilespmem:$0x1E000] =	vst v63  }
0x1a: {  	s24 =	simm.s32 $0x4D00  }
0x1b: {  	[tilespmem:s24], [sflag:$0x1] =	stream.indirect.gather [hbm4b:s3+s23], $0x40, s26, s23, $0xb8;
	[tilespmem:$0x1E000] =	vst v63  }
0x1c: {  	s1 =	simm.s32 $0x60;
	s24 =	simm.s32 $0x5380  }
0x1d: {  	[tilespmem:s24], [sflag:$0x1] =	stream.indirect.gather [hbm4b:s3+s23], $0x40, s1, s23, $0xb8;
	[tilespmem:$0x1E000] =	vst v63  }
0x1e: {  	s24 =	simm.s32 $0x5A00  }
0x1f: {  	[tilespmem:s24], [sflag:$0x1] =	stream.indirect.gather [hbm4b:s3+s23], $0x40, s31, s23, $0xb8;
	[tilespmem:$0x1E000] =	vst v63  }
0x20: {  	s1 =	simm.s32 $0xA0;
	s24 =	simm.s32 $0x6080  }
0x21: {  	[tilespmem:s24], [sflag:$0x1] =	stream.indirect.gather [hbm4b:s3+s23], $0x40, s1, s23, $0xb8;
	[tilespmem:$0x1E000] =	vst v63  }
0x22: {  	s1 =	simm.s32 $0xC0;
	s24 =	simm.s32 $0x6700  }
0x23: {  	[tilespmem:s24], [sflag:$0x1] =	stream.indirect.gather [hbm4b:s3+s23], $0x40, s1, s23, $0xb8;
	[tilespmem:$0x1E000] =	vst v63  }
0x24: {  	s1 =	simm.s32 $0xE0;
	s24 =	simm.s32 $0x6D80  }
0x25: {  	[tilespmem:s24], [sflag:$0x1] =	stream.indirect.gather [hbm4b:s3+s23], $0x40, s1, s23, $0xb8;
	[tilespmem:$0x1E000] =	vst v63  }
0x26: {  	s1 =	simm.s32 $0x100;
	s24 =	simm.s32 $0x7400  }
0x27: {  	[tilespmem:s24], [sflag:$0x1] =	stream.indirect.gather [hbm4b:s3+s23], $0x40, s1, s23, $0xb8;
	[tilespmem:$0x1E000] =	vst v63  }
0x28: {  	s1 =	simm.s32 $0x120;
	s24 =	simm.s32 $0x7A80  }
0x29: {  	[tilespmem:s24], [sflag:$0x1] =	stream.indirect.gather [hbm4b:s3+s23], $0x40, s1, s23, $0xb8;
	[tilespmem:$0x1E000] =	vst v63  }
0x2a: {  	s1 =	simm.s32 $0x140;
	s24 =	simm.s32 $0x8100  }
0x2b: {  	[tilespmem:s24], [sflag:$0x1] =	stream.indirect.gather [hbm4b:s3+s23], $0x40, s1, s23, $0xb8;
	[tilespmem:$0x1E000] =	vst v63  }
0x2c: {  	s1 =	simm.s32 $0x160;
	s24 =	simm.s32 $0x8780  }
0x2d: {  	[tilespmem:s24], [sflag:$0x1] =	stream.indirect.gather [hbm4b:s3+s23], $0x40, s1, s23, $0xb8;
	[tilespmem:$0x1E000] =	vst v63  }
0x2e: {  	s1 =	simm.s32 $0x180;
	s24 =	simm.s32 $0x8E00  }
0x2f: {  	[tilespmem:s24], [sflag:$0x1] =	stream.indirect.gather [hbm4b:s3+s23], $0x40, s1, s23, $0xb8;
	[tilespmem:$0x1E000] =	vst v63  }
0x30: {  	s1 =	simm.s32 $0x1A0;
	s24 =	simm.s32 $0x9480  }
0x31: {  	[tilespmem:s24], [sflag:$0x1] =	stream.indirect.gather [hbm4b:s3+s23], $0x40, s1, s23, $0xb8;
	[tilespmem:$0x1E000] =	vst v63  }
0x32: {  	s1 =	simm.s32 $0x1C0;
	s24 =	simm.s32 $0x9B00  }
0x33: {  	[tilespmem:s24], [sflag:$0x1] =	stream.indirect.gather [hbm4b:s3+s23], $0x40, s1, s23, $0xb8;
	[tilespmem:$0x1E000] =	vst v63  }
0x34: {  	s1 =	simm.s32 $0x1E0;
	s24 =	simm.s32 $0xA180  }
0x35: {  	[tilespmem:s24], [sflag:$0x1] =	stream.indirect.gather [hbm4b:s3+s23], $0x40, s1, s23, $0xb8;
	[tilespmem:$0x1E000] =	vst v63  }
0x36: {  	s1 =	simm.s32 $0x200;
	s24 =	simm.s32 $0xA800  }
0x37: {  	[tilespmem:s24], [sflag:$0x1] =	stream.indirect.gather [hbm4b:s3+s23], $0x40, s1, s23, $0xb8;
	[tilespmem:$0x1E000] =	vst v63  }
0x38: {  	s1 =	simm.s32 $0x220;
	s24 =	simm.s32 $0xAE80  }
0x39: {  	[tilespmem:s24], [sflag:$0x1] =	stream.indirect.gather [hbm4b:s3+s23], $0x40, s1, s23, $0xb8;
	[tilespmem:$0x1E000] =	vst v63  }
0x3a: {  	s1 =	simm.s32 $0x240;
	s24 =	simm.s32 $0xB500  }
0x3b: {  	[tilespmem:s24], [sflag:$0x1] =	stream.indirect.gather [hbm4b:s3+s23], $0x40, s1, s23, $0xb8;
	[tilespmem:$0x1E000] =	vst v63  }
0x3c: {  	s1 =	simm.s32 $0x260;
	s24 =	simm.s32 $0xBB80  }
0x3d: {  	[tilespmem:s24], [sflag:$0x1] =	stream.indirect.gather [hbm4b:s3+s23], $0x40, s1, s23, $0xb8;
	[tilespmem:$0x1E000] =	vst v63  }
0x3e: {  	s1 =	simm.s32 $0x280;
	s24 =	simm.s32 $0xC200  }
0x3f: {  	[tilespmem:s24], [sflag:$0x1] =	stream.indirect.gather [hbm4b:s3+s23], $0x40, s1, s23, $0xb8;
	[tilespmem:$0x1E000] =	vst v63  }
0x40: {  	s1 =	simm.s32 $0x2A0;
	s24 =	simm.s32 $0xC880  }
0x41: {  	[tilespmem:s24], [sflag:$0x1] =	stream.indirect.gather [hbm4b:s3+s23], $0x40, s1, s23, $0xb8;
	[tilespmem:$0x1E000] =	vst v63  }
0x42: {  	s1 =	simm.s32 $0x2C0;
	s24 =	simm.s32 $0xCF00  }
0x43: {  	[tilespmem:s24], [sflag:$0x1] =	stream.indirect.gather [hbm4b:s3+s23], $0x40, s1, s23, $0xb8;
	[tilespmem:$0x1E000] =	vst v63  }
0x44: {  	s1 =	simm.s32 $0x2E0;
	s24 =	simm.s32 $0xD580  }
0x45: {  	[tilespmem:s24], [sflag:$0x1] =	stream.indirect.gather [hbm4b:s3+s23], $0x40, s1, s23, $0xb8;
	[tilespmem:$0x1E000] =	vst v63  }
0x46: {  	s1 =	simm.s32 $0x300;
	s24 =	simm.s32 $0xDC00  }
0x47: {  	[tilespmem:s24], [sflag:$0x1] =	stream.indirect.gather [hbm4b:s3+s23], $0x40, s1, s23, $0xb8;
	[tilespmem:$0x1E000] =	vst v63  }
0x48: {  	s1 =	simm.s32 $0x320;
	s24 =	simm.s32 $0xE280  }
0x49: {  	[tilespmem:s24], [sflag:$0x1] =	stream.indirect.gather [hbm4b:s3+s23], $0x40, s1, s23, $0xb8;
	[tilespmem:$0x1E000] =	vst v63  }
0x4a: {  	s1 =	simm.s32 $0x340;
	s24 =	simm.s32 $0xE900  }
0x4b: {  	[tilespmem:s24], [sflag:$0x1] =	stream.indirect.gather [hbm4b:s3+s23], $0x40, s1, s23, $0xb8;
	[tilespmem:$0x1E000] =	vst v63  }
0x4c: {  	s1 =	simm.s32 $0x360;
	s24 =	simm.s32 $0xEF80  }
0x4d: {  	[tilespmem:s24], [sflag:$0x1] =	stream.indirect.gather [hbm4b:s3+s23], $0x40, s1, s23, $0xb8;
	[tilespmem:$0x1E000] =	vst v63  }
0x4e: {  	s1 =	simm.s32 $0x380;
	s24 =	simm.s32 $0xF600  }
0x4f: {  	[tilespmem:s24], [sflag:$0x1] =	stream.indirect.gather [hbm4b:s3+s23], $0x40, s1, s23, $0xb8;
	[tilespmem:$0x1E000] =	vst v63  }
0x50: {  	s1 =	simm.s32 $0x3A0;
	s24 =	simm.s32 $0xFC80  }
0x51: {  	[tilespmem:s24], [sflag:$0x1] =	stream.indirect.gather [hbm4b:s3+s23], $0x40, s1, s23, $0xb8;
	[tilespmem:$0x1E000] =	vst v63  }
0x52: {  	s1 =	simm.s32 $0x3C0;
	s24 =	simm.s32 $0x10300  }
0x53: {  	[tilespmem:s24], [sflag:$0x1] =	stream.indirect.gather [hbm4b:s3+s23], $0x40, s1, s23, $0xb8;
	[tilespmem:$0x1E000] =	vst v63  }
0x54: {  	s1 =	simm.s32 $0x3E0;
	s24 =	simm.s32 $0x10980  }
0x55: {  	[tilespmem:s24], [sflag:$0x1] =	stream.indirect.gather [hbm4b:s3+s23], $0x40, s1, s23, $0xb8;
	[tilespmem:$0x1E000] =	vst v63  }
0x56: {  	s1 =	simm.s32 $0x400;
	s24 =	simm.s32 $0x11000  }
0x57: {  	[tilespmem:s24], [sflag:$0x2] =	stream.indirect.gather [hbm4b:s3+s23], $0x40, s1, s23, $0xb8;
	[tilespmem:$0x1E000] =	vst v63  }
0x58: {  	s1 =	simm.s32 $0x420;
	s24 =	simm.s32 $0x11680  }
0x59: {  	[tilespmem:s24], [sflag:$0x2] =	stream.indirect.gather [hbm4b:s3+s23], $0x40, s1, s23, $0xb8;
	[tilespmem:$0x1E000] =	vst v63  }
0x5a: {  	s1 =	simm.s32 $0x440;
	s24 =	simm.s32 $0x11D00  }
0x5b: {  	[tilespmem:s24], [sflag:$0x2] =	stream.indirect.gather [hbm4b:s3+s23], $0x40, s1, s23, $0xb8;
	[tilespmem:$0x1E000] =	vst v63  }
0x5c: {  	s1 =	simm.s32 $0x460;
	s24 =	simm.s32 $0x12380  }
0x5d: {  	[tilespmem:s24], [sflag:$0x2] =	stream.indirect.gather [hbm4b:s3+s23], $0x40, s1, s23, $0xb8;
	[tilespmem:$0x1E000] =	vst v63  }
0x5e: {  	s1 =	simm.s32 $0x480;
	s24 =	simm.s32 $0x12A00  }
0x5f: {  	[tilespmem:s24], [sflag:$0x2] =	stream.indirect.gather [hbm4b:s3+s23], $0x40, s1, s23, $0xb8;
	[tilespmem:$0x1E000] =	vst v63  }
0x60: {  	s1 =	simm.s32 $0x4A0;
	s24 =	simm.s32 $0x13080  }
0x61: {  	[tilespmem:s24], [sflag:$0x2] =	stream.indirect.gather [hbm4b:s3+s23], $0x40, s1, s23, $0xb8;
	[tilespmem:$0x1E000] =	vst v63  }
0x62: {  	s1 =	simm.s32 $0x4C0;
	s24 =	simm.s32 $0x13700  }
0x63: {  	[tilespmem:s24], [sflag:$0x2] =	stream.indirect.gather [hbm4b:s3+s23], $0x40, s1, s23, $0xb8;
	[tilespmem:$0x1E000] =	vst v63  }
0x64: {  	s1 =	simm.s32 $0x4E0;
	s24 =	simm.s32 $0x13D80  }
0x65: {  	[tilespmem:s24], [sflag:$0x2] =	stream.indirect.gather [hbm4b:s3+s23], $0x40, s1, s23, $0xb8;
	[tilespmem:$0x1E000] =	vst v63  }
0x66: {  	s1 =	simm.s32 $0x500;
	s24 =	simm.s32 $0x14400  }
0x67: {  	[tilespmem:s24], [sflag:$0x2] =	stream.indirect.gather [hbm4b:s3+s23], $0x40, s1, s23, $0xb8;
	[tilespmem:$0x1E000] =	vst v63  }
0x68: {  	s1 =	simm.s32 $0x520;
	s24 =	simm.s32 $0x14A80  }
0x69: {  	[tilespmem:s24], [sflag:$0x2] =	stream.indirect.gather [hbm4b:s3+s23], $0x40, s1, s23, $0xb8;
	[tilespmem:$0x1E000] =	vst v63  }
0x6a: {  	s1 =	simm.s32 $0x540;
	s24 =	simm.s32 $0x15100  }
0x6b: {  	[tilespmem:s24], [sflag:$0x2] =	stream.indirect.gather [hbm4b:s3+s23], $0x40, s1, s23, $0xb8;
	[tilespmem:$0x1E000] =	vst v63  }
0x6c: {  	s1 =	simm.s32 $0x560;
	s24 =	simm.s32 $0x15780  }
0x6d: {  	[tilespmem:s24], [sflag:$0x2] =	stream.indirect.gather [hbm4b:s3+s23], $0x40, s1, s23, $0xb8;
	[tilespmem:$0x1E000] =	vst v63  }
0x6e: {  	s1 =	simm.s32 $0x580;
	s24 =	simm.s32 $0x15E00  }
0x6f: {  	[tilespmem:s24], [sflag:$0x2] =	stream.indirect.gather [hbm4b:s3+s23], $0x40, s1, s23, $0xb8;
	[tilespmem:$0x1E000] =	vst v63  }
0x70: {  	s1 =	simm.s32 $0x5A0;
	s24 =	simm.s32 $0x16480  }
0x71: {  	[tilespmem:s24], [sflag:$0x2] =	stream.indirect.gather [hbm4b:s3+s23], $0x40, s1, s23, $0xb8;
	[tilespmem:$0x1E000] =	vst v63  }
0x72: {  	s1 =	simm.s32 $0x5C0;
	s24 =	simm.s32 $0x16B00  }
0x73: {  	[tilespmem:s24], [sflag:$0x2] =	stream.indirect.gather [hbm4b:s3+s23], $0x40, s1, s23, $0xb8;
	[tilespmem:$0x1E000] =	vst v63  }
0x74: {  	s1 =	simm.s32 $0x5E0;
	s24 =	simm.s32 $0x17180  }
0x75: {  	[tilespmem:s24], [sflag:$0x2] =	stream.indirect.gather [hbm4b:s3+s23], $0x40, s1, s23, $0xb8;
	[tilespmem:$0x1E000] =	vst v63  }
0x76: {  	s1 =	simm.s32 $0x600;
	s24 =	simm.s32 $0x17800  }
0x77: {  	[tilespmem:s24], [sflag:$0x2] =	stream.indirect.gather [hbm4b:s3+s23], $0x40, s1, s23, $0xb8;
	[tilespmem:$0x1E000] =	vst v63  }
0x78: {  	s1 =	simm.s32 $0x620;
	s24 =	simm.s32 $0x17E80  }
0x79: {  	[tilespmem:s24], [sflag:$0x2] =	stream.indirect.gather [hbm4b:s3+s23], $0x40, s1, s23, $0xb8;
	[tilespmem:$0x1E000] =	vst v63  }
0x7a: {  	s1 =	simm.s32 $0x640;
	s24 =	simm.s32 $0x18500  }
0x7b: {  	[tilespmem:s24], [sflag:$0x2] =	stream.indirect.gather [hbm4b:s3+s23], $0x40, s1, s23, $0xb8;
	[tilespmem:$0x1E000] =	vst v63  }
0x7c: {  	s1 =	simm.s32 $0x660;
	s24 =	simm.s32 $0x18B80  }
0x7d: {  	[tilespmem:s24], [sflag:$0x2] =	stream.indirect.gather [hbm4b:s3+s23], $0x40, s1, s23, $0xb8;
	[tilespmem:$0x1E000] =	vst v63  }
0x7e: {  	s1 =	simm.s32 $0x680;
	s24 =	simm.s32 $0x19200  }
0x7f: {  	[tilespmem:s24], [sflag:$0x2] =	stream.indirect.gather [hbm4b:s3+s23], $0x40, s1, s23, $0xb8;
	[tilespmem:$0x1E000] =	vst v63  }
0x80: {  	s1 =	simm.s32 $0x6A0;
	s24 =	simm.s32 $0x19880  }
0x81: {  	[tilespmem:s24], [sflag:$0x2] =	stream.indirect.gather [hbm4b:s3+s23], $0x40, s1, s23, $0xb8;
	[tilespmem:$0x1E000] =	vst v63  }
0x82: {  	s1 =	simm.s32 $0x6C0;
	s24 =	simm.s32 $0x19F00  }
0x83: {  	[tilespmem:s24], [sflag:$0x2] =	stream.indirect.gather [hbm4b:s3+s23], $0x40, s1, s23, $0xb8;
	[tilespmem:$0x1E000] =	vst v63  }
0x84: {  	s1 =	simm.s32 $0x6E0;
	s24 =	simm.s32 $0x1A580  }
0x85: {  	[tilespmem:s24], [sflag:$0x2] =	stream.indirect.gather [hbm4b:s3+s23], $0x40, s1, s23, $0xb8;
	[tilespmem:$0x1E000] =	vst v63  }
0x86: {  	s1 =	simm.s32 $0x700;
	s24 =	simm.s32 $0x1AC00  }
0x87: {  	[tilespmem:s24], [sflag:$0x2] =	stream.indirect.gather [hbm4b:s3+s23], $0x40, s1, s23, $0xb8;
	[tilespmem:$0x1E000] =	vst v63  }
0x88: {  	s1 =	simm.s32 $0x720;
	s24 =	simm.s32 $0x1B280  }
0x89: {  	[tilespmem:s24], [sflag:$0x2] =	stream.indirect.gather [hbm4b:s3+s23], $0x40, s1, s23, $0xb8;
	[tilespmem:$0x1E000] =	vst v63  }
0x8a: {  	s1 =	simm.s32 $0x740;
	s24 =	simm.s32 $0x1B900  }
0x8b: {  	[tilespmem:s24], [sflag:$0x2] =	stream.indirect.gather [hbm4b:s3+s23], $0x40, s1, s23, $0xb8;
	[tilespmem:$0x1E000] =	vst v63  }
0x8c: {  	s1 =	simm.s32 $0x760;
	s24 =	simm.s32 $0x1BF80  }
0x8d: {  	[tilespmem:s24], [sflag:$0x2] =	stream.indirect.gather [hbm4b:s3+s23], $0x40, s1, s23, $0xb8;
	[tilespmem:$0x1E000] =	vst v63  }
0x8e: {  	s1 =	simm.s32 $0x780;
	s24 =	simm.s32 $0x1C600  }
0x8f: {  	[tilespmem:s24], [sflag:$0x2] =	stream.indirect.gather [hbm4b:s3+s23], $0x40, s1, s23, $0xb8;
	[tilespmem:$0x1E000] =	vst v63  }
0x90: {  	s1 =	simm.s32 $0x7A0;
	s24 =	simm.s32 $0x1CC80  }
0x91: {  	[tilespmem:s24], [sflag:$0x2] =	stream.indirect.gather [hbm4b:s3+s23], $0x40, s1, s23, $0xb8;
	[tilespmem:$0x1E000] =	vst v63  }
0x92: {  	s1 =	simm.s32 $0x7C0;
	s24 =	simm.s32 $0x1D300  }
0x93: {  	[tilespmem:s24], [sflag:$0x2] =	stream.indirect.gather [hbm4b:s3+s23], $0x40, s1, s23, $0xb8;
	[tilespmem:$0x1E000] =	vst v63  }
0x94: {  	s24 =	simm.s32 $0x7E0  }
0x95: {  	[tilespmem:s2], [sflag:$0x2] =	stream.indirect.gather [hbm4b:s3+s23], $0x40, s24, s23, $0xb8;
	[tilespmem:$0x1E000] =	vst v63  }
0x96: {  	_ =	swait.ge [sflag:s4], $0xD000  }
0x97: {  	s29 =	sadd.s32 $0x0, s5;
	s0 =	simm.s32 $0x200;
	[sflag:s4] =	ssyncset.done $0x0  }
0x98: {  	s1 =	simm.s32 $0x4000;
	s24 =	simm.s32 $0x4680;
	[sflag:s4] =	ssyncadd.s32 $0xFFFF3000  }
.LBB2_2:
0x99: {  	[hbm4b:s29+s26] =	stream.strided.scatter [tilespmem:s1], [sflag:$0x3], $0x680, s31, s26, $0x38;
	[tilespmem:$0x1E000] =	vst v63  }
0x9a: {  	s29 =	smov.u32 s0;
	s1 =	smov.u32 s24;
	p0 =	sne.s32 s0, $0x3E00  }
.Ltmp0:
0x9b: {  	s0 =	sadd.s32 $0x200, s0;
	(pc) =	sbr.rel @p0 .LBB2_2-.Ltmp0, $2  }
0x9c: {  	_ =	sdelay $0x2  }
0x9d: {  	s24 =	sadd.s32 $0x680, s24;
	s29 =	sadd.s32 s29, s5  }
0x9e: {  	[hbm4b:s29+s26] =	stream.strided.scatter [tilespmem:s1], [sflag:$0x3], $0x680, s31, s26, $0x38;
	[tilespmem:$0x1E000] =	vst v63  }
0x9f: {  	_ =	swait.ge [sflag:s21], $0xD000  }
0xa0: {  	[sflag:s21] =	ssyncset.done $0x0  }
0xa1: {  	s0 =	simm.s32 $0x800;
	[sflag:s21] =	ssyncadd.s32 $0xFFFF3000  }
0xa2: {  	[tilespmem:s22], [sflag:$0x1] =	stream.indirect.gather [hbm4b:s3+s23], $0x40, s0, s23, $0xb8;
	[tilespmem:$0x1E000] =	vst v63  }
0xa3: {  	s1 =	simm.s32 $0x4680;
	s24 =	simm.s32 $0x820  }
0xa4: {  	[tilespmem:s1], [sflag:$0x1] =	stream.indirect.gather [hbm4b:s3+s23], $0x40, s24, s23, $0xb8;
	[tilespmem:$0x1E000] =	vst v63  }
0xa5: {  	s1 =	simm.s32 $0x4D00;
	s24 =	simm.s32 $0x840  }
0xa6: {  	[tilespmem:s1], [sflag:$0x1] =	stream.indirect.gather [hbm4b:s3+s23], $0x40, s24, s23, $0xb8;
	[tilespmem:$0x1E000] =	vst v63  }
0xa7: {  	s1 =	simm.s32 $0x5380;
	s24 =	simm.s32 $0x860  }
0xa8: {  	[tilespmem:s1], [sflag:$0x1] =	stream.indirect.gather [hbm4b:s3+s23], $0x40, s24, s23, $0xb8;
	[tilespmem:$0x1E000] =	vst v63  }
0xa9: {  	s1 =	simm.s32 $0x5A00;
	s24 =	simm.s32 $0x880  }
0xaa: {  	[tilespmem:s1], [sflag:$0x1] =	stream.indirect.gather [hbm4b:s3+s23], $0x40, s24, s23, $0xb8;
	[tilespmem:$0x1E000] =	vst v63  }
0xab: {  	s1 =	simm.s32 $0x6080;
	s24 =	simm.s32 $0x8A0  }
0xac: {  	[tilespmem:s1], [sflag:$0x1] =	stream.indirect.gather [hbm4b:s3+s23], $0x40, s24, s23, $0xb8;
	[tilespmem:$0x1E000] =	vst v63  }
0xad: {  	s1 =	simm.s32 $0x6700;
	s24 =	simm.s32 $0x8C0  }
0xae: {  	[tilespmem:s1], [sflag:$0x1] =	stream.indirect.gather [hbm4b:s3+s23], $0x40, s24, s23, $0xb8;
	[tilespmem:$0x1E000] =	vst v63  }
0xaf: {  	s1 =	simm.s32 $0x6D80;
	s24 =	simm.s32 $0x8E0  }
0xb0: {  	[tilespmem:s1], [sflag:$0x1] =	stream.indirect.gather [hbm4b:s3+s23], $0x40, s24, s23, $0xb8;
	[tilespmem:$0x1E000] =	vst v63  }
0xb1: {  	s1 =	simm.s32 $0x7400;
	s24 =	simm.s32 $0x900  }
0xb2: {  	[tilespmem:s1], [sflag:$0x1] =	stream.indirect.gather [hbm4b:s3+s23], $0x40, s24, s23, $0xb8;
	[tilespmem:$0x1E000] =	vst v63  }
0xb3: {  	s1 =	simm.s32 $0x7A80;
	s24 =	simm.s32 $0x920  }
0xb4: {  	[tilespmem:s1], [sflag:$0x1] =	stream.indirect.gather [hbm4b:s3+s23], $0x40, s24, s23, $0xb8;
	[tilespmem:$0x1E000] =	vst v63  }
0xb5: {  	s1 =	simm.s32 $0x8100;
	s24 =	simm.s32 $0x940  }
0xb6: {  	[tilespmem:s1], [sflag:$0x1] =	stream.indirect.gather [hbm4b:s3+s23], $0x40, s24, s23, $0xb8;
	[tilespmem:$0x1E000] =	vst v63  }
0xb7: {  	s1 =	simm.s32 $0x8780;
	s24 =	simm.s32 $0x960  }
0xb8: {  	[tilespmem:s1], [sflag:$0x1] =	stream.indirect.gather [hbm4b:s3+s23], $0x40, s24, s23, $0xb8;
	[tilespmem:$0x1E000] =	vst v63  }
0xb9: {  	s1 =	simm.s32 $0x8E00;
	s24 =	simm.s32 $0x980  }
0xba: {  	[tilespmem:s1], [sflag:$0x1] =	stream.indirect.gather [hbm4b:s3+s23], $0x40, s24, s23, $0xb8;
	[tilespmem:$0x1E000] =	vst v63  }
0xbb: {  	s1 =	simm.s32 $0x9480;
	s24 =	simm.s32 $0x9A0  }
0xbc: {  	[tilespmem:s1], [sflag:$0x1] =	stream.indirect.gather [hbm4b:s3+s23], $0x40, s24, s23, $0xb8;
	[tilespmem:$0x1E000] =	vst v63  }
0xbd: {  	s1 =	simm.s32 $0x9B00;
	s24 =	simm.s32 $0x9C0  }
0xbe: {  	[tilespmem:s1], [sflag:$0x1] =	stream.indirect.gather [hbm4b:s3+s23], $0x40, s24, s23, $0xb8;
	[tilespmem:$0x1E000] =	vst v63  }
0xbf: {  	s1 =	simm.s32 $0xA180;
	s24 =	simm.s32 $0x9E0  }
0xc0: {  	[tilespmem:s1], [sflag:$0x1] =	stream.indirect.gather [hbm4b:s3+s23], $0x40, s24, s23, $0xb8;
	[tilespmem:$0x1E000] =	vst v63  }
0xc1: {  	s1 =	simm.s32 $0xA800;
	s24 =	simm.s32 $0xA00  }
0xc2: {  	[tilespmem:s1], [sflag:$0x1] =	stream.indirect.gather [hbm4b:s3+s23], $0x40, s24, s23, $0xb8;
	[tilespmem:$0x1E000] =	vst v63  }
0xc3: {  	s1 =	simm.s32 $0xAE80;
	s24 =	simm.s32 $0xA20  }
0xc4: {  	[tilespmem:s1], [sflag:$0x1] =	stream.indirect.gather [hbm4b:s3+s23], $0x40, s24, s23, $0xb8;
	[tilespmem:$0x1E000] =	vst v63  }
0xc5: {  	s1 =	simm.s32 $0xB500;
	s24 =	simm.s32 $0xA40  }
0xc6: {  	[tilespmem:s1], [sflag:$0x1] =	stream.indirect.gather [hbm4b:s3+s23], $0x40, s24, s23, $0xb8;
	[tilespmem:$0x1E000] =	vst v63  }
0xc7: {  	s1 =	simm.s32 $0xBB80;
	s24 =	simm.s32 $0xA60  }
0xc8: {  	[tilespmem:s1], [sflag:$0x1] =	stream.indirect.gather [hbm4b:s3+s23], $0x40, s24, s23, $0xb8;
	[tilespmem:$0x1E000] =	vst v63  }
0xc9: {  	s1 =	simm.s32 $0xC200;
	s24 =	simm.s32 $0xA80  }
0xca: {  	[tilespmem:s1], [sflag:$0x1] =	stream.indirect.gather [hbm4b:s3+s23], $0x40, s24, s23, $0xb8;
	[tilespmem:$0x1E000] =	vst v63  }
0xcb: {  	s1 =	simm.s32 $0xC880;
	s24 =	simm.s32 $0xAA0  }
0xcc: {  	[tilespmem:s1], [sflag:$0x1] =	stream.indirect.gather [hbm4b:s3+s23], $0x40, s24, s23, $0xb8;
	[tilespmem:$0x1E000] =	vst v63  }
0xcd: {  	s1 =	simm.s32 $0xCF00;
	s24 =	simm.s32 $0xAC0  }
0xce: {  	[tilespmem:s1], [sflag:$0x1] =	stream.indirect.gather [hbm4b:s3+s23], $0x40, s24, s23, $0xb8;
	[tilespmem:$0x1E000] =	vst v63  }
0xcf: {  	s1 =	simm.s32 $0xD580;
	s24 =	simm.s32 $0xAE0  }
0xd0: {  	[tilespmem:s1], [sflag:$0x1] =	stream.indirect.gather [hbm4b:s3+s23], $0x40, s24, s23, $0xb8;
	[tilespmem:$0x1E000] =	vst v63  }
0xd1: {  	s1 =	simm.s32 $0xDC00;
	s24 =	simm.s32 $0xB00  }
0xd2: {  	[tilespmem:s1], [sflag:$0x1] =	stream.indirect.gather [hbm4b:s3+s23], $0x40, s24, s23, $0xb8;
	[tilespmem:$0x1E000] =	vst v63  }
0xd3: {  	s1 =	simm.s32 $0xE280;
	s24 =	simm.s32 $0xB20  }
0xd4: {  	[tilespmem:s1], [sflag:$0x1] =	stream.indirect.gather [hbm4b:s3+s23], $0x40, s24, s23, $0xb8;
	[tilespmem:$0x1E000] =	vst v63  }
0xd5: {  	s1 =	simm.s32 $0xE900;
	s24 =	simm.s32 $0xB40  }
0xd6: {  	[tilespmem:s1], [sflag:$0x1] =	stream.indirect.gather [hbm4b:s3+s23], $0x40, s24, s23, $0xb8;
	[tilespmem:$0x1E000] =	vst v63  }
0xd7: {  	s1 =	simm.s32 $0xEF80;
	s24 =	simm.s32 $0xB60  }
0xd8: {  	[tilespmem:s1], [sflag:$0x1] =	stream.indirect.gather [hbm4b:s3+s23], $0x40, s24, s23, $0xb8;
	[tilespmem:$0x1E000] =	vst v63  }
0xd9: {  	s1 =	simm.s32 $0xF600;
	s24 =	simm.s32 $0xB80  }
0xda: {  	[tilespmem:s1], [sflag:$0x1] =	stream.indirect.gather [hbm4b:s3+s23], $0x40, s24, s23, $0xb8;
	[tilespmem:$0x1E000] =	vst v63  }
0xdb: {  	s1 =	simm.s32 $0xFC80;
	s24 =	simm.s32 $0xBA0  }
0xdc: {  	[tilespmem:s1], [sflag:$0x1] =	stream.indirect.gather [hbm4b:s3+s23], $0x40, s24, s23, $0xb8;
	[tilespmem:$0x1E000] =	vst v63  }
0xdd: {  	s1 =	simm.s32 $0x10300;
	s24 =	simm.s32 $0xBC0  }
0xde: {  	[tilespmem:s1], [sflag:$0x1] =	stream.indirect.gather [hbm4b:s3+s23], $0x40, s24, s23, $0xb8;
	[tilespmem:$0x1E000] =	vst v63  }
0xdf: {  	s1 =	simm.s32 $0x10980;
	s24 =	simm.s32 $0xBE0  }
0xe0: {  	[tilespmem:s1], [sflag:$0x1] =	stream.indirect.gather [hbm4b:s3+s23], $0x40, s24, s23, $0xb8;
	[tilespmem:$0x1E000] =	vst v63  }
0xe1: {  	_ =	swait.ge [sflag:s25], $0xD000  }
0xe2: {  	s29 =	sadd.s32 $0x0, s6;
	s0 =	simm.s32 $0x11000;
	[sflag:s25] =	ssyncset.done $0x0  }
0xe3: {  	s24 =	simm.s32 $0x200;
	s1 =	simm.s32 $0x11680;
	[sflag:s25] =	ssyncadd.s32 $0xFFFF3000  }
.LBB2_4:
0xe4: {  	[hbm4b:s29+s26] =	stream.strided.scatter [tilespmem:s0], [sflag:$0x4], $0x680, s31, s26, $0x38;
	[tilespmem:$0x1E000] =	vst v63  }
0xe5: {  	s29 =	smov.u32 s24;
	s0 =	smov.u32 s1;
	p0 =	sne.s32 s24, $0x3E00  }
.Ltmp1:
0xe6: {  	s24 =	sadd.s32 $0x200, s24;
	(pc) =	sbr.rel @p0 .LBB2_4-.Ltmp1, $2  }
0xe7: {  	_ =	sdelay $0x2  }
0xe8: {  	s1 =	sadd.s32 $0x680, s1;
	s29 =	sadd.s32 s29, s6  }
0xe9: {  	[hbm4b:s29+s26] =	stream.strided.scatter [tilespmem:s0], [sflag:$0x4], $0x680, s31, s26, $0x38;
	[tilespmem:$0x1E000] =	vst v63  }
0xea: {  	_ =	swait.ge [sflag:s28], $0xD000  }
0xeb: {  	[sflag:s28] =	ssyncset.done $0x0  }
0xec: {  	s24 =	simm.s32 $0x11000;
	s1 =	simm.s32 $0xC00;
	[sflag:s28] =	ssyncadd.s32 $0xFFFF3000  }
0xed: {  	[tilespmem:s24], [sflag:$0x2] =	stream.indirect.gather [hbm4b:s3+s23], $0x40, s1, s23, $0xb8;
	[tilespmem:$0x1E000] =	vst v63  }
0xee: {  	s1 =	simm.s32 $0x11680;
	s24 =	simm.s32 $0xC20  }
0xef: {  	[tilespmem:s1], [sflag:$0x2] =	stream.indirect.gather [hbm4b:s3+s23], $0x40, s24, s23, $0xb8;
	[tilespmem:$0x1E000] =	vst v63  }
0xf0: {  	s1 =	simm.s32 $0x11D00;
	s24 =	simm.s32 $0xC40  }
0xf1: {  	[tilespmem:s1], [sflag:$0x2] =	stream.indirect.gather [hbm4b:s3+s23], $0x40, s24, s23, $0xb8;
	[tilespmem:$0x1E000] =	vst v63  }
0xf2: {  	s1 =	simm.s32 $0x12380;
	s24 =	simm.s32 $0xC60  }
0xf3: {  	[tilespmem:s1], [sflag:$0x2] =	stream.indirect.gather [hbm4b:s3+s23], $0x40, s24, s23, $0xb8;
	[tilespmem:$0x1E000] =	vst v63  }
0xf4: {  	s1 =	simm.s32 $0x12A00;
	s24 =	simm.s32 $0xC80  }
0xf5: {  	[tilespmem:s1], [sflag:$0x2] =	stream.indirect.gather [hbm4b:s3+s23], $0x40, s24, s23, $0xb8;
	[tilespmem:$0x1E000] =	vst v63  }
0xf6: {  	s1 =	simm.s32 $0x13080;
	s24 =	simm.s32 $0xCA0  }
0xf7: {  	[tilespmem:s1], [sflag:$0x2] =	stream.indirect.gather [hbm4b:s3+s23], $0x40, s24, s23, $0xb8;
	[tilespmem:$0x1E000] =	vst v63  }
0xf8: {  	s1 =	simm.s32 $0x13700;
	s24 =	simm.s32 $0xCC0  }
0xf9: {  	[tilespmem:s1], [sflag:$0x2] =	stream.indirect.gather [hbm4b:s3+s23], $0x40, s24, s23, $0xb8;
	[tilespmem:$0x1E000] =	vst v63  }
0xfa: {  	s1 =	simm.s32 $0x13D80;
	s24 =	simm.s32 $0xCE0  }
0xfb: {  	[tilespmem:s1], [sflag:$0x2] =	stream.indirect.gather [hbm4b:s3+s23], $0x40, s24, s23, $0xb8;
	[tilespmem:$0x1E000] =	vst v63  }
0xfc: {  	s1 =	simm.s32 $0x14400;
	s24 =	simm.s32 $0xD00  }
0xfd: {  	[tilespmem:s1], [sflag:$0x2] =	stream.indirect.gather [hbm4b:s3+s23], $0x40, s24, s23, $0xb8;
	[tilespmem:$0x1E000] =	vst v63  }
0xfe: {  	s1 =	simm.s32 $0x14A80;
	s24 =	simm.s32 $0xD20  }
0xff: {  	[tilespmem:s1], [sflag:$0x2] =	stream.indirect.gather [hbm4b:s3+s23], $0x40, s24, s23, $0xb8;
	[tilespmem:$0x1E000] =	vst v63  }
0x100: {  	s1 =	simm.s32 $0x15100;
	s24 =	simm.s32 $0xD40  }
0x101: {  	[tilespmem:s1], [sflag:$0x2] =	stream.indirect.gather [hbm4b:s3+s23], $0x40, s24, s23, $0xb8;
	[tilespmem:$0x1E000] =	vst v63  }
0x102: {  	s1 =	simm.s32 $0x15780;
	s24 =	simm.s32 $0xD60  }
0x103: {  	[tilespmem:s1], [sflag:$0x2] =	stream.indirect.gather [hbm4b:s3+s23], $0x40, s24, s23, $0xb8;
	[tilespmem:$0x1E000] =	vst v63  }
0x104: {  	s1 =	simm.s32 $0x15E00;
	s24 =	simm.s32 $0xD80  }
0x105: {  	[tilespmem:s1], [sflag:$0x2] =	stream.indirect.gather [hbm4b:s3+s23], $0x40, s24, s23, $0xb8;
	[tilespmem:$0x1E000] =	vst v63  }
0x106: {  	s1 =	simm.s32 $0x16480;
	s24 =	simm.s32 $0xDA0  }
0x107: {  	[tilespmem:s1], [sflag:$0x2] =	stream.indirect.gather [hbm4b:s3+s23], $0x40, s24, s23, $0xb8;
	[tilespmem:$0x1E000] =	vst v63  }
0x108: {  	s1 =	simm.s32 $0x16B00;
	s24 =	simm.s32 $0xDC0  }
0x109: {  	[tilespmem:s1], [sflag:$0x2] =	stream.indirect.gather [hbm4b:s3+s23], $0x40, s24, s23, $0xb8;
	[tilespmem:$0x1E000] =	vst v63  }
0x10a: {  	s1 =	simm.s32 $0x17180;
	s24 =	simm.s32 $0xDE0  }
0x10b: {  	[tilespmem:s1], [sflag:$0x2] =	stream.indirect.gather [hbm4b:s3+s23], $0x40, s24, s23, $0xb8;
	[tilespmem:$0x1E000] =	vst v63  }
0x10c: {  	s1 =	simm.s32 $0x17800;
	s24 =	simm.s32 $0xE00  }
0x10d: {  	[tilespmem:s1], [sflag:$0x2] =	stream.indirect.gather [hbm4b:s3+s23], $0x40, s24, s23, $0xb8;
	[tilespmem:$0x1E000] =	vst v63  }
0x10e: {  	s1 =	simm.s32 $0x17E80;
	s24 =	simm.s32 $0xE20  }
0x10f: {  	[tilespmem:s1], [sflag:$0x2] =	stream.indirect.gather [hbm4b:s3+s23], $0x40, s24, s23, $0xb8;
	[tilespmem:$0x1E000] =	vst v63  }
0x110: {  	s1 =	simm.s32 $0x18500;
	s24 =	simm.s32 $0xE40  }
0x111: {  	[tilespmem:s1], [sflag:$0x2] =	stream.indirect.gather [hbm4b:s3+s23], $0x40, s24, s23, $0xb8;
	[tilespmem:$0x1E000] =	vst v63  }
0x112: {  	s1 =	simm.s32 $0x18B80;
	s24 =	simm.s32 $0xE60  }
0x113: {  	[tilespmem:s1], [sflag:$0x2] =	stream.indirect.gather [hbm4b:s3+s23], $0x40, s24, s23, $0xb8;
	[tilespmem:$0x1E000] =	vst v63  }
0x114: {  	s1 =	simm.s32 $0x19200;
	s24 =	simm.s32 $0xE80  }
0x115: {  	[tilespmem:s1], [sflag:$0x2] =	stream.indirect.gather [hbm4b:s3+s23], $0x40, s24, s23, $0xb8;
	[tilespmem:$0x1E000] =	vst v63  }
0x116: {  	s1 =	simm.s32 $0x19880;
	s24 =	simm.s32 $0xEA0  }
0x117: {  	[tilespmem:s1], [sflag:$0x2] =	stream.indirect.gather [hbm4b:s3+s23], $0x40, s24, s23, $0xb8;
	[tilespmem:$0x1E000] =	vst v63  }
0x118: {  	s1 =	simm.s32 $0x19F00;
	s24 =	simm.s32 $0xEC0  }
0x119: {  	[tilespmem:s1], [sflag:$0x2] =	stream.indirect.gather [hbm4b:s3+s23], $0x40, s24, s23, $0xb8;
	[tilespmem:$0x1E000] =	vst v63  }
0x11a: {  	s1 =	simm.s32 $0x1A580;
	s24 =	simm.s32 $0xEE0  }
0x11b: {  	[tilespmem:s1], [sflag:$0x2] =	stream.indirect.gather [hbm4b:s3+s23], $0x40, s24, s23, $0xb8;
	[tilespmem:$0x1E000] =	vst v63  }
0x11c: {  	s1 =	simm.s32 $0x1AC00;
	s24 =	simm.s32 $0xF00  }
0x11d: {  	[tilespmem:s1], [sflag:$0x2] =	stream.indirect.gather [hbm4b:s3+s23], $0x40, s24, s23, $0xb8;
	[tilespmem:$0x1E000] =	vst v63  }
0x11e: {  	s1 =	simm.s32 $0x1B280;
	s24 =	simm.s32 $0xF20  }
0x11f: {  	[tilespmem:s1], [sflag:$0x2] =	stream.indirect.gather [hbm4b:s3+s23], $0x40, s24, s23, $0xb8;
	[tilespmem:$0x1E000] =	vst v63  }
0x120: {  	s1 =	simm.s32 $0x1B900;
	s24 =	simm.s32 $0xF40  }
0x121: {  	[tilespmem:s1], [sflag:$0x2] =	stream.indirect.gather [hbm4b:s3+s23], $0x40, s24, s23, $0xb8;
	[tilespmem:$0x1E000] =	vst v63  }
0x122: {  	s1 =	simm.s32 $0x1BF80;
	s24 =	simm.s32 $0xF60  }
0x123: {  	[tilespmem:s1], [sflag:$0x2] =	stream.indirect.gather [hbm4b:s3+s23], $0x40, s24, s23, $0xb8;
	[tilespmem:$0x1E000] =	vst v63  }
0x124: {  	s1 =	simm.s32 $0x1C600;
	s24 =	simm.s32 $0xF80  }
0x125: {  	[tilespmem:s1], [sflag:$0x2] =	stream.indirect.gather [hbm4b:s3+s23], $0x40, s24, s23, $0xb8;
	[tilespmem:$0x1E000] =	vst v63  }
0x126: {  	s1 =	simm.s32 $0x1CC80;
	s24 =	simm.s32 $0xFA0  }
0x127: {  	[tilespmem:s1], [sflag:$0x2] =	stream.indirect.gather [hbm4b:s3+s23], $0x40, s24, s23, $0xb8;
	[tilespmem:$0x1E000] =	vst v63  }
0x128: {  	s1 =	simm.s32 $0x1D300;
	s24 =	simm.s32 $0xFC0  }
0x129: {  	[tilespmem:s1], [sflag:$0x2] =	stream.indirect.gather [hbm4b:s3+s23], $0x40, s24, s23, $0xb8;
	[tilespmem:$0x1E000] =	vst v63  }
0x12a: {  	s24 =	simm.s32 $0xFE0  }
0x12b: {  	[tilespmem:s2], [sflag:$0x2] =	stream.indirect.gather [hbm4b:s3+s23], $0x40, s24, s23, $0xb8;
	[tilespmem:$0x1E000] =	vst v63  }
0x12c: {  	_ =	swait.ge [sflag:s4], $0xD000  }
0x12d: {  	s0 =	simm.s32 $0x4000;
	s29 =	sadd.s32 $0x0, s7;
	[sflag:s4] =	ssyncset.done $0x0  }
0x12e: {  	s1 =	simm.s32 $0x4680;
	s24 =	simm.s32 $0x200;
	[sflag:s4] =	ssyncadd.s32 $0xFFFF3000  }
.LBB2_6:
0x12f: {  	[hbm4b:s29+s26] =	stream.strided.scatter [tilespmem:s0], [sflag:$0x3], $0x680, s31, s26, $0x38;
	[tilespmem:$0x1E000] =	vst v63  }
0x130: {  	s29 =	smov.u32 s24;
	s0 =	smov.u32 s1;
	p0 =	sne.s32 s24, $0x3E00  }
.Ltmp2:
0x131: {  	s24 =	sadd.s32 $0x200, s24;
	(pc) =	sbr.rel @p0 .LBB2_6-.Ltmp2, $2  }
0x132: {  	_ =	sdelay $0x2  }
0x133: {  	s1 =	sadd.s32 $0x680, s1;
	s29 =	sadd.s32 s29, s7  }
0x134: {  	[hbm4b:s29+s26] =	stream.strided.scatter [tilespmem:s0], [sflag:$0x3], $0x680, s31, s26, $0x38;
	[tilespmem:$0x1E000] =	vst v63  }
0x135: {  	_ =	swait.ge [sflag:s21], $0xD000  }
0x136: {  	[sflag:s21] =	ssyncset.done $0x0  }
0x137: {  	s1 =	simm.s32 $0x1000;
	[sflag:s21] =	ssyncadd.s32 $0xFFFF3000  }
0x138: {  	[tilespmem:s22], [sflag:$0x1] =	stream.indirect.gather [hbm4b:s3+s23], $0x40, s1, s23, $0xb8;
	[tilespmem:$0x1E000] =	vst v63  }
0x139: {  	s24 =	simm.s32 $0x4680;
	s1 =	simm.s32 $0x1020  }
0x13a: {  	[tilespmem:s24], [sflag:$0x1] =	stream.indirect.gather [hbm4b:s3+s23], $0x40, s1, s23, $0xb8;
	[tilespmem:$0x1E000] =	vst v63  }
0x13b: {  	s1 =	simm.s32 $0x4D00;
	s24 =	simm.s32 $0x1040  }
0x13c: {  	[tilespmem:s1], [sflag:$0x1] =	stream.indirect.gather [hbm4b:s3+s23], $0x40, s24, s23, $0xb8;
	[tilespmem:$0x1E000] =	vst v63  }
0x13d: {  	s1 =	simm.s32 $0x5380;
	s24 =	simm.s32 $0x1060  }
0x13e: {  	[tilespmem:s1], [sflag:$0x1] =	stream.indirect.gather [hbm4b:s3+s23], $0x40, s24, s23, $0xb8;
	[tilespmem:$0x1E000] =	vst v63  }
0x13f: {  	s1 =	simm.s32 $0x5A00;
	s24 =	simm.s32 $0x1080  }
0x140: {  	[tilespmem:s1], [sflag:$0x1] =	stream.indirect.gather [hbm4b:s3+s23], $0x40, s24, s23, $0xb8;
	[tilespmem:$0x1E000] =	vst v63  }
0x141: {  	s1 =	simm.s32 $0x6080;
	s24 =	simm.s32 $0x10A0  }
0x142: {  	[tilespmem:s1], [sflag:$0x1] =	stream.indirect.gather [hbm4b:s3+s23], $0x40, s24, s23, $0xb8;
	[tilespmem:$0x1E000] =	vst v63  }
0x143: {  	s1 =	simm.s32 $0x6700;
	s24 =	simm.s32 $0x10C0  }
0x144: {  	[tilespmem:s1], [sflag:$0x1] =	stream.indirect.gather [hbm4b:s3+s23], $0x40, s24, s23, $0xb8;
	[tilespmem:$0x1E000] =	vst v63  }
0x145: {  	s1 =	simm.s32 $0x6D80;
	s24 =	simm.s32 $0x10E0  }
0x146: {  	[tilespmem:s1], [sflag:$0x1] =	stream.indirect.gather [hbm4b:s3+s23], $0x40, s24, s23, $0xb8;
	[tilespmem:$0x1E000] =	vst v63  }
0x147: {  	s1 =	simm.s32 $0x7400;
	s24 =	simm.s32 $0x1100  }
0x148: {  	[tilespmem:s1], [sflag:$0x1] =	stream.indirect.gather [hbm4b:s3+s23], $0x40, s24, s23, $0xb8;
	[tilespmem:$0x1E000] =	vst v63  }
0x149: {  	s1 =	simm.s32 $0x7A80;
	s24 =	simm.s32 $0x1120  }
0x14a: {  	[tilespmem:s1], [sflag:$0x1] =	stream.indirect.gather [hbm4b:s3+s23], $0x40, s24, s23, $0xb8;
	[tilespmem:$0x1E000] =	vst v63  }
0x14b: {  	s1 =	simm.s32 $0x8100;
	s24 =	simm.s32 $0x1140  }
0x14c: {  	[tilespmem:s1], [sflag:$0x1] =	stream.indirect.gather [hbm4b:s3+s23], $0x40, s24, s23, $0xb8;
	[tilespmem:$0x1E000] =	vst v63  }
0x14d: {  	s1 =	simm.s32 $0x8780;
	s24 =	simm.s32 $0x1160  }
0x14e: {  	[tilespmem:s1], [sflag:$0x1] =	stream.indirect.gather [hbm4b:s3+s23], $0x40, s24, s23, $0xb8;
	[tilespmem:$0x1E000] =	vst v63  }
0x14f: {  	s1 =	simm.s32 $0x8E00;
	s24 =	simm.s32 $0x1180  }
0x150: {  	[tilespmem:s1], [sflag:$0x1] =	stream.indirect.gather [hbm4b:s3+s23], $0x40, s24, s23, $0xb8;
	[tilespmem:$0x1E000] =	vst v63  }
0x151: {  	s1 =	simm.s32 $0x9480;
	s24 =	simm.s32 $0x11A0  }
0x152: {  	[tilespmem:s1], [sflag:$0x1] =	stream.indirect.gather [hbm4b:s3+s23], $0x40, s24, s23, $0xb8;
	[tilespmem:$0x1E000] =	vst v63  }
0x153: {  	s1 =	simm.s32 $0x9B00;
	s24 =	simm.s32 $0x11C0  }
0x154: {  	[tilespmem:s1], [sflag:$0x1] =	stream.indirect.gather [hbm4b:s3+s23], $0x40, s24, s23, $0xb8;
	[tilespmem:$0x1E000] =	vst v63  }
0x155: {  	s1 =	simm.s32 $0xA180;
	s24 =	simm.s32 $0x11E0  }
0x156: {  	[tilespmem:s1], [sflag:$0x1] =	stream.indirect.gather [hbm4b:s3+s23], $0x40, s24, s23, $0xb8;
	[tilespmem:$0x1E000] =	vst v63  }
0x157: {  	s1 =	simm.s32 $0xA800;
	s24 =	simm.s32 $0x1200  }
0x158: {  	[tilespmem:s1], [sflag:$0x1] =	stream.indirect.gather [hbm4b:s3+s23], $0x40, s24, s23, $0xb8;
	[tilespmem:$0x1E000] =	vst v63  }
0x159: {  	s1 =	simm.s32 $0xAE80;
	s24 =	simm.s32 $0x1220  }
0x15a: {  	[tilespmem:s1], [sflag:$0x1] =	stream.indirect.gather [hbm4b:s3+s23], $0x40, s24, s23, $0xb8;
	[tilespmem:$0x1E000] =	vst v63  }
0x15b: {  	s1 =	simm.s32 $0xB500;
	s24 =	simm.s32 $0x1240  }
0x15c: {  	[tilespmem:s1], [sflag:$0x1] =	stream.indirect.gather [hbm4b:s3+s23], $0x40, s24, s23, $0xb8;
	[tilespmem:$0x1E000] =	vst v63  }
0x15d: {  	s1 =	simm.s32 $0xBB80;
	s24 =	simm.s32 $0x1260  }
0x15e: {  	[tilespmem:s1], [sflag:$0x1] =	stream.indirect.gather [hbm4b:s3+s23], $0x40, s24, s23, $0xb8;
	[tilespmem:$0x1E000] =	vst v63  }
0x15f: {  	s1 =	simm.s32 $0xC200;
	s24 =	simm.s32 $0x1280  }
0x160: {  	[tilespmem:s1], [sflag:$0x1] =	stream.indirect.gather [hbm4b:s3+s23], $0x40, s24, s23, $0xb8;
	[tilespmem:$0x1E000] =	vst v63  }
0x161: {  	s1 =	simm.s32 $0xC880;
	s24 =	simm.s32 $0x12A0  }
0x162: {  	[tilespmem:s1], [sflag:$0x1] =	stream.indirect.gather [hbm4b:s3+s23], $0x40, s24, s23, $0xb8;
	[tilespmem:$0x1E000] =	vst v63  }
0x163: {  	s1 =	simm.s32 $0xCF00;
	s24 =	simm.s32 $0x12C0  }
0x164: {  	[tilespmem:s1], [sflag:$0x1] =	stream.indirect.gather [hbm4b:s3+s23], $0x40, s24, s23, $0xb8;
	[tilespmem:$0x1E000] =	vst v63  }
0x165: {  	s1 =	simm.s32 $0xD580;
	s24 =	simm.s32 $0x12E0  }
0x166: {  	[tilespmem:s1], [sflag:$0x1] =	stream.indirect.gather [hbm4b:s3+s23], $0x40, s24, s23, $0xb8;
	[tilespmem:$0x1E000] =	vst v63  }
0x167: {  	s1 =	simm.s32 $0xDC00;
	s24 =	simm.s32 $0x1300  }
0x168: {  	[tilespmem:s1], [sflag:$0x1] =	stream.indirect.gather [hbm4b:s3+s23], $0x40, s24, s23, $0xb8;
	[tilespmem:$0x1E000] =	vst v63  }
0x169: {  	s1 =	simm.s32 $0xE280;
	s24 =	simm.s32 $0x1320  }
0x16a: {  	[tilespmem:s1], [sflag:$0x1] =	stream.indirect.gather [hbm4b:s3+s23], $0x40, s24, s23, $0xb8;
	[tilespmem:$0x1E000] =	vst v63  }
0x16b: {  	s1 =	simm.s32 $0xE900;
	s24 =	simm.s32 $0x1340  }
0x16c: {  	[tilespmem:s1], [sflag:$0x1] =	stream.indirect.gather [hbm4b:s3+s23], $0x40, s24, s23, $0xb8;
	[tilespmem:$0x1E000] =	vst v63  }
0x16d: {  	s1 =	simm.s32 $0xEF80;
	s24 =	simm.s32 $0x1360  }
0x16e: {  	[tilespmem:s1], [sflag:$0x1] =	stream.indirect.gather [hbm4b:s3+s23], $0x40, s24, s23, $0xb8;
	[tilespmem:$0x1E000] =	vst v63  }
0x16f: {  	s1 =	simm.s32 $0xF600;
	s24 =	simm.s32 $0x1380  }
0x170: {  	[tilespmem:s1], [sflag:$0x1] =	stream.indirect.gather [hbm4b:s3+s23], $0x40, s24, s23, $0xb8;
	[tilespmem:$0x1E000] =	vst v63  }
0x171: {  	s1 =	simm.s32 $0xFC80;
	s24 =	simm.s32 $0x13A0  }
0x172: {  	[tilespmem:s1], [sflag:$0x1] =	stream.indirect.gather [hbm4b:s3+s23], $0x40, s24, s23, $0xb8;
	[tilespmem:$0x1E000] =	vst v63  }
0x173: {  	s1 =	simm.s32 $0x10300;
	s24 =	simm.s32 $0x13C0  }
0x174: {  	[tilespmem:s1], [sflag:$0x1] =	stream.indirect.gather [hbm4b:s3+s23], $0x40, s24, s23, $0xb8;
	[tilespmem:$0x1E000] =	vst v63  }
0x175: {  	s1 =	simm.s32 $0x10980;
	s24 =	simm.s32 $0x13E0  }
0x176: {  	[tilespmem:s1], [sflag:$0x1] =	stream.indirect.gather [hbm4b:s3+s23], $0x40, s24, s23, $0xb8;
	[tilespmem:$0x1E000] =	vst v63  }
0x177: {  	_ =	swait.ge [sflag:s25], $0xD000  }
0x178: {  	s0 =	simm.s32 $0x11000;
	s29 =	sadd.s32 $0x0, s8;
	[sflag:s25] =	ssyncset.done $0x0  }
0x179: {  	s24 =	simm.s32 $0x200;
	s1 =	simm.s32 $0x11680;
	[sflag:s25] =	ssyncadd.s32 $0xFFFF3000  }
.LBB2_8:
0x17a: {  	[hbm4b:s29+s26] =	stream.strided.scatter [tilespmem:s0], [sflag:$0x4], $0x680, s31, s26, $0x38;
	[tilespmem:$0x1E000] =	vst v63  }
0x17b: {  	s29 =	smov.u32 s24;
	s0 =	smov.u32 s1;
	p0 =	sne.s32 s24, $0x3E00  }
.Ltmp3:
0x17c: {  	s24 =	sadd.s32 $0x200, s24;
	(pc) =	sbr.rel @p0 .LBB2_8-.Ltmp3, $2  }
0x17d: {  	_ =	sdelay $0x2  }
0x17e: {  	s1 =	sadd.s32 $0x680, s1;
	s29 =	sadd.s32 s29, s8  }
0x17f: {  	[hbm4b:s29+s26] =	stream.strided.scatter [tilespmem:s0], [sflag:$0x4], $0x680, s31, s26, $0x38;
	[tilespmem:$0x1E000] =	vst v63  }
0x180: {  	_ =	swait.ge [sflag:s28], $0xD000  }
0x181: {  	[sflag:s28] =	ssyncset.done $0x0  }
0x182: {  	s24 =	simm.s32 $0x11000;
	s1 =	simm.s32 $0x1400;
	[sflag:s28] =	ssyncadd.s32 $0xFFFF3000  }
0x183: {  	[tilespmem:s24], [sflag:$0x2] =	stream.indirect.gather [hbm4b:s3+s23], $0x40, s1, s23, $0xb8;
	[tilespmem:$0x1E000] =	vst v63  }
0x184: {  	s1 =	simm.s32 $0x11680;
	s24 =	simm.s32 $0x1420  }
0x185: {  	[tilespmem:s1], [sflag:$0x2] =	stream.indirect.gather [hbm4b:s3+s23], $0x40, s24, s23, $0xb8;
	[tilespmem:$0x1E000] =	vst v63  }
0x186: {  	s1 =	simm.s32 $0x11D00;
	s24 =	simm.s32 $0x1440  }
0x187: {  	[tilespmem:s1], [sflag:$0x2] =	stream.indirect.gather [hbm4b:s3+s23], $0x40, s24, s23, $0xb8;
	[tilespmem:$0x1E000] =	vst v63  }
0x188: {  	s1 =	simm.s32 $0x12380;
	s24 =	simm.s32 $0x1460  }
0x189: {  	[tilespmem:s1], [sflag:$0x2] =	stream.indirect.gather [hbm4b:s3+s23], $0x40, s24, s23, $0xb8;
	[tilespmem:$0x1E000] =	vst v63  }
0x18a: {  	s1 =	simm.s32 $0x12A00;
	s24 =	simm.s32 $0x1480  }
0x18b: {  	[tilespmem:s1], [sflag:$0x2] =	stream.indirect.gather [hbm4b:s3+s23], $0x40, s24, s23, $0xb8;
	[tilespmem:$0x1E000] =	vst v63  }
0x18c: {  	s1 =	simm.s32 $0x13080;
	s24 =	simm.s32 $0x14A0  }
0x18d: {  	[tilespmem:s1], [sflag:$0x2] =	stream.indirect.gather [hbm4b:s3+s23], $0x40, s24, s23, $0xb8;
	[tilespmem:$0x1E000] =	vst v63  }
0x18e: {  	s1 =	simm.s32 $0x13700;
	s24 =	simm.s32 $0x14C0  }
0x18f: {  	[tilespmem:s1], [sflag:$0x2] =	stream.indirect.gather [hbm4b:s3+s23], $0x40, s24, s23, $0xb8;
	[tilespmem:$0x1E000] =	vst v63  }
0x190: {  	s1 =	simm.s32 $0x13D80;
	s24 =	simm.s32 $0x14E0  }
0x191: {  	[tilespmem:s1], [sflag:$0x2] =	stream.indirect.gather [hbm4b:s3+s23], $0x40, s24, s23, $0xb8;
	[tilespmem:$0x1E000] =	vst v63  }
0x192: {  	s1 =	simm.s32 $0x14400;
	s24 =	simm.s32 $0x1500  }
0x193: {  	[tilespmem:s1], [sflag:$0x2] =	stream.indirect.gather [hbm4b:s3+s23], $0x40, s24, s23, $0xb8;
	[tilespmem:$0x1E000] =	vst v63  }
0x194: {  	s1 =	simm.s32 $0x14A80;
	s24 =	simm.s32 $0x1520  }
0x195: {  	[tilespmem:s1], [sflag:$0x2] =	stream.indirect.gather [hbm4b:s3+s23], $0x40, s24, s23, $0xb8;
	[tilespmem:$0x1E000] =	vst v63  }
0x196: {  	s1 =	simm.s32 $0x15100;
	s24 =	simm.s32 $0x1540  }
0x197: {  	[tilespmem:s1], [sflag:$0x2] =	stream.indirect.gather [hbm4b:s3+s23], $0x40, s24, s23, $0xb8;
	[tilespmem:$0x1E000] =	vst v63  }
0x198: {  	s1 =	simm.s32 $0x15780;
	s24 =	simm.s32 $0x1560  }
0x199: {  	[tilespmem:s1], [sflag:$0x2] =	stream.indirect.gather [hbm4b:s3+s23], $0x40, s24, s23, $0xb8;
	[tilespmem:$0x1E000] =	vst v63  }
0x19a: {  	s1 =	simm.s32 $0x15E00;
	s24 =	simm.s32 $0x1580  }
0x19b: {  	[tilespmem:s1], [sflag:$0x2] =	stream.indirect.gather [hbm4b:s3+s23], $0x40, s24, s23, $0xb8;
	[tilespmem:$0x1E000] =	vst v63  }
0x19c: {  	s1 =	simm.s32 $0x16480;
	s24 =	simm.s32 $0x15A0  }
0x19d: {  	[tilespmem:s1], [sflag:$0x2] =	stream.indirect.gather [hbm4b:s3+s23], $0x40, s24, s23, $0xb8;
	[tilespmem:$0x1E000] =	vst v63  }
0x19e: {  	s1 =	simm.s32 $0x16B00;
	s24 =	simm.s32 $0x15C0  }
0x19f: {  	[tilespmem:s1], [sflag:$0x2] =	stream.indirect.gather [hbm4b:s3+s23], $0x40, s24, s23, $0xb8;
	[tilespmem:$0x1E000] =	vst v63  }
0x1a0: {  	s1 =	simm.s32 $0x17180;
	s24 =	simm.s32 $0x15E0  }
0x1a1: {  	[tilespmem:s1], [sflag:$0x2] =	stream.indirect.gather [hbm4b:s3+s23], $0x40, s24, s23, $0xb8;
	[tilespmem:$0x1E000] =	vst v63  }
0x1a2: {  	s1 =	simm.s32 $0x17800;
	s24 =	simm.s32 $0x1600  }
0x1a3: {  	[tilespmem:s1], [sflag:$0x2] =	stream.indirect.gather [hbm4b:s3+s23], $0x40, s24, s23, $0xb8;
	[tilespmem:$0x1E000] =	vst v63  }
0x1a4: {  	s1 =	simm.s32 $0x17E80;
	s24 =	simm.s32 $0x1620  }
0x1a5: {  	[tilespmem:s1], [sflag:$0x2] =	stream.indirect.gather [hbm4b:s3+s23], $0x40, s24, s23, $0xb8;
	[tilespmem:$0x1E000] =	vst v63  }
0x1a6: {  	s1 =	simm.s32 $0x18500;
	s24 =	simm.s32 $0x1640  }
0x1a7: {  	[tilespmem:s1], [sflag:$0x2] =	stream.indirect.gather [hbm4b:s3+s23], $0x40, s24, s23, $0xb8;
	[tilespmem:$0x1E000] =	vst v63  }
0x1a8: {  	s1 =	simm.s32 $0x18B80;
	s24 =	simm.s32 $0x1660  }
0x1a9: {  	[tilespmem:s1], [sflag:$0x2] =	stream.indirect.gather [hbm4b:s3+s23], $0x40, s24, s23, $0xb8;
	[tilespmem:$0x1E000] =	vst v63  }
0x1aa: {  	s1 =	simm.s32 $0x19200;
	s24 =	simm.s32 $0x1680  }
0x1ab: {  	[tilespmem:s1], [sflag:$0x2] =	stream.indirect.gather [hbm4b:s3+s23], $0x40, s24, s23, $0xb8;
	[tilespmem:$0x1E000] =	vst v63  }
0x1ac: {  	s1 =	simm.s32 $0x19880;
	s24 =	simm.s32 $0x16A0  }
0x1ad: {  	[tilespmem:s1], [sflag:$0x2] =	stream.indirect.gather [hbm4b:s3+s23], $0x40, s24, s23, $0xb8;
	[tilespmem:$0x1E000] =	vst v63  }
0x1ae: {  	s1 =	simm.s32 $0x19F00;
	s24 =	simm.s32 $0x16C0  }
0x1af: {  	[tilespmem:s1], [sflag:$0x2] =	stream.indirect.gather [hbm4b:s3+s23], $0x40, s24, s23, $0xb8;
	[tilespmem:$0x1E000] =	vst v63  }
0x1b0: {  	s1 =	simm.s32 $0x1A580;
	s24 =	simm.s32 $0x16E0  }
0x1b1: {  	[tilespmem:s1], [sflag:$0x2] =	stream.indirect.gather [hbm4b:s3+s23], $0x40, s24, s23, $0xb8;
	[tilespmem:$0x1E000] =	vst v63  }
0x1b2: {  	s1 =	simm.s32 $0x1AC00;
	s24 =	simm.s32 $0x1700  }
0x1b3: {  	[tilespmem:s1], [sflag:$0x2] =	stream.indirect.gather [hbm4b:s3+s23], $0x40, s24, s23, $0xb8;
	[tilespmem:$0x1E000] =	vst v63  }
0x1b4: {  	s1 =	simm.s32 $0x1B280;
	s24 =	simm.s32 $0x1720  }
0x1b5: {  	[tilespmem:s1], [sflag:$0x2] =	stream.indirect.gather [hbm4b:s3+s23], $0x40, s24, s23, $0xb8;
	[tilespmem:$0x1E000] =	vst v63  }
0x1b6: {  	s1 =	simm.s32 $0x1B900;
	s24 =	simm.s32 $0x1740  }
0x1b7: {  	[tilespmem:s1], [sflag:$0x2] =	stream.indirect.gather [hbm4b:s3+s23], $0x40, s24, s23, $0xb8;
	[tilespmem:$0x1E000] =	vst v63  }
0x1b8: {  	s1 =	simm.s32 $0x1BF80;
	s24 =	simm.s32 $0x1760  }
0x1b9: {  	[tilespmem:s1], [sflag:$0x2] =	stream.indirect.gather [hbm4b:s3+s23], $0x40, s24, s23, $0xb8;
	[tilespmem:$0x1E000] =	vst v63  }
0x1ba: {  	s1 =	simm.s32 $0x1C600;
	s24 =	simm.s32 $0x1780  }
0x1bb: {  	[tilespmem:s1], [sflag:$0x2] =	stream.indirect.gather [hbm4b:s3+s23], $0x40, s24, s23, $0xb8;
	[tilespmem:$0x1E000] =	vst v63  }
0x1bc: {  	s1 =	simm.s32 $0x1CC80;
	s24 =	simm.s32 $0x17A0  }
0x1bd: {  	[tilespmem:s1], [sflag:$0x2] =	stream.indirect.gather [hbm4b:s3+s23], $0x40, s24, s23, $0xb8;
	[tilespmem:$0x1E000] =	vst v63  }
0x1be: {  	s1 =	simm.s32 $0x1D300;
	s24 =	simm.s32 $0x17C0  }
0x1bf: {  	[tilespmem:s1], [sflag:$0x2] =	stream.indirect.gather [hbm4b:s3+s23], $0x40, s24, s23, $0xb8;
	[tilespmem:$0x1E000] =	vst v63  }
0x1c0: {  	s24 =	simm.s32 $0x17E0  }
0x1c1: {  	[tilespmem:s2], [sflag:$0x2] =	stream.indirect.gather [hbm4b:s3+s23], $0x40, s24, s23, $0xb8;
	[tilespmem:$0x1E000] =	vst v63  }
0x1c2: {  	_ =	swait.ge [sflag:s4], $0xD000  }
0x1c3: {  	s0 =	simm.s32 $0x4000;
	s29 =	sadd.s32 $0x0, s9;
	[sflag:s4] =	ssyncset.done $0x0  }
0x1c4: {  	s1 =	simm.s32 $0x4680;
	s24 =	simm.s32 $0x200;
	[sflag:s4] =	ssyncadd.s32 $0xFFFF3000  }
.LBB2_10:
0x1c5: {  	[hbm4b:s29+s26] =	stream.strided.scatter [tilespmem:s0], [sflag:$0x3], $0x680, s31, s26, $0x38;
	[tilespmem:$0x1E000] =	vst v63  }
0x1c6: {  	s29 =	smov.u32 s24;
	s0 =	smov.u32 s1;
	p0 =	sne.s32 s24, $0x3E00  }
.Ltmp4:
0x1c7: {  	s24 =	sadd.s32 $0x200, s24;
	(pc) =	sbr.rel @p0 .LBB2_10-.Ltmp4, $2  }
0x1c8: {  	_ =	sdelay $0x2  }
0x1c9: {  	s1 =	sadd.s32 $0x680, s1;
	s29 =	sadd.s32 s29, s9  }
0x1ca: {  	[hbm4b:s29+s26] =	stream.strided.scatter [tilespmem:s0], [sflag:$0x3], $0x680, s31, s26, $0x38;
	[tilespmem:$0x1E000] =	vst v63  }
0x1cb: {  	_ =	swait.ge [sflag:s21], $0xD000  }
0x1cc: {  	[sflag:s21] =	ssyncset.done $0x0  }
0x1cd: {  	s1 =	simm.s32 $0x1800;
	[sflag:s21] =	ssyncadd.s32 $0xFFFF3000  }
0x1ce: {  	[tilespmem:s22], [sflag:$0x1] =	stream.indirect.gather [hbm4b:s3+s23], $0x40, s1, s23, $0xb8;
	[tilespmem:$0x1E000] =	vst v63  }
0x1cf: {  	s24 =	simm.s32 $0x4680;
	s1 =	simm.s32 $0x1820  }
0x1d0: {  	[tilespmem:s24], [sflag:$0x1] =	stream.indirect.gather [hbm4b:s3+s23], $0x40, s1, s23, $0xb8;
	[tilespmem:$0x1E000] =	vst v63  }
0x1d1: {  	s1 =	simm.s32 $0x4D00;
	s24 =	simm.s32 $0x1840  }
0x1d2: {  	[tilespmem:s1], [sflag:$0x1] =	stream.indirect.gather [hbm4b:s3+s23], $0x40, s24, s23, $0xb8;
	[tilespmem:$0x1E000] =	vst v63  }
0x1d3: {  	s1 =	simm.s32 $0x5380;
	s24 =	simm.s32 $0x1860  }
0x1d4: {  	[tilespmem:s1], [sflag:$0x1] =	stream.indirect.gather [hbm4b:s3+s23], $0x40, s24, s23, $0xb8;
	[tilespmem:$0x1E000] =	vst v63  }
0x1d5: {  	s1 =	simm.s32 $0x5A00;
	s24 =	simm.s32 $0x1880  }
0x1d6: {  	[tilespmem:s1], [sflag:$0x1] =	stream.indirect.gather [hbm4b:s3+s23], $0x40, s24, s23, $0xb8;
	[tilespmem:$0x1E000] =	vst v63  }
0x1d7: {  	s1 =	simm.s32 $0x6080;
	s24 =	simm.s32 $0x18A0  }
0x1d8: {  	[tilespmem:s1], [sflag:$0x1] =	stream.indirect.gather [hbm4b:s3+s23], $0x40, s24, s23, $0xb8;
	[tilespmem:$0x1E000] =	vst v63  }
0x1d9: {  	s1 =	simm.s32 $0x6700;
	s24 =	simm.s32 $0x18C0  }
0x1da: {  	[tilespmem:s1], [sflag:$0x1] =	stream.indirect.gather [hbm4b:s3+s23], $0x40, s24, s23, $0xb8;
	[tilespmem:$0x1E000] =	vst v63  }
0x1db: {  	s1 =	simm.s32 $0x6D80;
	s24 =	simm.s32 $0x18E0  }
0x1dc: {  	[tilespmem:s1], [sflag:$0x1] =	stream.indirect.gather [hbm4b:s3+s23], $0x40, s24, s23, $0xb8;
	[tilespmem:$0x1E000] =	vst v63  }
0x1dd: {  	s1 =	simm.s32 $0x7400;
	s24 =	simm.s32 $0x1900  }
0x1de: {  	[tilespmem:s1], [sflag:$0x1] =	stream.indirect.gather [hbm4b:s3+s23], $0x40, s24, s23, $0xb8;
	[tilespmem:$0x1E000] =	vst v63  }
0x1df: {  	s1 =	simm.s32 $0x7A80;
	s24 =	simm.s32 $0x1920  }
0x1e0: {  	[tilespmem:s1], [sflag:$0x1] =	stream.indirect.gather [hbm4b:s3+s23], $0x40, s24, s23, $0xb8;
	[tilespmem:$0x1E000] =	vst v63  }
0x1e1: {  	s1 =	simm.s32 $0x8100;
	s24 =	simm.s32 $0x1940  }
0x1e2: {  	[tilespmem:s1], [sflag:$0x1] =	stream.indirect.gather [hbm4b:s3+s23], $0x40, s24, s23, $0xb8;
	[tilespmem:$0x1E000] =	vst v63  }
0x1e3: {  	s1 =	simm.s32 $0x8780;
	s24 =	simm.s32 $0x1960  }
0x1e4: {  	[tilespmem:s1], [sflag:$0x1] =	stream.indirect.gather [hbm4b:s3+s23], $0x40, s24, s23, $0xb8;
	[tilespmem:$0x1E000] =	vst v63  }
0x1e5: {  	s1 =	simm.s32 $0x8E00;
	s24 =	simm.s32 $0x1980  }
0x1e6: {  	[tilespmem:s1], [sflag:$0x1] =	stream.indirect.gather [hbm4b:s3+s23], $0x40, s24, s23, $0xb8;
	[tilespmem:$0x1E000] =	vst v63  }
0x1e7: {  	s1 =	simm.s32 $0x9480;
	s24 =	simm.s32 $0x19A0  }
0x1e8: {  	[tilespmem:s1], [sflag:$0x1] =	stream.indirect.gather [hbm4b:s3+s23], $0x40, s24, s23, $0xb8;
	[tilespmem:$0x1E000] =	vst v63  }
0x1e9: {  	s1 =	simm.s32 $0x9B00;
	s24 =	simm.s32 $0x19C0  }
0x1ea: {  	[tilespmem:s1], [sflag:$0x1] =	stream.indirect.gather [hbm4b:s3+s23], $0x40, s24, s23, $0xb8;
	[tilespmem:$0x1E000] =	vst v63  }
0x1eb: {  	s1 =	simm.s32 $0xA180;
	s24 =	simm.s32 $0x19E0  }
0x1ec: {  	[tilespmem:s1], [sflag:$0x1] =	stream.indirect.gather [hbm4b:s3+s23], $0x40, s24, s23, $0xb8;
	[tilespmem:$0x1E000] =	vst v63  }
0x1ed: {  	s1 =	simm.s32 $0xA800;
	s24 =	simm.s32 $0x1A00  }
0x1ee: {  	[tilespmem:s1], [sflag:$0x1] =	stream.indirect.gather [hbm4b:s3+s23], $0x40, s24, s23, $0xb8;
	[tilespmem:$0x1E000] =	vst v63  }
0x1ef: {  	s1 =	simm.s32 $0xAE80;
	s24 =	simm.s32 $0x1A20  }
0x1f0: {  	[tilespmem:s1], [sflag:$0x1] =	stream.indirect.gather [hbm4b:s3+s23], $0x40, s24, s23, $0xb8;
	[tilespmem:$0x1E000] =	vst v63  }
0x1f1: {  	s1 =	simm.s32 $0xB500;
	s24 =	simm.s32 $0x1A40  }
0x1f2: {  	[tilespmem:s1], [sflag:$0x1] =	stream.indirect.gather [hbm4b:s3+s23], $0x40, s24, s23, $0xb8;
	[tilespmem:$0x1E000] =	vst v63  }
0x1f3: {  	s1 =	simm.s32 $0xBB80;
	s24 =	simm.s32 $0x1A60  }
0x1f4: {  	[tilespmem:s1], [sflag:$0x1] =	stream.indirect.gather [hbm4b:s3+s23], $0x40, s24, s23, $0xb8;
	[tilespmem:$0x1E000] =	vst v63  }
0x1f5: {  	s1 =	simm.s32 $0xC200;
	s24 =	simm.s32 $0x1A80  }
0x1f6: {  	[tilespmem:s1], [sflag:$0x1] =	stream.indirect.gather [hbm4b:s3+s23], $0x40, s24, s23, $0xb8;
	[tilespmem:$0x1E000] =	vst v63  }
0x1f7: {  	s1 =	simm.s32 $0xC880;
	s24 =	simm.s32 $0x1AA0  }
0x1f8: {  	[tilespmem:s1], [sflag:$0x1] =	stream.indirect.gather [hbm4b:s3+s23], $0x40, s24, s23, $0xb8;
	[tilespmem:$0x1E000] =	vst v63  }
0x1f9: {  	s1 =	simm.s32 $0xCF00;
	s24 =	simm.s32 $0x1AC0  }
0x1fa: {  	[tilespmem:s1], [sflag:$0x1] =	stream.indirect.gather [hbm4b:s3+s23], $0x40, s24, s23, $0xb8;
	[tilespmem:$0x1E000] =	vst v63  }
0x1fb: {  	s1 =	simm.s32 $0xD580;
	s24 =	simm.s32 $0x1AE0  }
0x1fc: {  	[tilespmem:s1], [sflag:$0x1] =	stream.indirect.gather [hbm4b:s3+s23], $0x40, s24, s23, $0xb8;
	[tilespmem:$0x1E000] =	vst v63  }
0x1fd: {  	s1 =	simm.s32 $0xDC00;
	s24 =	simm.s32 $0x1B00  }
0x1fe: {  	[tilespmem:s1], [sflag:$0x1] =	stream.indirect.gather [hbm4b:s3+s23], $0x40, s24, s23, $0xb8;
	[tilespmem:$0x1E000] =	vst v63  }
0x1ff: {  	s1 =	simm.s32 $0xE280;
	s24 =	simm.s32 $0x1B20  }
0x200: {  	[tilespmem:s1], [sflag:$0x1] =	stream.indirect.gather [hbm4b:s3+s23], $0x40, s24, s23, $0xb8;
	[tilespmem:$0x1E000] =	vst v63  }
0x201: {  	s1 =	simm.s32 $0xE900;
	s24 =	simm.s32 $0x1B40  }
0x202: {  	[tilespmem:s1], [sflag:$0x1] =	stream.indirect.gather [hbm4b:s3+s23], $0x40, s24, s23, $0xb8;
	[tilespmem:$0x1E000] =	vst v63  }
0x203: {  	s1 =	simm.s32 $0xEF80;
	s24 =	simm.s32 $0x1B60  }
0x204: {  	[tilespmem:s1], [sflag:$0x1] =	stream.indirect.gather [hbm4b:s3+s23], $0x40, s24, s23, $0xb8;
	[tilespmem:$0x1E000] =	vst v63  }
0x205: {  	s1 =	simm.s32 $0xF600;
	s24 =	simm.s32 $0x1B80  }
0x206: {  	[tilespmem:s1], [sflag:$0x1] =	stream.indirect.gather [hbm4b:s3+s23], $0x40, s24, s23, $0xb8;
	[tilespmem:$0x1E000] =	vst v63  }
0x207: {  	s1 =	simm.s32 $0xFC80;
	s24 =	simm.s32 $0x1BA0  }
0x208: {  	[tilespmem:s1], [sflag:$0x1] =	stream.indirect.gather [hbm4b:s3+s23], $0x40, s24, s23, $0xb8;
	[tilespmem:$0x1E000] =	vst v63  }
0x209: {  	s1 =	simm.s32 $0x10300;
	s24 =	simm.s32 $0x1BC0  }
0x20a: {  	[tilespmem:s1], [sflag:$0x1] =	stream.indirect.gather [hbm4b:s3+s23], $0x40, s24, s23, $0xb8;
	[tilespmem:$0x1E000] =	vst v63  }
0x20b: {  	s1 =	simm.s32 $0x10980;
	s24 =	simm.s32 $0x1BE0  }
0x20c: {  	[tilespmem:s1], [sflag:$0x1] =	stream.indirect.gather [hbm4b:s3+s23], $0x40, s24, s23, $0xb8;
	[tilespmem:$0x1E000] =	vst v63  }
0x20d: {  	_ =	swait.ge [sflag:s25], $0xD000  }
0x20e: {  	s0 =	simm.s32 $0x11000;
	s29 =	sadd.s32 $0x0, s10;
	[sflag:s25] =	ssyncset.done $0x0  }
0x20f: {  	s24 =	simm.s32 $0x200;
	s1 =	simm.s32 $0x11680;
	[sflag:s25] =	ssyncadd.s32 $0xFFFF3000  }
.LBB2_12:
0x210: {  	[hbm4b:s29+s26] =	stream.strided.scatter [tilespmem:s0], [sflag:$0x4], $0x680, s31, s26, $0x38;
	[tilespmem:$0x1E000] =	vst v63  }
0x211: {  	s29 =	smov.u32 s24;
	s0 =	smov.u32 s1;
	p0 =	sne.s32 s24, $0x3E00  }
.Ltmp5:
0x212: {  	s24 =	sadd.s32 $0x200, s24;
	(pc) =	sbr.rel @p0 .LBB2_12-.Ltmp5, $2  }
0x213: {  	_ =	sdelay $0x2  }
0x214: {  	s1 =	sadd.s32 $0x680, s1;
	s29 =	sadd.s32 s29, s10  }
0x215: {  	[hbm4b:s29+s26] =	stream.strided.scatter [tilespmem:s0], [sflag:$0x4], $0x680, s31, s26, $0x38;
	[tilespmem:$0x1E000] =	vst v63  }
0x216: {  	_ =	swait.ge [sflag:s28], $0xD000  }
0x217: {  	[sflag:s28] =	ssyncset.done $0x0  }
0x218: {  	s24 =	simm.s32 $0x11000;
	s1 =	simm.s32 $0x1C00;
	[sflag:s28] =	ssyncadd.s32 $0xFFFF3000  }
0x219: {  	[tilespmem:s24], [sflag:$0x2] =	stream.indirect.gather [hbm4b:s3+s23], $0x40, s1, s23, $0xb8;
	[tilespmem:$0x1E000] =	vst v63  }
0x21a: {  	s1 =	simm.s32 $0x11680;
	s24 =	simm.s32 $0x1C20  }
0x21b: {  	[tilespmem:s1], [sflag:$0x2] =	stream.indirect.gather [hbm4b:s3+s23], $0x40, s24, s23, $0xb8;
	[tilespmem:$0x1E000] =	vst v63  }
0x21c: {  	s1 =	simm.s32 $0x11D00;
	s24 =	simm.s32 $0x1C40  }
0x21d: {  	[tilespmem:s1], [sflag:$0x2] =	stream.indirect.gather [hbm4b:s3+s23], $0x40, s24, s23, $0xb8;
	[tilespmem:$0x1E000] =	vst v63  }
0x21e: {  	s1 =	simm.s32 $0x12380;
	s24 =	simm.s32 $0x1C60  }
0x21f: {  	[tilespmem:s1], [sflag:$0x2] =	stream.indirect.gather [hbm4b:s3+s23], $0x40, s24, s23, $0xb8;
	[tilespmem:$0x1E000] =	vst v63  }
0x220: {  	s1 =	simm.s32 $0x12A00;
	s24 =	simm.s32 $0x1C80  }
0x221: {  	[tilespmem:s1], [sflag:$0x2] =	stream.indirect.gather [hbm4b:s3+s23], $0x40, s24, s23, $0xb8;
	[tilespmem:$0x1E000] =	vst v63  }
0x222: {  	s1 =	simm.s32 $0x13080;
	s24 =	simm.s32 $0x1CA0  }
0x223: {  	[tilespmem:s1], [sflag:$0x2] =	stream.indirect.gather [hbm4b:s3+s23], $0x40, s24, s23, $0xb8;
	[tilespmem:$0x1E000] =	vst v63  }
0x224: {  	s1 =	simm.s32 $0x13700;
	s24 =	simm.s32 $0x1CC0  }
0x225: {  	[tilespmem:s1], [sflag:$0x2] =	stream.indirect.gather [hbm4b:s3+s23], $0x40, s24, s23, $0xb8;
	[tilespmem:$0x1E000] =	vst v63  }
0x226: {  	s1 =	simm.s32 $0x13D80;
	s24 =	simm.s32 $0x1CE0  }
0x227: {  	[tilespmem:s1], [sflag:$0x2] =	stream.indirect.gather [hbm4b:s3+s23], $0x40, s24, s23, $0xb8;
	[tilespmem:$0x1E000] =	vst v63  }
0x228: {  	s1 =	simm.s32 $0x14400;
	s24 =	simm.s32 $0x1D00  }
0x229: {  	[tilespmem:s1], [sflag:$0x2] =	stream.indirect.gather [hbm4b:s3+s23], $0x40, s24, s23, $0xb8;
	[tilespmem:$0x1E000] =	vst v63  }
0x22a: {  	s1 =	simm.s32 $0x14A80;
	s24 =	simm.s32 $0x1D20  }
0x22b: {  	[tilespmem:s1], [sflag:$0x2] =	stream.indirect.gather [hbm4b:s3+s23], $0x40, s24, s23, $0xb8;
	[tilespmem:$0x1E000] =	vst v63  }
0x22c: {  	s1 =	simm.s32 $0x15100;
	s24 =	simm.s32 $0x1D40  }
0x22d: {  	[tilespmem:s1], [sflag:$0x2] =	stream.indirect.gather [hbm4b:s3+s23], $0x40, s24, s23, $0xb8;
	[tilespmem:$0x1E000] =	vst v63  }
0x22e: {  	s1 =	simm.s32 $0x15780;
	s24 =	simm.s32 $0x1D60  }
0x22f: {  	[tilespmem:s1], [sflag:$0x2] =	stream.indirect.gather [hbm4b:s3+s23], $0x40, s24, s23, $0xb8;
	[tilespmem:$0x1E000] =	vst v63  }
0x230: {  	s1 =	simm.s32 $0x15E00;
	s24 =	simm.s32 $0x1D80  }
0x231: {  	[tilespmem:s1], [sflag:$0x2] =	stream.indirect.gather [hbm4b:s3+s23], $0x40, s24, s23, $0xb8;
	[tilespmem:$0x1E000] =	vst v63  }
0x232: {  	s1 =	simm.s32 $0x16480;
	s24 =	simm.s32 $0x1DA0  }
0x233: {  	[tilespmem:s1], [sflag:$0x2] =	stream.indirect.gather [hbm4b:s3+s23], $0x40, s24, s23, $0xb8;
	[tilespmem:$0x1E000] =	vst v63  }
0x234: {  	s1 =	simm.s32 $0x16B00;
	s24 =	simm.s32 $0x1DC0  }
0x235: {  	[tilespmem:s1], [sflag:$0x2] =	stream.indirect.gather [hbm4b:s3+s23], $0x40, s24, s23, $0xb8;
	[tilespmem:$0x1E000] =	vst v63  }
0x236: {  	s1 =	simm.s32 $0x17180;
	s24 =	simm.s32 $0x1DE0  }
0x237: {  	[tilespmem:s1], [sflag:$0x2] =	stream.indirect.gather [hbm4b:s3+s23], $0x40, s24, s23, $0xb8;
	[tilespmem:$0x1E000] =	vst v63  }
0x238: {  	s1 =	simm.s32 $0x17800;
	s24 =	simm.s32 $0x1E00  }
0x239: {  	[tilespmem:s1], [sflag:$0x2] =	stream.indirect.gather [hbm4b:s3+s23], $0x40, s24, s23, $0xb8;
	[tilespmem:$0x1E000] =	vst v63  }
0x23a: {  	s1 =	simm.s32 $0x17E80;
	s24 =	simm.s32 $0x1E20  }
0x23b: {  	[tilespmem:s1], [sflag:$0x2] =	stream.indirect.gather [hbm4b:s3+s23], $0x40, s24, s23, $0xb8;
	[tilespmem:$0x1E000] =	vst v63  }
0x23c: {  	s1 =	simm.s32 $0x18500;
	s24 =	simm.s32 $0x1E40  }
0x23d: {  	[tilespmem:s1], [sflag:$0x2] =	stream.indirect.gather [hbm4b:s3+s23], $0x40, s24, s23, $0xb8;
	[tilespmem:$0x1E000] =	vst v63  }
0x23e: {  	s1 =	simm.s32 $0x18B80;
	s24 =	simm.s32 $0x1E60  }
0x23f: {  	[tilespmem:s1], [sflag:$0x2] =	stream.indirect.gather [hbm4b:s3+s23], $0x40, s24, s23, $0xb8;
	[tilespmem:$0x1E000] =	vst v63  }
0x240: {  	s1 =	simm.s32 $0x19200;
	s24 =	simm.s32 $0x1E80  }
0x241: {  	[tilespmem:s1], [sflag:$0x2] =	stream.indirect.gather [hbm4b:s3+s23], $0x40, s24, s23, $0xb8;
	[tilespmem:$0x1E000] =	vst v63  }
0x242: {  	s1 =	simm.s32 $0x19880;
	s24 =	simm.s32 $0x1EA0  }
0x243: {  	[tilespmem:s1], [sflag:$0x2] =	stream.indirect.gather [hbm4b:s3+s23], $0x40, s24, s23, $0xb8;
	[tilespmem:$0x1E000] =	vst v63  }
0x244: {  	s1 =	simm.s32 $0x19F00;
	s24 =	simm.s32 $0x1EC0  }
0x245: {  	[tilespmem:s1], [sflag:$0x2] =	stream.indirect.gather [hbm4b:s3+s23], $0x40, s24, s23, $0xb8;
	[tilespmem:$0x1E000] =	vst v63  }
0x246: {  	s1 =	simm.s32 $0x1A580;
	s24 =	simm.s32 $0x1EE0  }
0x247: {  	[tilespmem:s1], [sflag:$0x2] =	stream.indirect.gather [hbm4b:s3+s23], $0x40, s24, s23, $0xb8;
	[tilespmem:$0x1E000] =	vst v63  }
0x248: {  	s1 =	simm.s32 $0x1AC00;
	s24 =	simm.s32 $0x1F00  }
0x249: {  	[tilespmem:s1], [sflag:$0x2] =	stream.indirect.gather [hbm4b:s3+s23], $0x40, s24, s23, $0xb8;
	[tilespmem:$0x1E000] =	vst v63  }
0x24a: {  	s1 =	simm.s32 $0x1B280;
	s24 =	simm.s32 $0x1F20  }
0x24b: {  	[tilespmem:s1], [sflag:$0x2] =	stream.indirect.gather [hbm4b:s3+s23], $0x40, s24, s23, $0xb8;
	[tilespmem:$0x1E000] =	vst v63  }
0x24c: {  	s1 =	simm.s32 $0x1B900;
	s24 =	simm.s32 $0x1F40  }
0x24d: {  	[tilespmem:s1], [sflag:$0x2] =	stream.indirect.gather [hbm4b:s3+s23], $0x40, s24, s23, $0xb8;
	[tilespmem:$0x1E000] =	vst v63  }
0x24e: {  	s1 =	simm.s32 $0x1BF80;
	s24 =	simm.s32 $0x1F60  }
0x24f: {  	[tilespmem:s1], [sflag:$0x2] =	stream.indirect.gather [hbm4b:s3+s23], $0x40, s24, s23, $0xb8;
	[tilespmem:$0x1E000] =	vst v63  }
0x250: {  	s1 =	simm.s32 $0x1C600;
	s24 =	simm.s32 $0x1F80  }
0x251: {  	[tilespmem:s1], [sflag:$0x2] =	stream.indirect.gather [hbm4b:s3+s23], $0x40, s24, s23, $0xb8;
	[tilespmem:$0x1E000] =	vst v63  }
0x252: {  	s1 =	simm.s32 $0x1CC80;
	s24 =	simm.s32 $0x1FA0  }
0x253: {  	[tilespmem:s1], [sflag:$0x2] =	stream.indirect.gather [hbm4b:s3+s23], $0x40, s24, s23, $0xb8;
	[tilespmem:$0x1E000] =	vst v63  }
0x254: {  	s1 =	simm.s32 $0x1D300;
	s24 =	simm.s32 $0x1FC0  }
0x255: {  	[tilespmem:s1], [sflag:$0x2] =	stream.indirect.gather [hbm4b:s3+s23], $0x40, s24, s23, $0xb8;
	[tilespmem:$0x1E000] =	vst v63  }
0x256: {  	s24 =	simm.s32 $0x1FE0  }
0x257: {  	[tilespmem:s2], [sflag:$0x2] =	stream.indirect.gather [hbm4b:s3+s23], $0x40, s24, s23, $0xb8;
	[tilespmem:$0x1E000] =	vst v63  }
0x258: {  	_ =	swait.ge [sflag:s4], $0xD000  }
0x259: {  	s0 =	simm.s32 $0x4000;
	s29 =	sadd.s32 $0x0, s11;
	[sflag:s4] =	ssyncset.done $0x0  }
0x25a: {  	s1 =	simm.s32 $0x4680;
	s24 =	simm.s32 $0x200;
	[sflag:s4] =	ssyncadd.s32 $0xFFFF3000  }
.LBB2_14:
0x25b: {  	[hbm4b:s29+s26] =	stream.strided.scatter [tilespmem:s0], [sflag:$0x3], $0x680, s31, s26, $0x38;
	[tilespmem:$0x1E000] =	vst v63  }
0x25c: {  	s29 =	smov.u32 s24;
	s0 =	smov.u32 s1;
	p0 =	sne.s32 s24, $0x3E00  }
.Ltmp6:
0x25d: {  	s24 =	sadd.s32 $0x200, s24;
	(pc) =	sbr.rel @p0 .LBB2_14-.Ltmp6, $2  }
0x25e: {  	_ =	sdelay $0x2  }
0x25f: {  	s1 =	sadd.s32 $0x680, s1;
	s29 =	sadd.s32 s29, s11  }
0x260: {  	[hbm4b:s29+s26] =	stream.strided.scatter [tilespmem:s0], [sflag:$0x3], $0x680, s31, s26, $0x38;
	[tilespmem:$0x1E000] =	vst v63  }
0x261: {  	_ =	swait.ge [sflag:s21], $0xD000  }
0x262: {  	[sflag:s21] =	ssyncset.done $0x0  }
0x263: {  	s1 =	simm.s32 $0x2000;
	[sflag:s21] =	ssyncadd.s32 $0xFFFF3000  }
0x264: {  	[tilespmem:s22], [sflag:$0x1] =	stream.indirect.gather [hbm4b:s3+s23], $0x40, s1, s23, $0xb8;
	[tilespmem:$0x1E000] =	vst v63  }
0x265: {  	s24 =	simm.s32 $0x4680;
	s1 =	simm.s32 $0x2020  }
0x266: {  	[tilespmem:s24], [sflag:$0x1] =	stream.indirect.gather [hbm4b:s3+s23], $0x40, s1, s23, $0xb8;
	[tilespmem:$0x1E000] =	vst v63  }
0x267: {  	s1 =	simm.s32 $0x4D00;
	s24 =	simm.s32 $0x2040  }
0x268: {  	[tilespmem:s1], [sflag:$0x1] =	stream.indirect.gather [hbm4b:s3+s23], $0x40, s24, s23, $0xb8;
	[tilespmem:$0x1E000] =	vst v63  }
0x269: {  	s1 =	simm.s32 $0x5380;
	s24 =	simm.s32 $0x2060  }
0x26a: {  	[tilespmem:s1], [sflag:$0x1] =	stream.indirect.gather [hbm4b:s3+s23], $0x40, s24, s23, $0xb8;
	[tilespmem:$0x1E000] =	vst v63  }
0x26b: {  	s1 =	simm.s32 $0x5A00;
	s24 =	simm.s32 $0x2080  }
0x26c: {  	[tilespmem:s1], [sflag:$0x1] =	stream.indirect.gather [hbm4b:s3+s23], $0x40, s24, s23, $0xb8;
	[tilespmem:$0x1E000] =	vst v63  }
0x26d: {  	s1 =	simm.s32 $0x6080;
	s24 =	simm.s32 $0x20A0  }
0x26e: {  	[tilespmem:s1], [sflag:$0x1] =	stream.indirect.gather [hbm4b:s3+s23], $0x40, s24, s23, $0xb8;
	[tilespmem:$0x1E000] =	vst v63  }
0x26f: {  	s1 =	simm.s32 $0x6700;
	s24 =	simm.s32 $0x20C0  }
0x270: {  	[tilespmem:s1], [sflag:$0x1] =	stream.indirect.gather [hbm4b:s3+s23], $0x40, s24, s23, $0xb8;
	[tilespmem:$0x1E000] =	vst v63  }
0x271: {  	s1 =	simm.s32 $0x6D80;
	s24 =	simm.s32 $0x20E0  }
0x272: {  	[tilespmem:s1], [sflag:$0x1] =	stream.indirect.gather [hbm4b:s3+s23], $0x40, s24, s23, $0xb8;
	[tilespmem:$0x1E000] =	vst v63  }
0x273: {  	s1 =	simm.s32 $0x7400;
	s24 =	simm.s32 $0x2100  }
0x274: {  	[tilespmem:s1], [sflag:$0x1] =	stream.indirect.gather [hbm4b:s3+s23], $0x40, s24, s23, $0xb8;
	[tilespmem:$0x1E000] =	vst v63  }
0x275: {  	s1 =	simm.s32 $0x7A80;
	s24 =	simm.s32 $0x2120  }
0x276: {  	[tilespmem:s1], [sflag:$0x1] =	stream.indirect.gather [hbm4b:s3+s23], $0x40, s24, s23, $0xb8;
	[tilespmem:$0x1E000] =	vst v63  }
0x277: {  	s1 =	simm.s32 $0x8100;
	s24 =	simm.s32 $0x2140  }
0x278: {  	[tilespmem:s1], [sflag:$0x1] =	stream.indirect.gather [hbm4b:s3+s23], $0x40, s24, s23, $0xb8;
	[tilespmem:$0x1E000] =	vst v63  }
0x279: {  	s1 =	simm.s32 $0x8780;
	s24 =	simm.s32 $0x2160  }
0x27a: {  	[tilespmem:s1], [sflag:$0x1] =	stream.indirect.gather [hbm4b:s3+s23], $0x40, s24, s23, $0xb8;
	[tilespmem:$0x1E000] =	vst v63  }
0x27b: {  	s1 =	simm.s32 $0x8E00;
	s24 =	simm.s32 $0x2180  }
0x27c: {  	[tilespmem:s1], [sflag:$0x1] =	stream.indirect.gather [hbm4b:s3+s23], $0x40, s24, s23, $0xb8;
	[tilespmem:$0x1E000] =	vst v63  }
0x27d: {  	s1 =	simm.s32 $0x9480;
	s24 =	simm.s32 $0x21A0  }
0x27e: {  	[tilespmem:s1], [sflag:$0x1] =	stream.indirect.gather [hbm4b:s3+s23], $0x40, s24, s23, $0xb8;
	[tilespmem:$0x1E000] =	vst v63  }
0x27f: {  	s1 =	simm.s32 $0x9B00;
	s24 =	simm.s32 $0x21C0  }
0x280: {  	[tilespmem:s1], [sflag:$0x1] =	stream.indirect.gather [hbm4b:s3+s23], $0x40, s24, s23, $0xb8;
	[tilespmem:$0x1E000] =	vst v63  }
0x281: {  	s1 =	simm.s32 $0xA180;
	s24 =	simm.s32 $0x21E0  }
0x282: {  	[tilespmem:s1], [sflag:$0x1] =	stream.indirect.gather [hbm4b:s3+s23], $0x40, s24, s23, $0xb8;
	[tilespmem:$0x1E000] =	vst v63  }
0x283: {  	s1 =	simm.s32 $0xA800;
	s24 =	simm.s32 $0x2200  }
0x284: {  	[tilespmem:s1], [sflag:$0x1] =	stream.indirect.gather [hbm4b:s3+s23], $0x40, s24, s23, $0xb8;
	[tilespmem:$0x1E000] =	vst v63  }
0x285: {  	s1 =	simm.s32 $0xAE80;
	s24 =	simm.s32 $0x2220  }
0x286: {  	[tilespmem:s1], [sflag:$0x1] =	stream.indirect.gather [hbm4b:s3+s23], $0x40, s24, s23, $0xb8;
	[tilespmem:$0x1E000] =	vst v63  }
0x287: {  	s1 =	simm.s32 $0xB500;
	s24 =	simm.s32 $0x2240  }
0x288: {  	[tilespmem:s1], [sflag:$0x1] =	stream.indirect.gather [hbm4b:s3+s23], $0x40, s24, s23, $0xb8;
	[tilespmem:$0x1E000] =	vst v63  }
0x289: {  	s1 =	simm.s32 $0xBB80;
	s24 =	simm.s32 $0x2260  }
0x28a: {  	[tilespmem:s1], [sflag:$0x1] =	stream.indirect.gather [hbm4b:s3+s23], $0x40, s24, s23, $0xb8;
	[tilespmem:$0x1E000] =	vst v63  }
0x28b: {  	s1 =	simm.s32 $0xC200;
	s24 =	simm.s32 $0x2280  }
0x28c: {  	[tilespmem:s1], [sflag:$0x1] =	stream.indirect.gather [hbm4b:s3+s23], $0x40, s24, s23, $0xb8;
	[tilespmem:$0x1E000] =	vst v63  }
0x28d: {  	s1 =	simm.s32 $0xC880;
	s24 =	simm.s32 $0x22A0  }
0x28e: {  	[tilespmem:s1], [sflag:$0x1] =	stream.indirect.gather [hbm4b:s3+s23], $0x40, s24, s23, $0xb8;
	[tilespmem:$0x1E000] =	vst v63  }
0x28f: {  	s1 =	simm.s32 $0xCF00;
	s24 =	simm.s32 $0x22C0  }
0x290: {  	[tilespmem:s1], [sflag:$0x1] =	stream.indirect.gather [hbm4b:s3+s23], $0x40, s24, s23, $0xb8;
	[tilespmem:$0x1E000] =	vst v63  }
0x291: {  	s1 =	simm.s32 $0xD580;
	s24 =	simm.s32 $0x22E0  }
0x292: {  	[tilespmem:s1], [sflag:$0x1] =	stream.indirect.gather [hbm4b:s3+s23], $0x40, s24, s23, $0xb8;
	[tilespmem:$0x1E000] =	vst v63  }
0x293: {  	s1 =	simm.s32 $0xDC00;
	s24 =	simm.s32 $0x2300  }
0x294: {  	[tilespmem:s1], [sflag:$0x1] =	stream.indirect.gather [hbm4b:s3+s23], $0x40, s24, s23, $0xb8;
	[tilespmem:$0x1E000] =	vst v63  }
0x295: {  	s1 =	simm.s32 $0xE280;
	s24 =	simm.s32 $0x2320  }
0x296: {  	[tilespmem:s1], [sflag:$0x1] =	stream.indirect.gather [hbm4b:s3+s23], $0x40, s24, s23, $0xb8;
	[tilespmem:$0x1E000] =	vst v63  }
0x297: {  	s1 =	simm.s32 $0xE900;
	s24 =	simm.s32 $0x2340  }
0x298: {  	[tilespmem:s1], [sflag:$0x1] =	stream.indirect.gather [hbm4b:s3+s23], $0x40, s24, s23, $0xb8;
	[tilespmem:$0x1E000] =	vst v63  }
0x299: {  	s1 =	simm.s32 $0xEF80;
	s24 =	simm.s32 $0x2360  }
0x29a: {  	[tilespmem:s1], [sflag:$0x1] =	stream.indirect.gather [hbm4b:s3+s23], $0x40, s24, s23, $0xb8;
	[tilespmem:$0x1E000] =	vst v63  }
0x29b: {  	s1 =	simm.s32 $0xF600;
	s24 =	simm.s32 $0x2380  }
0x29c: {  	[tilespmem:s1], [sflag:$0x1] =	stream.indirect.gather [hbm4b:s3+s23], $0x40, s24, s23, $0xb8;
	[tilespmem:$0x1E000] =	vst v63  }
0x29d: {  	s1 =	simm.s32 $0xFC80;
	s24 =	simm.s32 $0x23A0  }
0x29e: {  	[tilespmem:s1], [sflag:$0x1] =	stream.indirect.gather [hbm4b:s3+s23], $0x40, s24, s23, $0xb8;
	[tilespmem:$0x1E000] =	vst v63  }
0x29f: {  	s1 =	simm.s32 $0x10300;
	s24 =	simm.s32 $0x23C0  }
0x2a0: {  	[tilespmem:s1], [sflag:$0x1] =	stream.indirect.gather [hbm4b:s3+s23], $0x40, s24, s23, $0xb8;
	[tilespmem:$0x1E000] =	vst v63  }
0x2a1: {  	s1 =	simm.s32 $0x10980;
	s24 =	simm.s32 $0x23E0  }
0x2a2: {  	[tilespmem:s1], [sflag:$0x1] =	stream.indirect.gather [hbm4b:s3+s23], $0x40, s24, s23, $0xb8;
	[tilespmem:$0x1E000] =	vst v63  }
0x2a3: {  	_ =	swait.ge [sflag:s25], $0xD000  }
0x2a4: {  	s0 =	simm.s32 $0x11000;
	s29 =	sadd.s32 $0x0, s12;
	[sflag:s25] =	ssyncset.done $0x0  }
0x2a5: {  	s24 =	simm.s32 $0x200;
	s1 =	simm.s32 $0x11680;
	[sflag:s25] =	ssyncadd.s32 $0xFFFF3000  }
.LBB2_16:
0x2a6: {  	[hbm4b:s29+s26] =	stream.strided.scatter [tilespmem:s0], [sflag:$0x4], $0x680, s31, s26, $0x38;
	[tilespmem:$0x1E000] =	vst v63  }
0x2a7: {  	s29 =	smov.u32 s24;
	s0 =	smov.u32 s1;
	p0 =	sne.s32 s24, $0x3E00  }
.Ltmp7:
0x2a8: {  	s24 =	sadd.s32 $0x200, s24;
	(pc) =	sbr.rel @p0 .LBB2_16-.Ltmp7, $2  }
0x2a9: {  	_ =	sdelay $0x2  }
0x2aa: {  	s1 =	sadd.s32 $0x680, s1;
	s29 =	sadd.s32 s29, s12  }
0x2ab: {  	[hbm4b:s29+s26] =	stream.strided.scatter [tilespmem:s0], [sflag:$0x4], $0x680, s31, s26, $0x38;
	[tilespmem:$0x1E000] =	vst v63  }
0x2ac: {  	_ =	swait.ge [sflag:s28], $0xD000  }
0x2ad: {  	[sflag:s28] =	ssyncset.done $0x0  }
0x2ae: {  	s24 =	simm.s32 $0x11000;
	s1 =	simm.s32 $0x2400;
	[sflag:s28] =	ssyncadd.s32 $0xFFFF3000  }
0x2af: {  	[tilespmem:s24], [sflag:$0x2] =	stream.indirect.gather [hbm4b:s3+s23], $0x40, s1, s23, $0xb8;
	[tilespmem:$0x1E000] =	vst v63  }
0x2b0: {  	s1 =	simm.s32 $0x11680;
	s24 =	simm.s32 $0x2420  }
0x2b1: {  	[tilespmem:s1], [sflag:$0x2] =	stream.indirect.gather [hbm4b:s3+s23], $0x40, s24, s23, $0xb8;
	[tilespmem:$0x1E000] =	vst v63  }
0x2b2: {  	s1 =	simm.s32 $0x11D00;
	s24 =	simm.s32 $0x2440  }
0x2b3: {  	[tilespmem:s1], [sflag:$0x2] =	stream.indirect.gather [hbm4b:s3+s23], $0x40, s24, s23, $0xb8;
	[tilespmem:$0x1E000] =	vst v63  }
0x2b4: {  	s1 =	simm.s32 $0x12380;
	s24 =	simm.s32 $0x2460  }
0x2b5: {  	[tilespmem:s1], [sflag:$0x2] =	stream.indirect.gather [hbm4b:s3+s23], $0x40, s24, s23, $0xb8;
	[tilespmem:$0x1E000] =	vst v63  }
0x2b6: {  	s1 =	simm.s32 $0x12A00;
	s24 =	simm.s32 $0x2480  }
0x2b7: {  	[tilespmem:s1], [sflag:$0x2] =	stream.indirect.gather [hbm4b:s3+s23], $0x40, s24, s23, $0xb8;
	[tilespmem:$0x1E000] =	vst v63  }
0x2b8: {  	s1 =	simm.s32 $0x13080;
	s24 =	simm.s32 $0x24A0  }
0x2b9: {  	[tilespmem:s1], [sflag:$0x2] =	stream.indirect.gather [hbm4b:s3+s23], $0x40, s24, s23, $0xb8;
	[tilespmem:$0x1E000] =	vst v63  }
0x2ba: {  	s1 =	simm.s32 $0x13700;
	s24 =	simm.s32 $0x24C0  }
0x2bb: {  	[tilespmem:s1], [sflag:$0x2] =	stream.indirect.gather [hbm4b:s3+s23], $0x40, s24, s23, $0xb8;
	[tilespmem:$0x1E000] =	vst v63  }
0x2bc: {  	s1 =	simm.s32 $0x13D80;
	s24 =	simm.s32 $0x24E0  }
0x2bd: {  	[tilespmem:s1], [sflag:$0x2] =	stream.indirect.gather [hbm4b:s3+s23], $0x40, s24, s23, $0xb8;
	[tilespmem:$0x1E000] =	vst v63  }
0x2be: {  	s1 =	simm.s32 $0x14400;
	s24 =	simm.s32 $0x2500  }
0x2bf: {  	[tilespmem:s1], [sflag:$0x2] =	stream.indirect.gather [hbm4b:s3+s23], $0x40, s24, s23, $0xb8;
	[tilespmem:$0x1E000] =	vst v63  }
0x2c0: {  	s1 =	simm.s32 $0x14A80;
	s24 =	simm.s32 $0x2520  }
0x2c1: {  	[tilespmem:s1], [sflag:$0x2] =	stream.indirect.gather [hbm4b:s3+s23], $0x40, s24, s23, $0xb8;
	[tilespmem:$0x1E000] =	vst v63  }
0x2c2: {  	s1 =	simm.s32 $0x15100;
	s24 =	simm.s32 $0x2540  }
0x2c3: {  	[tilespmem:s1], [sflag:$0x2] =	stream.indirect.gather [hbm4b:s3+s23], $0x40, s24, s23, $0xb8;
	[tilespmem:$0x1E000] =	vst v63  }
0x2c4: {  	s1 =	simm.s32 $0x15780;
	s24 =	simm.s32 $0x2560  }
0x2c5: {  	[tilespmem:s1], [sflag:$0x2] =	stream.indirect.gather [hbm4b:s3+s23], $0x40, s24, s23, $0xb8;
	[tilespmem:$0x1E000] =	vst v63  }
0x2c6: {  	s1 =	simm.s32 $0x15E00;
	s24 =	simm.s32 $0x2580  }
0x2c7: {  	[tilespmem:s1], [sflag:$0x2] =	stream.indirect.gather [hbm4b:s3+s23], $0x40, s24, s23, $0xb8;
	[tilespmem:$0x1E000] =	vst v63  }
0x2c8: {  	s1 =	simm.s32 $0x16480;
	s24 =	simm.s32 $0x25A0  }
0x2c9: {  	[tilespmem:s1], [sflag:$0x2] =	stream.indirect.gather [hbm4b:s3+s23], $0x40, s24, s23, $0xb8;
	[tilespmem:$0x1E000] =	vst v63  }
0x2ca: {  	s1 =	simm.s32 $0x16B00;
	s24 =	simm.s32 $0x25C0  }
0x2cb: {  	[tilespmem:s1], [sflag:$0x2] =	stream.indirect.gather [hbm4b:s3+s23], $0x40, s24, s23, $0xb8;
	[tilespmem:$0x1E000] =	vst v63  }
0x2cc: {  	s1 =	simm.s32 $0x17180;
	s24 =	simm.s32 $0x25E0  }
0x2cd: {  	[tilespmem:s1], [sflag:$0x2] =	stream.indirect.gather [hbm4b:s3+s23], $0x40, s24, s23, $0xb8;
	[tilespmem:$0x1E000] =	vst v63  }
0x2ce: {  	s1 =	simm.s32 $0x17800;
	s24 =	simm.s32 $0x2600  }
0x2cf: {  	[tilespmem:s1], [sflag:$0x2] =	stream.indirect.gather [hbm4b:s3+s23], $0x40, s24, s23, $0xb8;
	[tilespmem:$0x1E000] =	vst v63  }
0x2d0: {  	s1 =	simm.s32 $0x17E80;
	s24 =	simm.s32 $0x2620  }
0x2d1: {  	[tilespmem:s1], [sflag:$0x2] =	stream.indirect.gather [hbm4b:s3+s23], $0x40, s24, s23, $0xb8;
	[tilespmem:$0x1E000] =	vst v63  }
0x2d2: {  	s1 =	simm.s32 $0x18500;
	s24 =	simm.s32 $0x2640  }
0x2d3: {  	[tilespmem:s1], [sflag:$0x2] =	stream.indirect.gather [hbm4b:s3+s23], $0x40, s24, s23, $0xb8;
	[tilespmem:$0x1E000] =	vst v63  }
0x2d4: {  	s1 =	simm.s32 $0x18B80;
	s24 =	simm.s32 $0x2660  }
0x2d5: {  	[tilespmem:s1], [sflag:$0x2] =	stream.indirect.gather [hbm4b:s3+s23], $0x40, s24, s23, $0xb8;
	[tilespmem:$0x1E000] =	vst v63  }
0x2d6: {  	s1 =	simm.s32 $0x19200;
	s24 =	simm.s32 $0x2680  }
0x2d7: {  	[tilespmem:s1], [sflag:$0x2] =	stream.indirect.gather [hbm4b:s3+s23], $0x40, s24, s23, $0xb8;
	[tilespmem:$0x1E000] =	vst v63  }
0x2d8: {  	s1 =	simm.s32 $0x19880;
	s24 =	simm.s32 $0x26A0  }
0x2d9: {  	[tilespmem:s1], [sflag:$0x2] =	stream.indirect.gather [hbm4b:s3+s23], $0x40, s24, s23, $0xb8;
	[tilespmem:$0x1E000] =	vst v63  }
0x2da: {  	s1 =	simm.s32 $0x19F00;
	s24 =	simm.s32 $0x26C0  }
0x2db: {  	[tilespmem:s1], [sflag:$0x2] =	stream.indirect.gather [hbm4b:s3+s23], $0x40, s24, s23, $0xb8;
	[tilespmem:$0x1E000] =	vst v63  }
0x2dc: {  	s1 =	simm.s32 $0x1A580;
	s24 =	simm.s32 $0x26E0  }
0x2dd: {  	[tilespmem:s1], [sflag:$0x2] =	stream.indirect.gather [hbm4b:s3+s23], $0x40, s24, s23, $0xb8;
	[tilespmem:$0x1E000] =	vst v63  }
0x2de: {  	s1 =	simm.s32 $0x1AC00;
	s24 =	simm.s32 $0x2700  }
0x2df: {  	[tilespmem:s1], [sflag:$0x2] =	stream.indirect.gather [hbm4b:s3+s23], $0x40, s24, s23, $0xb8;
	[tilespmem:$0x1E000] =	vst v63  }
0x2e0: {  	s1 =	simm.s32 $0x1B280;
	s24 =	simm.s32 $0x2720  }
0x2e1: {  	[tilespmem:s1], [sflag:$0x2] =	stream.indirect.gather [hbm4b:s3+s23], $0x40, s24, s23, $0xb8;
	[tilespmem:$0x1E000] =	vst v63  }
0x2e2: {  	s1 =	simm.s32 $0x1B900;
	s24 =	simm.s32 $0x2740  }
0x2e3: {  	[tilespmem:s1], [sflag:$0x2] =	stream.indirect.gather [hbm4b:s3+s23], $0x40, s24, s23, $0xb8;
	[tilespmem:$0x1E000] =	vst v63  }
0x2e4: {  	s1 =	simm.s32 $0x1BF80;
	s24 =	simm.s32 $0x2760  }
0x2e5: {  	[tilespmem:s1], [sflag:$0x2] =	stream.indirect.gather [hbm4b:s3+s23], $0x40, s24, s23, $0xb8;
	[tilespmem:$0x1E000] =	vst v63  }
0x2e6: {  	s1 =	simm.s32 $0x1C600;
	s24 =	simm.s32 $0x2780  }
0x2e7: {  	[tilespmem:s1], [sflag:$0x2] =	stream.indirect.gather [hbm4b:s3+s23], $0x40, s24, s23, $0xb8;
	[tilespmem:$0x1E000] =	vst v63  }
0x2e8: {  	s1 =	simm.s32 $0x1CC80;
	s24 =	simm.s32 $0x27A0  }
0x2e9: {  	[tilespmem:s1], [sflag:$0x2] =	stream.indirect.gather [hbm4b:s3+s23], $0x40, s24, s23, $0xb8;
	[tilespmem:$0x1E000] =	vst v63  }
0x2ea: {  	s1 =	simm.s32 $0x1D300;
	s24 =	simm.s32 $0x27C0  }
0x2eb: {  	[tilespmem:s1], [sflag:$0x2] =	stream.indirect.gather [hbm4b:s3+s23], $0x40, s24, s23, $0xb8;
	[tilespmem:$0x1E000] =	vst v63  }
0x2ec: {  	s24 =	simm.s32 $0x27E0  }
0x2ed: {  	[tilespmem:s2], [sflag:$0x2] =	stream.indirect.gather [hbm4b:s3+s23], $0x40, s24, s23, $0xb8;
	[tilespmem:$0x1E000] =	vst v63  }
0x2ee: {  	_ =	swait.ge [sflag:s4], $0xD000  }
0x2ef: {  	s0 =	simm.s32 $0x4000;
	s29 =	sadd.s32 $0x0, s13;
	[sflag:s4] =	ssyncset.done $0x0  }
0x2f0: {  	s1 =	simm.s32 $0x4680;
	s24 =	simm.s32 $0x200;
	[sflag:s4] =	ssyncadd.s32 $0xFFFF3000  }
.LBB2_18:
0x2f1: {  	[hbm4b:s29+s26] =	stream.strided.scatter [tilespmem:s0], [sflag:$0x3], $0x680, s31, s26, $0x38;
	[tilespmem:$0x1E000] =	vst v63  }
0x2f2: {  	s29 =	smov.u32 s24;
	s0 =	smov.u32 s1;
	p0 =	sne.s32 s24, $0x3E00  }
.Ltmp8:
0x2f3: {  	s24 =	sadd.s32 $0x200, s24;
	(pc) =	sbr.rel @p0 .LBB2_18-.Ltmp8, $2  }
0x2f4: {  	_ =	sdelay $0x2  }
0x2f5: {  	s1 =	sadd.s32 $0x680, s1;
	s29 =	sadd.s32 s29, s13  }
0x2f6: {  	[hbm4b:s29+s26] =	stream.strided.scatter [tilespmem:s0], [sflag:$0x3], $0x680, s31, s26, $0x38;
	[tilespmem:$0x1E000] =	vst v63  }
0x2f7: {  	_ =	swait.ge [sflag:s21], $0xD000  }
0x2f8: {  	[sflag:s21] =	ssyncset.done $0x0  }
0x2f9: {  	s1 =	simm.s32 $0x2800;
	[sflag:s21] =	ssyncadd.s32 $0xFFFF3000  }
0x2fa: {  	[tilespmem:s22], [sflag:$0x1] =	stream.indirect.gather [hbm4b:s3+s23], $0x40, s1, s23, $0xb8;
	[tilespmem:$0x1E000] =	vst v63  }
0x2fb: {  	s24 =	simm.s32 $0x4680;
	s1 =	simm.s32 $0x2820  }
0x2fc: {  	[tilespmem:s24], [sflag:$0x1] =	stream.indirect.gather [hbm4b:s3+s23], $0x40, s1, s23, $0xb8;
	[tilespmem:$0x1E000] =	vst v63  }
0x2fd: {  	s1 =	simm.s32 $0x4D00;
	s24 =	simm.s32 $0x2840  }
0x2fe: {  	[tilespmem:s1], [sflag:$0x1] =	stream.indirect.gather [hbm4b:s3+s23], $0x40, s24, s23, $0xb8;
	[tilespmem:$0x1E000] =	vst v63  }
0x2ff: {  	s1 =	simm.s32 $0x5380;
	s24 =	simm.s32 $0x2860  }
0x300: {  	[tilespmem:s1], [sflag:$0x1] =	stream.indirect.gather [hbm4b:s3+s23], $0x40, s24, s23, $0xb8;
	[tilespmem:$0x1E000] =	vst v63  }
0x301: {  	s1 =	simm.s32 $0x5A00;
	s24 =	simm.s32 $0x2880  }
0x302: {  	[tilespmem:s1], [sflag:$0x1] =	stream.indirect.gather [hbm4b:s3+s23], $0x40, s24, s23, $0xb8;
	[tilespmem:$0x1E000] =	vst v63  }
0x303: {  	s1 =	simm.s32 $0x6080;
	s24 =	simm.s32 $0x28A0  }
0x304: {  	[tilespmem:s1], [sflag:$0x1] =	stream.indirect.gather [hbm4b:s3+s23], $0x40, s24, s23, $0xb8;
	[tilespmem:$0x1E000] =	vst v63  }
0x305: {  	s1 =	simm.s32 $0x6700;
	s24 =	simm.s32 $0x28C0  }
0x306: {  	[tilespmem:s1], [sflag:$0x1] =	stream.indirect.gather [hbm4b:s3+s23], $0x40, s24, s23, $0xb8;
	[tilespmem:$0x1E000] =	vst v63  }
0x307: {  	s1 =	simm.s32 $0x6D80;
	s24 =	simm.s32 $0x28E0  }
0x308: {  	[tilespmem:s1], [sflag:$0x1] =	stream.indirect.gather [hbm4b:s3+s23], $0x40, s24, s23, $0xb8;
	[tilespmem:$0x1E000] =	vst v63  }
0x309: {  	s1 =	simm.s32 $0x7400;
	s24 =	simm.s32 $0x2900  }
0x30a: {  	[tilespmem:s1], [sflag:$0x1] =	stream.indirect.gather [hbm4b:s3+s23], $0x40, s24, s23, $0xb8;
	[tilespmem:$0x1E000] =	vst v63  }
0x30b: {  	s1 =	simm.s32 $0x7A80;
	s24 =	simm.s32 $0x2920  }
0x30c: {  	[tilespmem:s1], [sflag:$0x1] =	stream.indirect.gather [hbm4b:s3+s23], $0x40, s24, s23, $0xb8;
	[tilespmem:$0x1E000] =	vst v63  }
0x30d: {  	s1 =	simm.s32 $0x8100;
	s24 =	simm.s32 $0x2940  }
0x30e: {  	[tilespmem:s1], [sflag:$0x1] =	stream.indirect.gather [hbm4b:s3+s23], $0x40, s24, s23, $0xb8;
	[tilespmem:$0x1E000] =	vst v63  }
0x30f: {  	s1 =	simm.s32 $0x8780;
	s24 =	simm.s32 $0x2960  }
0x310: {  	[tilespmem:s1], [sflag:$0x1] =	stream.indirect.gather [hbm4b:s3+s23], $0x40, s24, s23, $0xb8;
	[tilespmem:$0x1E000] =	vst v63  }
0x311: {  	s1 =	simm.s32 $0x8E00;
	s24 =	simm.s32 $0x2980  }
0x312: {  	[tilespmem:s1], [sflag:$0x1] =	stream.indirect.gather [hbm4b:s3+s23], $0x40, s24, s23, $0xb8;
	[tilespmem:$0x1E000] =	vst v63  }
0x313: {  	s1 =	simm.s32 $0x9480;
	s24 =	simm.s32 $0x29A0  }
0x314: {  	[tilespmem:s1], [sflag:$0x1] =	stream.indirect.gather [hbm4b:s3+s23], $0x40, s24, s23, $0xb8;
	[tilespmem:$0x1E000] =	vst v63  }
0x315: {  	s1 =	simm.s32 $0x9B00;
	s24 =	simm.s32 $0x29C0  }
0x316: {  	[tilespmem:s1], [sflag:$0x1] =	stream.indirect.gather [hbm4b:s3+s23], $0x40, s24, s23, $0xb8;
	[tilespmem:$0x1E000] =	vst v63  }
0x317: {  	s1 =	simm.s32 $0xA180;
	s24 =	simm.s32 $0x29E0  }
0x318: {  	[tilespmem:s1], [sflag:$0x1] =	stream.indirect.gather [hbm4b:s3+s23], $0x40, s24, s23, $0xb8;
	[tilespmem:$0x1E000] =	vst v63  }
0x319: {  	s1 =	simm.s32 $0xA800;
	s24 =	simm.s32 $0x2A00  }
0x31a: {  	[tilespmem:s1], [sflag:$0x1] =	stream.indirect.gather [hbm4b:s3+s23], $0x40, s24, s23, $0xb8;
	[tilespmem:$0x1E000] =	vst v63  }
0x31b: {  	s1 =	simm.s32 $0xAE80;
	s24 =	simm.s32 $0x2A20  }
0x31c: {  	[tilespmem:s1], [sflag:$0x1] =	stream.indirect.gather [hbm4b:s3+s23], $0x40, s24, s23, $0xb8;
	[tilespmem:$0x1E000] =	vst v63  }
0x31d: {  	s1 =	simm.s32 $0xB500;
	s24 =	simm.s32 $0x2A40  }
0x31e: {  	[tilespmem:s1], [sflag:$0x1] =	stream.indirect.gather [hbm4b:s3+s23], $0x40, s24, s23, $0xb8;
	[tilespmem:$0x1E000] =	vst v63  }
0x31f: {  	s1 =	simm.s32 $0xBB80;
	s24 =	simm.s32 $0x2A60  }
0x320: {  	[tilespmem:s1], [sflag:$0x1] =	stream.indirect.gather [hbm4b:s3+s23], $0x40, s24, s23, $0xb8;
	[tilespmem:$0x1E000] =	vst v63  }
0x321: {  	s1 =	simm.s32 $0xC200;
	s24 =	simm.s32 $0x2A80  }
0x322: {  	[tilespmem:s1], [sflag:$0x1] =	stream.indirect.gather [hbm4b:s3+s23], $0x40, s24, s23, $0xb8;
	[tilespmem:$0x1E000] =	vst v63  }
0x323: {  	s1 =	simm.s32 $0xC880;
	s24 =	simm.s32 $0x2AA0  }
0x324: {  	[tilespmem:s1], [sflag:$0x1] =	stream.indirect.gather [hbm4b:s3+s23], $0x40, s24, s23, $0xb8;
	[tilespmem:$0x1E000] =	vst v63  }
0x325: {  	s1 =	simm.s32 $0xCF00;
	s24 =	simm.s32 $0x2AC0  }
0x326: {  	[tilespmem:s1], [sflag:$0x1] =	stream.indirect.gather [hbm4b:s3+s23], $0x40, s24, s23, $0xb8;
	[tilespmem:$0x1E000] =	vst v63  }
0x327: {  	s1 =	simm.s32 $0xD580;
	s24 =	simm.s32 $0x2AE0  }
0x328: {  	[tilespmem:s1], [sflag:$0x1] =	stream.indirect.gather [hbm4b:s3+s23], $0x40, s24, s23, $0xb8;
	[tilespmem:$0x1E000] =	vst v63  }
0x329: {  	s1 =	simm.s32 $0xDC00;
	s24 =	simm.s32 $0x2B00  }
0x32a: {  	[tilespmem:s1], [sflag:$0x1] =	stream.indirect.gather [hbm4b:s3+s23], $0x40, s24, s23, $0xb8;
	[tilespmem:$0x1E000] =	vst v63  }
0x32b: {  	s1 =	simm.s32 $0xE280;
	s24 =	simm.s32 $0x2B20  }
0x32c: {  	[tilespmem:s1], [sflag:$0x1] =	stream.indirect.gather [hbm4b:s3+s23], $0x40, s24, s23, $0xb8;
	[tilespmem:$0x1E000] =	vst v63  }
0x32d: {  	s1 =	simm.s32 $0xE900;
	s24 =	simm.s32 $0x2B40  }
0x32e: {  	[tilespmem:s1], [sflag:$0x1] =	stream.indirect.gather [hbm4b:s3+s23], $0x40, s24, s23, $0xb8;
	[tilespmem:$0x1E000] =	vst v63  }
0x32f: {  	s1 =	simm.s32 $0xEF80;
	s24 =	simm.s32 $0x2B60  }
0x330: {  	[tilespmem:s1], [sflag:$0x1] =	stream.indirect.gather [hbm4b:s3+s23], $0x40, s24, s23, $0xb8;
	[tilespmem:$0x1E000] =	vst v63  }
0x331: {  	s1 =	simm.s32 $0xF600;
	s24 =	simm.s32 $0x2B80  }
0x332: {  	[tilespmem:s1], [sflag:$0x1] =	stream.indirect.gather [hbm4b:s3+s23], $0x40, s24, s23, $0xb8;
	[tilespmem:$0x1E000] =	vst v63  }
0x333: {  	s1 =	simm.s32 $0xFC80;
	s24 =	simm.s32 $0x2BA0  }
0x334: {  	[tilespmem:s1], [sflag:$0x1] =	stream.indirect.gather [hbm4b:s3+s23], $0x40, s24, s23, $0xb8;
	[tilespmem:$0x1E000] =	vst v63  }
0x335: {  	s1 =	simm.s32 $0x10300;
	s24 =	simm.s32 $0x2BC0  }
0x336: {  	[tilespmem:s1], [sflag:$0x1] =	stream.indirect.gather [hbm4b:s3+s23], $0x40, s24, s23, $0xb8;
	[tilespmem:$0x1E000] =	vst v63  }
0x337: {  	s1 =	simm.s32 $0x10980;
	s24 =	simm.s32 $0x2BE0  }
0x338: {  	[tilespmem:s1], [sflag:$0x1] =	stream.indirect.gather [hbm4b:s3+s23], $0x40, s24, s23, $0xb8;
	[tilespmem:$0x1E000] =	vst v63  }
0x339: {  	_ =	swait.ge [sflag:s25], $0xD000  }
0x33a: {  	s0 =	simm.s32 $0x11000;
	s29 =	sadd.s32 $0x0, s14;
	[sflag:s25] =	ssyncset.done $0x0  }
0x33b: {  	s24 =	simm.s32 $0x200;
	s1 =	simm.s32 $0x11680;
	[sflag:s25] =	ssyncadd.s32 $0xFFFF3000  }
.LBB2_20:
0x33c: {  	[hbm4b:s29+s26] =	stream.strided.scatter [tilespmem:s0], [sflag:$0x4], $0x680, s31, s26, $0x38;
	[tilespmem:$0x1E000] =	vst v63  }
0x33d: {  	s29 =	smov.u32 s24;
	s0 =	smov.u32 s1;
	p0 =	sne.s32 s24, $0x3E00  }
.Ltmp9:
0x33e: {  	s24 =	sadd.s32 $0x200, s24;
	(pc) =	sbr.rel @p0 .LBB2_20-.Ltmp9, $2  }
0x33f: {  	_ =	sdelay $0x2  }
0x340: {  	s1 =	sadd.s32 $0x680, s1;
	s29 =	sadd.s32 s29, s14  }
0x341: {  	[hbm4b:s29+s26] =	stream.strided.scatter [tilespmem:s0], [sflag:$0x4], $0x680, s31, s26, $0x38;
	[tilespmem:$0x1E000] =	vst v63  }
0x342: {  	_ =	swait.ge [sflag:s28], $0xD000  }
0x343: {  	[sflag:s28] =	ssyncset.done $0x0  }
0x344: {  	s24 =	simm.s32 $0x11000;
	s1 =	simm.s32 $0x2C00;
	[sflag:s28] =	ssyncadd.s32 $0xFFFF3000  }
0x345: {  	[tilespmem:s24], [sflag:$0x2] =	stream.indirect.gather [hbm4b:s3+s23], $0x40, s1, s23, $0xb8;
	[tilespmem:$0x1E000] =	vst v63  }
0x346: {  	s1 =	simm.s32 $0x11680;
	s24 =	simm.s32 $0x2C20  }
0x347: {  	[tilespmem:s1], [sflag:$0x2] =	stream.indirect.gather [hbm4b:s3+s23], $0x40, s24, s23, $0xb8;
	[tilespmem:$0x1E000] =	vst v63  }
0x348: {  	s1 =	simm.s32 $0x11D00;
	s24 =	simm.s32 $0x2C40  }
0x349: {  	[tilespmem:s1], [sflag:$0x2] =	stream.indirect.gather [hbm4b:s3+s23], $0x40, s24, s23, $0xb8;
	[tilespmem:$0x1E000] =	vst v63  }
0x34a: {  	s1 =	simm.s32 $0x12380;
	s24 =	simm.s32 $0x2C60  }
0x34b: {  	[tilespmem:s1], [sflag:$0x2] =	stream.indirect.gather [hbm4b:s3+s23], $0x40, s24, s23, $0xb8;
	[tilespmem:$0x1E000] =	vst v63  }
0x34c: {  	s1 =	simm.s32 $0x12A00;
	s24 =	simm.s32 $0x2C80  }
0x34d: {  	[tilespmem:s1], [sflag:$0x2] =	stream.indirect.gather [hbm4b:s3+s23], $0x40, s24, s23, $0xb8;
	[tilespmem:$0x1E000] =	vst v63  }
0x34e: {  	s1 =	simm.s32 $0x13080;
	s24 =	simm.s32 $0x2CA0  }
0x34f: {  	[tilespmem:s1], [sflag:$0x2] =	stream.indirect.gather [hbm4b:s3+s23], $0x40, s24, s23, $0xb8;
	[tilespmem:$0x1E000] =	vst v63  }
0x350: {  	s1 =	simm.s32 $0x13700;
	s24 =	simm.s32 $0x2CC0  }
0x351: {  	[tilespmem:s1], [sflag:$0x2] =	stream.indirect.gather [hbm4b:s3+s23], $0x40, s24, s23, $0xb8;
	[tilespmem:$0x1E000] =	vst v63  }
0x352: {  	s1 =	simm.s32 $0x13D80;
	s24 =	simm.s32 $0x2CE0  }
0x353: {  	[tilespmem:s1], [sflag:$0x2] =	stream.indirect.gather [hbm4b:s3+s23], $0x40, s24, s23, $0xb8;
	[tilespmem:$0x1E000] =	vst v63  }
0x354: {  	s1 =	simm.s32 $0x14400;
	s24 =	simm.s32 $0x2D00  }
0x355: {  	[tilespmem:s1], [sflag:$0x2] =	stream.indirect.gather [hbm4b:s3+s23], $0x40, s24, s23, $0xb8;
	[tilespmem:$0x1E000] =	vst v63  }
0x356: {  	s1 =	simm.s32 $0x14A80;
	s24 =	simm.s32 $0x2D20  }
0x357: {  	[tilespmem:s1], [sflag:$0x2] =	stream.indirect.gather [hbm4b:s3+s23], $0x40, s24, s23, $0xb8;
	[tilespmem:$0x1E000] =	vst v63  }
0x358: {  	s1 =	simm.s32 $0x15100;
	s24 =	simm.s32 $0x2D40  }
0x359: {  	[tilespmem:s1], [sflag:$0x2] =	stream.indirect.gather [hbm4b:s3+s23], $0x40, s24, s23, $0xb8;
	[tilespmem:$0x1E000] =	vst v63  }
0x35a: {  	s1 =	simm.s32 $0x15780;
	s24 =	simm.s32 $0x2D60  }
0x35b: {  	[tilespmem:s1], [sflag:$0x2] =	stream.indirect.gather [hbm4b:s3+s23], $0x40, s24, s23, $0xb8;
	[tilespmem:$0x1E000] =	vst v63  }
0x35c: {  	s1 =	simm.s32 $0x15E00;
	s24 =	simm.s32 $0x2D80  }
0x35d: {  	[tilespmem:s1], [sflag:$0x2] =	stream.indirect.gather [hbm4b:s3+s23], $0x40, s24, s23, $0xb8;
	[tilespmem:$0x1E000] =	vst v63  }
0x35e: {  	s1 =	simm.s32 $0x16480;
	s24 =	simm.s32 $0x2DA0  }
0x35f: {  	[tilespmem:s1], [sflag:$0x2] =	stream.indirect.gather [hbm4b:s3+s23], $0x40, s24, s23, $0xb8;
	[tilespmem:$0x1E000] =	vst v63  }
0x360: {  	s1 =	simm.s32 $0x16B00;
	s24 =	simm.s32 $0x2DC0  }
0x361: {  	[tilespmem:s1], [sflag:$0x2] =	stream.indirect.gather [hbm4b:s3+s23], $0x40, s24, s23, $0xb8;
	[tilespmem:$0x1E000] =	vst v63  }
0x362: {  	s1 =	simm.s32 $0x17180;
	s24 =	simm.s32 $0x2DE0  }
0x363: {  	[tilespmem:s1], [sflag:$0x2] =	stream.indirect.gather [hbm4b:s3+s23], $0x40, s24, s23, $0xb8;
	[tilespmem:$0x1E000] =	vst v63  }
0x364: {  	s1 =	simm.s32 $0x17800;
	s24 =	simm.s32 $0x2E00  }
0x365: {  	[tilespmem:s1], [sflag:$0x2] =	stream.indirect.gather [hbm4b:s3+s23], $0x40, s24, s23, $0xb8;
	[tilespmem:$0x1E000] =	vst v63  }
0x366: {  	s1 =	simm.s32 $0x17E80;
	s24 =	simm.s32 $0x2E20  }
0x367: {  	[tilespmem:s1], [sflag:$0x2] =	stream.indirect.gather [hbm4b:s3+s23], $0x40, s24, s23, $0xb8;
	[tilespmem:$0x1E000] =	vst v63  }
0x368: {  	s1 =	simm.s32 $0x18500;
	s24 =	simm.s32 $0x2E40  }
0x369: {  	[tilespmem:s1], [sflag:$0x2] =	stream.indirect.gather [hbm4b:s3+s23], $0x40, s24, s23, $0xb8;
	[tilespmem:$0x1E000] =	vst v63  }
0x36a: {  	s1 =	simm.s32 $0x18B80;
	s24 =	simm.s32 $0x2E60  }
0x36b: {  	[tilespmem:s1], [sflag:$0x2] =	stream.indirect.gather [hbm4b:s3+s23], $0x40, s24, s23, $0xb8;
	[tilespmem:$0x1E000] =	vst v63  }
0x36c: {  	s1 =	simm.s32 $0x19200;
	s24 =	simm.s32 $0x2E80  }
0x36d: {  	[tilespmem:s1], [sflag:$0x2] =	stream.indirect.gather [hbm4b:s3+s23], $0x40, s24, s23, $0xb8;
	[tilespmem:$0x1E000] =	vst v63  }
0x36e: {  	s1 =	simm.s32 $0x19880;
	s24 =	simm.s32 $0x2EA0  }
0x36f: {  	[tilespmem:s1], [sflag:$0x2] =	stream.indirect.gather [hbm4b:s3+s23], $0x40, s24, s23, $0xb8;
	[tilespmem:$0x1E000] =	vst v63  }
0x370: {  	s1 =	simm.s32 $0x19F00;
	s24 =	simm.s32 $0x2EC0  }
0x371: {  	[tilespmem:s1], [sflag:$0x2] =	stream.indirect.gather [hbm4b:s3+s23], $0x40, s24, s23, $0xb8;
	[tilespmem:$0x1E000] =	vst v63  }
0x372: {  	s1 =	simm.s32 $0x1A580;
	s24 =	simm.s32 $0x2EE0  }
0x373: {  	[tilespmem:s1], [sflag:$0x2] =	stream.indirect.gather [hbm4b:s3+s23], $0x40, s24, s23, $0xb8;
	[tilespmem:$0x1E000] =	vst v63  }
0x374: {  	s1 =	simm.s32 $0x1AC00;
	s24 =	simm.s32 $0x2F00  }
0x375: {  	[tilespmem:s1], [sflag:$0x2] =	stream.indirect.gather [hbm4b:s3+s23], $0x40, s24, s23, $0xb8;
	[tilespmem:$0x1E000] =	vst v63  }
0x376: {  	s1 =	simm.s32 $0x1B280;
	s24 =	simm.s32 $0x2F20  }
0x377: {  	[tilespmem:s1], [sflag:$0x2] =	stream.indirect.gather [hbm4b:s3+s23], $0x40, s24, s23, $0xb8;
	[tilespmem:$0x1E000] =	vst v63  }
0x378: {  	s1 =	simm.s32 $0x1B900;
	s24 =	simm.s32 $0x2F40  }
0x379: {  	[tilespmem:s1], [sflag:$0x2] =	stream.indirect.gather [hbm4b:s3+s23], $0x40, s24, s23, $0xb8;
	[tilespmem:$0x1E000] =	vst v63  }
0x37a: {  	s1 =	simm.s32 $0x1BF80;
	s24 =	simm.s32 $0x2F60  }
0x37b: {  	[tilespmem:s1], [sflag:$0x2] =	stream.indirect.gather [hbm4b:s3+s23], $0x40, s24, s23, $0xb8;
	[tilespmem:$0x1E000] =	vst v63  }
0x37c: {  	s1 =	simm.s32 $0x1C600;
	s24 =	simm.s32 $0x2F80  }
0x37d: {  	[tilespmem:s1], [sflag:$0x2] =	stream.indirect.gather [hbm4b:s3+s23], $0x40, s24, s23, $0xb8;
	[tilespmem:$0x1E000] =	vst v63  }
0x37e: {  	s1 =	simm.s32 $0x1CC80;
	s24 =	simm.s32 $0x2FA0  }
0x37f: {  	[tilespmem:s1], [sflag:$0x2] =	stream.indirect.gather [hbm4b:s3+s23], $0x40, s24, s23, $0xb8;
	[tilespmem:$0x1E000] =	vst v63  }
0x380: {  	s1 =	simm.s32 $0x1D300;
	s24 =	simm.s32 $0x2FC0  }
0x381: {  	[tilespmem:s1], [sflag:$0x2] =	stream.indirect.gather [hbm4b:s3+s23], $0x40, s24, s23, $0xb8;
	[tilespmem:$0x1E000] =	vst v63  }
0x382: {  	s24 =	simm.s32 $0x2FE0  }
0x383: {  	[tilespmem:s2], [sflag:$0x2] =	stream.indirect.gather [hbm4b:s3+s23], $0x40, s24, s23, $0xb8;
	[tilespmem:$0x1E000] =	vst v63  }
0x384: {  	_ =	swait.ge [sflag:s4], $0xD000  }
0x385: {  	s0 =	simm.s32 $0x4000;
	s29 =	sadd.s32 $0x0, s15;
	[sflag:s4] =	ssyncset.done $0x0  }
0x386: {  	s1 =	simm.s32 $0x4680;
	s24 =	simm.s32 $0x200;
	[sflag:s4] =	ssyncadd.s32 $0xFFFF3000  }
.LBB2_22:
0x387: {  	[hbm4b:s29+s26] =	stream.strided.scatter [tilespmem:s0], [sflag:$0x3], $0x680, s31, s26, $0x38;
	[tilespmem:$0x1E000] =	vst v63  }
0x388: {  	s29 =	smov.u32 s24;
	s0 =	smov.u32 s1;
	p0 =	sne.s32 s24, $0x3E00  }
.Ltmp10:
0x389: {  	s24 =	sadd.s32 $0x200, s24;
	(pc) =	sbr.rel @p0 .LBB2_22-.Ltmp10, $2  }
0x38a: {  	_ =	sdelay $0x2  }
0x38b: {  	s1 =	sadd.s32 $0x680, s1;
	s29 =	sadd.s32 s29, s15  }
0x38c: {  	[hbm4b:s29+s26] =	stream.strided.scatter [tilespmem:s0], [sflag:$0x3], $0x680, s31, s26, $0x38;
	[tilespmem:$0x1E000] =	vst v63  }
0x38d: {  	_ =	swait.ge [sflag:s21], $0xD000  }
0x38e: {  	[sflag:s21] =	ssyncset.done $0x0  }
0x38f: {  	s1 =	simm.s32 $0x3000;
	[sflag:s21] =	ssyncadd.s32 $0xFFFF3000  }
0x390: {  	[tilespmem:s22], [sflag:$0x1] =	stream.indirect.gather [hbm4b:s3+s23], $0x40, s1, s23, $0xb8;
	[tilespmem:$0x1E000] =	vst v63  }
0x391: {  	s24 =	simm.s32 $0x4680;
	s1 =	simm.s32 $0x3020  }
0x392: {  	[tilespmem:s24], [sflag:$0x1] =	stream.indirect.gather [hbm4b:s3+s23], $0x40, s1, s23, $0xb8;
	[tilespmem:$0x1E000] =	vst v63  }
0x393: {  	s1 =	simm.s32 $0x4D00;
	s24 =	simm.s32 $0x3040  }
0x394: {  	[tilespmem:s1], [sflag:$0x1] =	stream.indirect.gather [hbm4b:s3+s23], $0x40, s24, s23, $0xb8;
	[tilespmem:$0x1E000] =	vst v63  }
0x395: {  	s1 =	simm.s32 $0x5380;
	s24 =	simm.s32 $0x3060  }
0x396: {  	[tilespmem:s1], [sflag:$0x1] =	stream.indirect.gather [hbm4b:s3+s23], $0x40, s24, s23, $0xb8;
	[tilespmem:$0x1E000] =	vst v63  }
0x397: {  	s1 =	simm.s32 $0x5A00;
	s24 =	simm.s32 $0x3080  }
0x398: {  	[tilespmem:s1], [sflag:$0x1] =	stream.indirect.gather [hbm4b:s3+s23], $0x40, s24, s23, $0xb8;
	[tilespmem:$0x1E000] =	vst v63  }
0x399: {  	s1 =	simm.s32 $0x6080;
	s24 =	simm.s32 $0x30A0  }
0x39a: {  	[tilespmem:s1], [sflag:$0x1] =	stream.indirect.gather [hbm4b:s3+s23], $0x40, s24, s23, $0xb8;
	[tilespmem:$0x1E000] =	vst v63  }
0x39b: {  	s1 =	simm.s32 $0x6700;
	s24 =	simm.s32 $0x30C0  }
0x39c: {  	[tilespmem:s1], [sflag:$0x1] =	stream.indirect.gather [hbm4b:s3+s23], $0x40, s24, s23, $0xb8;
	[tilespmem:$0x1E000] =	vst v63  }
0x39d: {  	s1 =	simm.s32 $0x6D80;
	s24 =	simm.s32 $0x30E0  }
0x39e: {  	[tilespmem:s1], [sflag:$0x1] =	stream.indirect.gather [hbm4b:s3+s23], $0x40, s24, s23, $0xb8;
	[tilespmem:$0x1E000] =	vst v63  }
0x39f: {  	s1 =	simm.s32 $0x7400;
	s24 =	simm.s32 $0x3100  }
0x3a0: {  	[tilespmem:s1], [sflag:$0x1] =	stream.indirect.gather [hbm4b:s3+s23], $0x40, s24, s23, $0xb8;
	[tilespmem:$0x1E000] =	vst v63  }
0x3a1: {  	s1 =	simm.s32 $0x7A80;
	s24 =	simm.s32 $0x3120  }
0x3a2: {  	[tilespmem:s1], [sflag:$0x1] =	stream.indirect.gather [hbm4b:s3+s23], $0x40, s24, s23, $0xb8;
	[tilespmem:$0x1E000] =	vst v63  }
0x3a3: {  	s1 =	simm.s32 $0x8100;
	s24 =	simm.s32 $0x3140  }
0x3a4: {  	[tilespmem:s1], [sflag:$0x1] =	stream.indirect.gather [hbm4b:s3+s23], $0x40, s24, s23, $0xb8;
	[tilespmem:$0x1E000] =	vst v63  }
0x3a5: {  	s1 =	simm.s32 $0x8780;
	s24 =	simm.s32 $0x3160  }
0x3a6: {  	[tilespmem:s1], [sflag:$0x1] =	stream.indirect.gather [hbm4b:s3+s23], $0x40, s24, s23, $0xb8;
	[tilespmem:$0x1E000] =	vst v63  }
0x3a7: {  	s1 =	simm.s32 $0x8E00;
	s24 =	simm.s32 $0x3180  }
0x3a8: {  	[tilespmem:s1], [sflag:$0x1] =	stream.indirect.gather [hbm4b:s3+s23], $0x40, s24, s23, $0xb8;
	[tilespmem:$0x1E000] =	vst v63  }
0x3a9: {  	s1 =	simm.s32 $0x9480;
	s24 =	simm.s32 $0x31A0  }
0x3aa: {  	[tilespmem:s1], [sflag:$0x1] =	stream.indirect.gather [hbm4b:s3+s23], $0x40, s24, s23, $0xb8;
	[tilespmem:$0x1E000] =	vst v63  }
0x3ab: {  	s1 =	simm.s32 $0x9B00;
	s24 =	simm.s32 $0x31C0  }
0x3ac: {  	[tilespmem:s1], [sflag:$0x1] =	stream.indirect.gather [hbm4b:s3+s23], $0x40, s24, s23, $0xb8;
	[tilespmem:$0x1E000] =	vst v63  }
0x3ad: {  	s1 =	simm.s32 $0xA180;
	s24 =	simm.s32 $0x31E0  }
0x3ae: {  	[tilespmem:s1], [sflag:$0x1] =	stream.indirect.gather [hbm4b:s3+s23], $0x40, s24, s23, $0xb8;
	[tilespmem:$0x1E000] =	vst v63  }
0x3af: {  	s1 =	simm.s32 $0xA800;
	s24 =	simm.s32 $0x3200  }
0x3b0: {  	[tilespmem:s1], [sflag:$0x1] =	stream.indirect.gather [hbm4b:s3+s23], $0x40, s24, s23, $0xb8;
	[tilespmem:$0x1E000] =	vst v63  }
0x3b1: {  	s1 =	simm.s32 $0xAE80;
	s24 =	simm.s32 $0x3220  }
0x3b2: {  	[tilespmem:s1], [sflag:$0x1] =	stream.indirect.gather [hbm4b:s3+s23], $0x40, s24, s23, $0xb8;
	[tilespmem:$0x1E000] =	vst v63  }
0x3b3: {  	s1 =	simm.s32 $0xB500;
	s24 =	simm.s32 $0x3240  }
0x3b4: {  	[tilespmem:s1], [sflag:$0x1] =	stream.indirect.gather [hbm4b:s3+s23], $0x40, s24, s23, $0xb8;
	[tilespmem:$0x1E000] =	vst v63  }
0x3b5: {  	s1 =	simm.s32 $0xBB80;
	s24 =	simm.s32 $0x3260  }
0x3b6: {  	[tilespmem:s1], [sflag:$0x1] =	stream.indirect.gather [hbm4b:s3+s23], $0x40, s24, s23, $0xb8;
	[tilespmem:$0x1E000] =	vst v63  }
0x3b7: {  	s1 =	simm.s32 $0xC200;
	s24 =	simm.s32 $0x3280  }
0x3b8: {  	[tilespmem:s1], [sflag:$0x1] =	stream.indirect.gather [hbm4b:s3+s23], $0x40, s24, s23, $0xb8;
	[tilespmem:$0x1E000] =	vst v63  }
0x3b9: {  	s1 =	simm.s32 $0xC880;
	s24 =	simm.s32 $0x32A0  }
0x3ba: {  	[tilespmem:s1], [sflag:$0x1] =	stream.indirect.gather [hbm4b:s3+s23], $0x40, s24, s23, $0xb8;
	[tilespmem:$0x1E000] =	vst v63  }
0x3bb: {  	s1 =	simm.s32 $0xCF00;
	s24 =	simm.s32 $0x32C0  }
0x3bc: {  	[tilespmem:s1], [sflag:$0x1] =	stream.indirect.gather [hbm4b:s3+s23], $0x40, s24, s23, $0xb8;
	[tilespmem:$0x1E000] =	vst v63  }
0x3bd: {  	s1 =	simm.s32 $0xD580;
	s24 =	simm.s32 $0x32E0  }
0x3be: {  	[tilespmem:s1], [sflag:$0x1] =	stream.indirect.gather [hbm4b:s3+s23], $0x40, s24, s23, $0xb8;
	[tilespmem:$0x1E000] =	vst v63  }
0x3bf: {  	s1 =	simm.s32 $0xDC00;
	s24 =	simm.s32 $0x3300  }
0x3c0: {  	[tilespmem:s1], [sflag:$0x1] =	stream.indirect.gather [hbm4b:s3+s23], $0x40, s24, s23, $0xb8;
	[tilespmem:$0x1E000] =	vst v63  }
0x3c1: {  	s1 =	simm.s32 $0xE280;
	s24 =	simm.s32 $0x3320  }
0x3c2: {  	[tilespmem:s1], [sflag:$0x1] =	stream.indirect.gather [hbm4b:s3+s23], $0x40, s24, s23, $0xb8;
	[tilespmem:$0x1E000] =	vst v63  }
0x3c3: {  	s1 =	simm.s32 $0xE900;
	s24 =	simm.s32 $0x3340  }
0x3c4: {  	[tilespmem:s1], [sflag:$0x1] =	stream.indirect.gather [hbm4b:s3+s23], $0x40, s24, s23, $0xb8;
	[tilespmem:$0x1E000] =	vst v63  }
0x3c5: {  	s1 =	simm.s32 $0xEF80;
	s24 =	simm.s32 $0x3360  }
0x3c6: {  	[tilespmem:s1], [sflag:$0x1] =	stream.indirect.gather [hbm4b:s3+s23], $0x40, s24, s23, $0xb8;
	[tilespmem:$0x1E000] =	vst v63  }
0x3c7: {  	s1 =	simm.s32 $0xF600;
	s24 =	simm.s32 $0x3380  }
0x3c8: {  	[tilespmem:s1], [sflag:$0x1] =	stream.indirect.gather [hbm4b:s3+s23], $0x40, s24, s23, $0xb8;
	[tilespmem:$0x1E000] =	vst v63  }
0x3c9: {  	s1 =	simm.s32 $0xFC80;
	s24 =	simm.s32 $0x33A0  }
0x3ca: {  	[tilespmem:s1], [sflag:$0x1] =	stream.indirect.gather [hbm4b:s3+s23], $0x40, s24, s23, $0xb8;
	[tilespmem:$0x1E000] =	vst v63  }
0x3cb: {  	s1 =	simm.s32 $0x10300;
	s24 =	simm.s32 $0x33C0  }
0x3cc: {  	[tilespmem:s1], [sflag:$0x1] =	stream.indirect.gather [hbm4b:s3+s23], $0x40, s24, s23, $0xb8;
	[tilespmem:$0x1E000] =	vst v63  }
0x3cd: {  	s1 =	simm.s32 $0x10980;
	s24 =	simm.s32 $0x33E0  }
0x3ce: {  	[tilespmem:s1], [sflag:$0x1] =	stream.indirect.gather [hbm4b:s3+s23], $0x40, s24, s23, $0xb8;
	[tilespmem:$0x1E000] =	vst v63  }
0x3cf: {  	_ =	swait.ge [sflag:s25], $0xD000  }
0x3d0: {  	s0 =	simm.s32 $0x11000;
	s29 =	sadd.s32 $0x0, s16;
	[sflag:s25] =	ssyncset.done $0x0  }
0x3d1: {  	s24 =	simm.s32 $0x200;
	s1 =	simm.s32 $0x11680;
	[sflag:s25] =	ssyncadd.s32 $0xFFFF3000  }
.LBB2_24:
0x3d2: {  	[hbm4b:s29+s26] =	stream.strided.scatter [tilespmem:s0], [sflag:$0x4], $0x680, s31, s26, $0x38;
	[tilespmem:$0x1E000] =	vst v63  }
0x3d3: {  	s29 =	smov.u32 s24;
	s0 =	smov.u32 s1;
	p0 =	sne.s32 s24, $0x3E00  }
.Ltmp11:
0x3d4: {  	s24 =	sadd.s32 $0x200, s24;
	(pc) =	sbr.rel @p0 .LBB2_24-.Ltmp11, $2  }
0x3d5: {  	_ =	sdelay $0x2  }
0x3d6: {  	s1 =	sadd.s32 $0x680, s1;
	s29 =	sadd.s32 s29, s16  }
0x3d7: {  	[hbm4b:s29+s26] =	stream.strided.scatter [tilespmem:s0], [sflag:$0x4], $0x680, s31, s26, $0x38;
	[tilespmem:$0x1E000] =	vst v63  }
0x3d8: {  	_ =	swait.ge [sflag:s28], $0xD000  }
0x3d9: {  	[sflag:s28] =	ssyncset.done $0x0  }
0x3da: {  	s24 =	simm.s32 $0x11000;
	s1 =	simm.s32 $0x3400;
	[sflag:s28] =	ssyncadd.s32 $0xFFFF3000  }
0x3db: {  	[tilespmem:s24], [sflag:$0x2] =	stream.indirect.gather [hbm4b:s3+s23], $0x40, s1, s23, $0xb8;
	[tilespmem:$0x1E000] =	vst v63  }
0x3dc: {  	s1 =	simm.s32 $0x11680;
	s24 =	simm.s32 $0x3420  }
0x3dd: {  	[tilespmem:s1], [sflag:$0x2] =	stream.indirect.gather [hbm4b:s3+s23], $0x40, s24, s23, $0xb8;
	[tilespmem:$0x1E000] =	vst v63  }
0x3de: {  	s1 =	simm.s32 $0x11D00;
	s24 =	simm.s32 $0x3440  }
0x3df: {  	[tilespmem:s1], [sflag:$0x2] =	stream.indirect.gather [hbm4b:s3+s23], $0x40, s24, s23, $0xb8;
	[tilespmem:$0x1E000] =	vst v63  }
0x3e0: {  	s1 =	simm.s32 $0x12380;
	s24 =	simm.s32 $0x3460  }
0x3e1: {  	[tilespmem:s1], [sflag:$0x2] =	stream.indirect.gather [hbm4b:s3+s23], $0x40, s24, s23, $0xb8;
	[tilespmem:$0x1E000] =	vst v63  }
0x3e2: {  	s1 =	simm.s32 $0x12A00;
	s24 =	simm.s32 $0x3480  }
0x3e3: {  	[tilespmem:s1], [sflag:$0x2] =	stream.indirect.gather [hbm4b:s3+s23], $0x40, s24, s23, $0xb8;
	[tilespmem:$0x1E000] =	vst v63  }
0x3e4: {  	s1 =	simm.s32 $0x13080;
	s24 =	simm.s32 $0x34A0  }
0x3e5: {  	[tilespmem:s1], [sflag:$0x2] =	stream.indirect.gather [hbm4b:s3+s23], $0x40, s24, s23, $0xb8;
	[tilespmem:$0x1E000] =	vst v63  }
0x3e6: {  	s1 =	simm.s32 $0x13700;
	s24 =	simm.s32 $0x34C0  }
0x3e7: {  	[tilespmem:s1], [sflag:$0x2] =	stream.indirect.gather [hbm4b:s3+s23], $0x40, s24, s23, $0xb8;
	[tilespmem:$0x1E000] =	vst v63  }
0x3e8: {  	s1 =	simm.s32 $0x13D80;
	s24 =	simm.s32 $0x34E0  }
0x3e9: {  	[tilespmem:s1], [sflag:$0x2] =	stream.indirect.gather [hbm4b:s3+s23], $0x40, s24, s23, $0xb8;
	[tilespmem:$0x1E000] =	vst v63  }
0x3ea: {  	s1 =	simm.s32 $0x14400;
	s24 =	simm.s32 $0x3500  }
0x3eb: {  	[tilespmem:s1], [sflag:$0x2] =	stream.indirect.gather [hbm4b:s3+s23], $0x40, s24, s23, $0xb8;
	[tilespmem:$0x1E000] =	vst v63  }
0x3ec: {  	s1 =	simm.s32 $0x14A80;
	s24 =	simm.s32 $0x3520  }
0x3ed: {  	[tilespmem:s1], [sflag:$0x2] =	stream.indirect.gather [hbm4b:s3+s23], $0x40, s24, s23, $0xb8;
	[tilespmem:$0x1E000] =	vst v63  }
0x3ee: {  	s1 =	simm.s32 $0x15100;
	s24 =	simm.s32 $0x3540  }
0x3ef: {  	[tilespmem:s1], [sflag:$0x2] =	stream.indirect.gather [hbm4b:s3+s23], $0x40, s24, s23, $0xb8;
	[tilespmem:$0x1E000] =	vst v63  }
0x3f0: {  	s1 =	simm.s32 $0x15780;
	s24 =	simm.s32 $0x3560  }
0x3f1: {  	[tilespmem:s1], [sflag:$0x2] =	stream.indirect.gather [hbm4b:s3+s23], $0x40, s24, s23, $0xb8;
	[tilespmem:$0x1E000] =	vst v63  }
0x3f2: {  	s1 =	simm.s32 $0x15E00;
	s24 =	simm.s32 $0x3580  }
0x3f3: {  	[tilespmem:s1], [sflag:$0x2] =	stream.indirect.gather [hbm4b:s3+s23], $0x40, s24, s23, $0xb8;
	[tilespmem:$0x1E000] =	vst v63  }
0x3f4: {  	s1 =	simm.s32 $0x16480;
	s24 =	simm.s32 $0x35A0  }
0x3f5: {  	[tilespmem:s1], [sflag:$0x2] =	stream.indirect.gather [hbm4b:s3+s23], $0x40, s24, s23, $0xb8;
	[tilespmem:$0x1E000] =	vst v63  }
0x3f6: {  	s1 =	simm.s32 $0x16B00;
	s24 =	simm.s32 $0x35C0  }
0x3f7: {  	[tilespmem:s1], [sflag:$0x2] =	stream.indirect.gather [hbm4b:s3+s23], $0x40, s24, s23, $0xb8;
	[tilespmem:$0x1E000] =	vst v63  }
0x3f8: {  	s1 =	simm.s32 $0x17180;
	s24 =	simm.s32 $0x35E0  }
0x3f9: {  	[tilespmem:s1], [sflag:$0x2] =	stream.indirect.gather [hbm4b:s3+s23], $0x40, s24, s23, $0xb8;
	[tilespmem:$0x1E000] =	vst v63  }
0x3fa: {  	s1 =	simm.s32 $0x17800;
	s24 =	simm.s32 $0x3600  }
0x3fb: {  	[tilespmem:s1], [sflag:$0x2] =	stream.indirect.gather [hbm4b:s3+s23], $0x40, s24, s23, $0xb8;
	[tilespmem:$0x1E000] =	vst v63  }
0x3fc: {  	s1 =	simm.s32 $0x17E80;
	s24 =	simm.s32 $0x3620  }
0x3fd: {  	[tilespmem:s1], [sflag:$0x2] =	stream.indirect.gather [hbm4b:s3+s23], $0x40, s24, s23, $0xb8;
	[tilespmem:$0x1E000] =	vst v63  }
0x3fe: {  	s1 =	simm.s32 $0x18500;
	s24 =	simm.s32 $0x3640  }
0x3ff: {  	[tilespmem:s1], [sflag:$0x2] =	stream.indirect.gather [hbm4b:s3+s23], $0x40, s24, s23, $0xb8;
	[tilespmem:$0x1E000] =	vst v63  }
0x400: {  	s1 =	simm.s32 $0x18B80;
	s24 =	simm.s32 $0x3660  }
0x401: {  	[tilespmem:s1], [sflag:$0x2] =	stream.indirect.gather [hbm4b:s3+s23], $0x40, s24, s23, $0xb8;
	[tilespmem:$0x1E000] =	vst v63  }
0x402: {  	s1 =	simm.s32 $0x19200;
	s24 =	simm.s32 $0x3680  }
0x403: {  	[tilespmem:s1], [sflag:$0x2] =	stream.indirect.gather [hbm4b:s3+s23], $0x40, s24, s23, $0xb8;
	[tilespmem:$0x1E000] =	vst v63  }
0x404: {  	s1 =	simm.s32 $0x19880;
	s24 =	simm.s32 $0x36A0  }
0x405: {  	[tilespmem:s1], [sflag:$0x2] =	stream.indirect.gather [hbm4b:s3+s23], $0x40, s24, s23, $0xb8;
	[tilespmem:$0x1E000] =	vst v63  }
0x406: {  	s1 =	simm.s32 $0x19F00;
	s24 =	simm.s32 $0x36C0  }
0x407: {  	[tilespmem:s1], [sflag:$0x2] =	stream.indirect.gather [hbm4b:s3+s23], $0x40, s24, s23, $0xb8;
	[tilespmem:$0x1E000] =	vst v63  }
0x408: {  	s1 =	simm.s32 $0x1A580;
	s24 =	simm.s32 $0x36E0  }
0x409: {  	[tilespmem:s1], [sflag:$0x2] =	stream.indirect.gather [hbm4b:s3+s23], $0x40, s24, s23, $0xb8;
	[tilespmem:$0x1E000] =	vst v63  }
0x40a: {  	s1 =	simm.s32 $0x1AC00;
	s24 =	simm.s32 $0x3700  }
0x40b: {  	[tilespmem:s1], [sflag:$0x2] =	stream.indirect.gather [hbm4b:s3+s23], $0x40, s24, s23, $0xb8;
	[tilespmem:$0x1E000] =	vst v63  }
0x40c: {  	s1 =	simm.s32 $0x1B280;
	s24 =	simm.s32 $0x3720  }
0x40d: {  	[tilespmem:s1], [sflag:$0x2] =	stream.indirect.gather [hbm4b:s3+s23], $0x40, s24, s23, $0xb8;
	[tilespmem:$0x1E000] =	vst v63  }
0x40e: {  	s1 =	simm.s32 $0x1B900;
	s24 =	simm.s32 $0x3740  }
0x40f: {  	[tilespmem:s1], [sflag:$0x2] =	stream.indirect.gather [hbm4b:s3+s23], $0x40, s24, s23, $0xb8;
	[tilespmem:$0x1E000] =	vst v63  }
0x410: {  	s1 =	simm.s32 $0x1BF80;
	s24 =	simm.s32 $0x3760  }
0x411: {  	[tilespmem:s1], [sflag:$0x2] =	stream.indirect.gather [hbm4b:s3+s23], $0x40, s24, s23, $0xb8;
	[tilespmem:$0x1E000] =	vst v63  }
0x412: {  	s1 =	simm.s32 $0x1C600;
	s24 =	simm.s32 $0x3780  }
0x413: {  	[tilespmem:s1], [sflag:$0x2] =	stream.indirect.gather [hbm4b:s3+s23], $0x40, s24, s23, $0xb8;
	[tilespmem:$0x1E000] =	vst v63  }
0x414: {  	s1 =	simm.s32 $0x1CC80;
	s24 =	simm.s32 $0x37A0  }
0x415: {  	[tilespmem:s1], [sflag:$0x2] =	stream.indirect.gather [hbm4b:s3+s23], $0x40, s24, s23, $0xb8;
	[tilespmem:$0x1E000] =	vst v63  }
0x416: {  	s1 =	simm.s32 $0x1D300;
	s24 =	simm.s32 $0x37C0  }
0x417: {  	[tilespmem:s1], [sflag:$0x2] =	stream.indirect.gather [hbm4b:s3+s23], $0x40, s24, s23, $0xb8;
	[tilespmem:$0x1E000] =	vst v63  }
0x418: {  	s24 =	simm.s32 $0x37E0  }
0x419: {  	[tilespmem:s2], [sflag:$0x2] =	stream.indirect.gather [hbm4b:s3+s23], $0x40, s24, s23, $0xb8;
	[tilespmem:$0x1E000] =	vst v63  }
0x41a: {  	_ =	swait.ge [sflag:s4], $0xD000  }
0x41b: {  	s0 =	simm.s32 $0x4000;
	s29 =	sadd.s32 $0x0, s17;
	[sflag:s4] =	ssyncset.done $0x0  }
0x41c: {  	s1 =	simm.s32 $0x4680;
	s24 =	simm.s32 $0x200;
	[sflag:s4] =	ssyncadd.s32 $0xFFFF3000  }
.LBB2_26:
0x41d: {  	[hbm4b:s29+s26] =	stream.strided.scatter [tilespmem:s0], [sflag:$0x3], $0x680, s31, s26, $0x38;
	[tilespmem:$0x1E000] =	vst v63  }
0x41e: {  	s29 =	smov.u32 s24;
	s0 =	smov.u32 s1;
	p0 =	sne.s32 s24, $0x3E00  }
.Ltmp12:
0x41f: {  	s24 =	sadd.s32 $0x200, s24;
	(pc) =	sbr.rel @p0 .LBB2_26-.Ltmp12, $2  }
0x420: {  	_ =	sdelay $0x2  }
0x421: {  	s1 =	sadd.s32 $0x680, s1;
	s29 =	sadd.s32 s29, s17  }
0x422: {  	[hbm4b:s29+s26] =	stream.strided.scatter [tilespmem:s0], [sflag:$0x3], $0x680, s31, s26, $0x38;
	[tilespmem:$0x1E000] =	vst v63  }
0x423: {  	_ =	swait.ge [sflag:s21], $0xD000  }
0x424: {  	[sflag:s21] =	ssyncset.done $0x0  }
0x425: {  	s1 =	simm.s32 $0x3800;
	[sflag:s21] =	ssyncadd.s32 $0xFFFF3000  }
0x426: {  	[tilespmem:s22], [sflag:$0x1] =	stream.indirect.gather [hbm4b:s3+s23], $0x40, s1, s23, $0xb8;
	[tilespmem:$0x1E000] =	vst v63  }
0x427: {  	s24 =	simm.s32 $0x4680;
	s1 =	simm.s32 $0x3820  }
0x428: {  	[tilespmem:s24], [sflag:$0x1] =	stream.indirect.gather [hbm4b:s3+s23], $0x40, s1, s23, $0xb8;
	[tilespmem:$0x1E000] =	vst v63  }
0x429: {  	s1 =	simm.s32 $0x4D00;
	s24 =	simm.s32 $0x3840  }
0x42a: {  	[tilespmem:s1], [sflag:$0x1] =	stream.indirect.gather [hbm4b:s3+s23], $0x40, s24, s23, $0xb8;
	[tilespmem:$0x1E000] =	vst v63  }
0x42b: {  	s1 =	simm.s32 $0x5380;
	s24 =	simm.s32 $0x3860  }
0x42c: {  	[tilespmem:s1], [sflag:$0x1] =	stream.indirect.gather [hbm4b:s3+s23], $0x40, s24, s23, $0xb8;
	[tilespmem:$0x1E000] =	vst v63  }
0x42d: {  	s1 =	simm.s32 $0x5A00;
	s24 =	simm.s32 $0x3880  }
0x42e: {  	[tilespmem:s1], [sflag:$0x1] =	stream.indirect.gather [hbm4b:s3+s23], $0x40, s24, s23, $0xb8;
	[tilespmem:$0x1E000] =	vst v63  }
0x42f: {  	s1 =	simm.s32 $0x6080;
	s24 =	simm.s32 $0x38A0  }
0x430: {  	[tilespmem:s1], [sflag:$0x1] =	stream.indirect.gather [hbm4b:s3+s23], $0x40, s24, s23, $0xb8;
	[tilespmem:$0x1E000] =	vst v63  }
0x431: {  	s1 =	simm.s32 $0x6700;
	s24 =	simm.s32 $0x38C0  }
0x432: {  	[tilespmem:s1], [sflag:$0x1] =	stream.indirect.gather [hbm4b:s3+s23], $0x40, s24, s23, $0xb8;
	[tilespmem:$0x1E000] =	vst v63  }
0x433: {  	s1 =	simm.s32 $0x6D80;
	s24 =	simm.s32 $0x38E0  }
0x434: {  	[tilespmem:s1], [sflag:$0x1] =	stream.indirect.gather [hbm4b:s3+s23], $0x40, s24, s23, $0xb8;
	[tilespmem:$0x1E000] =	vst v63  }
0x435: {  	s1 =	simm.s32 $0x7400;
	s24 =	simm.s32 $0x3900  }
0x436: {  	[tilespmem:s1], [sflag:$0x1] =	stream.indirect.gather [hbm4b:s3+s23], $0x40, s24, s23, $0xb8;
	[tilespmem:$0x1E000] =	vst v63  }
0x437: {  	s1 =	simm.s32 $0x7A80;
	s24 =	simm.s32 $0x3920  }
0x438: {  	[tilespmem:s1], [sflag:$0x1] =	stream.indirect.gather [hbm4b:s3+s23], $0x40, s24, s23, $0xb8;
	[tilespmem:$0x1E000] =	vst v63  }
0x439: {  	s1 =	simm.s32 $0x8100;
	s24 =	simm.s32 $0x3940  }
0x43a: {  	[tilespmem:s1], [sflag:$0x1] =	stream.indirect.gather [hbm4b:s3+s23], $0x40, s24, s23, $0xb8;
	[tilespmem:$0x1E000] =	vst v63  }
0x43b: {  	s1 =	simm.s32 $0x8780;
	s24 =	simm.s32 $0x3960  }
0x43c: {  	[tilespmem:s1], [sflag:$0x1] =	stream.indirect.gather [hbm4b:s3+s23], $0x40, s24, s23, $0xb8;
	[tilespmem:$0x1E000] =	vst v63  }
0x43d: {  	s1 =	simm.s32 $0x8E00;
	s24 =	simm.s32 $0x3980  }
0x43e: {  	[tilespmem:s1], [sflag:$0x1] =	stream.indirect.gather [hbm4b:s3+s23], $0x40, s24, s23, $0xb8;
	[tilespmem:$0x1E000] =	vst v63  }
0x43f: {  	s1 =	simm.s32 $0x9480;
	s24 =	simm.s32 $0x39A0  }
0x440: {  	[tilespmem:s1], [sflag:$0x1] =	stream.indirect.gather [hbm4b:s3+s23], $0x40, s24, s23, $0xb8;
	[tilespmem:$0x1E000] =	vst v63  }
0x441: {  	s1 =	simm.s32 $0x9B00;
	s24 =	simm.s32 $0x39C0  }
0x442: {  	[tilespmem:s1], [sflag:$0x1] =	stream.indirect.gather [hbm4b:s3+s23], $0x40, s24, s23, $0xb8;
	[tilespmem:$0x1E000] =	vst v63  }
0x443: {  	s1 =	simm.s32 $0xA180;
	s24 =	simm.s32 $0x39E0  }
0x444: {  	[tilespmem:s1], [sflag:$0x1] =	stream.indirect.gather [hbm4b:s3+s23], $0x40, s24, s23, $0xb8;
	[tilespmem:$0x1E000] =	vst v63  }
0x445: {  	s1 =	simm.s32 $0xA800;
	s24 =	simm.s32 $0x3A00  }
0x446: {  	[tilespmem:s1], [sflag:$0x1] =	stream.indirect.gather [hbm4b:s3+s23], $0x40, s24, s23, $0xb8;
	[tilespmem:$0x1E000] =	vst v63  }
0x447: {  	s1 =	simm.s32 $0xAE80;
	s24 =	simm.s32 $0x3A20  }
0x448: {  	[tilespmem:s1], [sflag:$0x1] =	stream.indirect.gather [hbm4b:s3+s23], $0x40, s24, s23, $0xb8;
	[tilespmem:$0x1E000] =	vst v63  }
0x449: {  	s1 =	simm.s32 $0xB500;
	s24 =	simm.s32 $0x3A40  }
0x44a: {  	[tilespmem:s1], [sflag:$0x1] =	stream.indirect.gather [hbm4b:s3+s23], $0x40, s24, s23, $0xb8;
	[tilespmem:$0x1E000] =	vst v63  }
0x44b: {  	s1 =	simm.s32 $0xBB80;
	s24 =	simm.s32 $0x3A60  }
0x44c: {  	[tilespmem:s1], [sflag:$0x1] =	stream.indirect.gather [hbm4b:s3+s23], $0x40, s24, s23, $0xb8;
	[tilespmem:$0x1E000] =	vst v63  }
0x44d: {  	s1 =	simm.s32 $0xC200;
	s24 =	simm.s32 $0x3A80  }
0x44e: {  	[tilespmem:s1], [sflag:$0x1] =	stream.indirect.gather [hbm4b:s3+s23], $0x40, s24, s23, $0xb8;
	[tilespmem:$0x1E000] =	vst v63  }
0x44f: {  	s1 =	simm.s32 $0xC880;
	s24 =	simm.s32 $0x3AA0  }
0x450: {  	[tilespmem:s1], [sflag:$0x1] =	stream.indirect.gather [hbm4b:s3+s23], $0x40, s24, s23, $0xb8;
	[tilespmem:$0x1E000] =	vst v63  }
0x451: {  	s1 =	simm.s32 $0xCF00;
	s24 =	simm.s32 $0x3AC0  }
0x452: {  	[tilespmem:s1], [sflag:$0x1] =	stream.indirect.gather [hbm4b:s3+s23], $0x40, s24, s23, $0xb8;
	[tilespmem:$0x1E000] =	vst v63  }
0x453: {  	s1 =	simm.s32 $0xD580;
	s24 =	simm.s32 $0x3AE0  }
0x454: {  	[tilespmem:s1], [sflag:$0x1] =	stream.indirect.gather [hbm4b:s3+s23], $0x40, s24, s23, $0xb8;
	[tilespmem:$0x1E000] =	vst v63  }
0x455: {  	s1 =	simm.s32 $0xDC00;
	s24 =	simm.s32 $0x3B00  }
0x456: {  	[tilespmem:s1], [sflag:$0x1] =	stream.indirect.gather [hbm4b:s3+s23], $0x40, s24, s23, $0xb8;
	[tilespmem:$0x1E000] =	vst v63  }
0x457: {  	s1 =	simm.s32 $0xE280;
	s24 =	simm.s32 $0x3B20  }
0x458: {  	[tilespmem:s1], [sflag:$0x1] =	stream.indirect.gather [hbm4b:s3+s23], $0x40, s24, s23, $0xb8;
	[tilespmem:$0x1E000] =	vst v63  }
0x459: {  	s1 =	simm.s32 $0xE900;
	s24 =	simm.s32 $0x3B40  }
0x45a: {  	[tilespmem:s1], [sflag:$0x1] =	stream.indirect.gather [hbm4b:s3+s23], $0x40, s24, s23, $0xb8;
	[tilespmem:$0x1E000] =	vst v63  }
0x45b: {  	s1 =	simm.s32 $0xEF80;
	s24 =	simm.s32 $0x3B60  }
0x45c: {  	[tilespmem:s1], [sflag:$0x1] =	stream.indirect.gather [hbm4b:s3+s23], $0x40, s24, s23, $0xb8;
	[tilespmem:$0x1E000] =	vst v63  }
0x45d: {  	s1 =	simm.s32 $0xF600;
	s24 =	simm.s32 $0x3B80  }
0x45e: {  	[tilespmem:s1], [sflag:$0x1] =	stream.indirect.gather [hbm4b:s3+s23], $0x40, s24, s23, $0xb8;
	[tilespmem:$0x1E000] =	vst v63  }
0x45f: {  	s1 =	simm.s32 $0xFC80;
	s24 =	simm.s32 $0x3BA0  }
0x460: {  	[tilespmem:s1], [sflag:$0x1] =	stream.indirect.gather [hbm4b:s3+s23], $0x40, s24, s23, $0xb8;
	[tilespmem:$0x1E000] =	vst v63  }
0x461: {  	s1 =	simm.s32 $0x10300;
	s24 =	simm.s32 $0x3BC0  }
0x462: {  	[tilespmem:s1], [sflag:$0x1] =	stream.indirect.gather [hbm4b:s3+s23], $0x40, s24, s23, $0xb8;
	[tilespmem:$0x1E000] =	vst v63  }
0x463: {  	s1 =	simm.s32 $0x10980;
	s24 =	simm.s32 $0x3BE0  }
0x464: {  	[tilespmem:s1], [sflag:$0x1] =	stream.indirect.gather [hbm4b:s3+s23], $0x40, s24, s23, $0xb8;
	[tilespmem:$0x1E000] =	vst v63  }
0x465: {  	_ =	swait.ge [sflag:s25], $0xD000  }
0x466: {  	s0 =	simm.s32 $0x11000;
	s29 =	sadd.s32 $0x0, s18;
	[sflag:s25] =	ssyncset.done $0x0  }
0x467: {  	s24 =	simm.s32 $0x200;
	s1 =	simm.s32 $0x11680;
	[sflag:s25] =	ssyncadd.s32 $0xFFFF3000  }
.LBB2_28:
0x468: {  	[hbm4b:s29+s26] =	stream.strided.scatter [tilespmem:s0], [sflag:$0x4], $0x680, s31, s26, $0x38;
	[tilespmem:$0x1E000] =	vst v63  }
0x469: {  	s29 =	smov.u32 s24;
	s0 =	smov.u32 s1;
	p0 =	sne.s32 s24, $0x3E00  }
.Ltmp13:
0x46a: {  	s24 =	sadd.s32 $0x200, s24;
	(pc) =	sbr.rel @p0 .LBB2_28-.Ltmp13, $2  }
0x46b: {  	_ =	sdelay $0x2  }
0x46c: {  	s1 =	sadd.s32 $0x680, s1;
	s29 =	sadd.s32 s29, s18  }
0x46d: {  	[hbm4b:s29+s26] =	stream.strided.scatter [tilespmem:s0], [sflag:$0x4], $0x680, s31, s26, $0x38;
	[tilespmem:$0x1E000] =	vst v63  }
0x46e: {  	_ =	swait.ge [sflag:s28], $0xD000  }
0x46f: {  	[sflag:s28] =	ssyncset.done $0x0  }
0x470: {  	s24 =	simm.s32 $0x11000;
	s1 =	simm.s32 $0x3C00;
	[sflag:s28] =	ssyncadd.s32 $0xFFFF3000  }
0x471: {  	[tilespmem:s24], [sflag:$0x2] =	stream.indirect.gather [hbm4b:s3+s23], $0x40, s1, s23, $0xb8;
	[tilespmem:$0x1E000] =	vst v63  }
0x472: {  	s1 =	simm.s32 $0x11680;
	s24 =	simm.s32 $0x3C20  }
0x473: {  	[tilespmem:s1], [sflag:$0x2] =	stream.indirect.gather [hbm4b:s3+s23], $0x40, s24, s23, $0xb8;
	[tilespmem:$0x1E000] =	vst v63  }
0x474: {  	s1 =	simm.s32 $0x11D00;
	s24 =	simm.s32 $0x3C40  }
0x475: {  	[tilespmem:s1], [sflag:$0x2] =	stream.indirect.gather [hbm4b:s3+s23], $0x40, s24, s23, $0xb8;
	[tilespmem:$0x1E000] =	vst v63  }
0x476: {  	s1 =	simm.s32 $0x12380;
	s24 =	simm.s32 $0x3C60  }
0x477: {  	[tilespmem:s1], [sflag:$0x2] =	stream.indirect.gather [hbm4b:s3+s23], $0x40, s24, s23, $0xb8;
	[tilespmem:$0x1E000] =	vst v63  }
0x478: {  	s1 =	simm.s32 $0x12A00;
	s24 =	simm.s32 $0x3C80  }
0x479: {  	[tilespmem:s1], [sflag:$0x2] =	stream.indirect.gather [hbm4b:s3+s23], $0x40, s24, s23, $0xb8;
	[tilespmem:$0x1E000] =	vst v63  }
0x47a: {  	s1 =	simm.s32 $0x13080;
	s24 =	simm.s32 $0x3CA0  }
0x47b: {  	[tilespmem:s1], [sflag:$0x2] =	stream.indirect.gather [hbm4b:s3+s23], $0x40, s24, s23, $0xb8;
	[tilespmem:$0x1E000] =	vst v63  }
0x47c: {  	s1 =	simm.s32 $0x13700;
	s24 =	simm.s32 $0x3CC0  }
0x47d: {  	[tilespmem:s1], [sflag:$0x2] =	stream.indirect.gather [hbm4b:s3+s23], $0x40, s24, s23, $0xb8;
	[tilespmem:$0x1E000] =	vst v63  }
0x47e: {  	s1 =	simm.s32 $0x13D80;
	s24 =	simm.s32 $0x3CE0  }
0x47f: {  	[tilespmem:s1], [sflag:$0x2] =	stream.indirect.gather [hbm4b:s3+s23], $0x40, s24, s23, $0xb8;
	[tilespmem:$0x1E000] =	vst v63  }
0x480: {  	s1 =	simm.s32 $0x14400;
	s24 =	simm.s32 $0x3D00  }
0x481: {  	[tilespmem:s1], [sflag:$0x2] =	stream.indirect.gather [hbm4b:s3+s23], $0x40, s24, s23, $0xb8;
	[tilespmem:$0x1E000] =	vst v63  }
0x482: {  	s1 =	simm.s32 $0x14A80;
	s24 =	simm.s32 $0x3D20  }
0x483: {  	[tilespmem:s1], [sflag:$0x2] =	stream.indirect.gather [hbm4b:s3+s23], $0x40, s24, s23, $0xb8;
	[tilespmem:$0x1E000] =	vst v63  }
0x484: {  	s1 =	simm.s32 $0x15100;
	s24 =	simm.s32 $0x3D40  }
0x485: {  	[tilespmem:s1], [sflag:$0x2] =	stream.indirect.gather [hbm4b:s3+s23], $0x40, s24, s23, $0xb8;
	[tilespmem:$0x1E000] =	vst v63  }
0x486: {  	s1 =	simm.s32 $0x15780;
	s24 =	simm.s32 $0x3D60  }
0x487: {  	[tilespmem:s1], [sflag:$0x2] =	stream.indirect.gather [hbm4b:s3+s23], $0x40, s24, s23, $0xb8;
	[tilespmem:$0x1E000] =	vst v63  }
0x488: {  	s1 =	simm.s32 $0x15E00;
	s24 =	simm.s32 $0x3D80  }
0x489: {  	[tilespmem:s1], [sflag:$0x2] =	stream.indirect.gather [hbm4b:s3+s23], $0x40, s24, s23, $0xb8;
	[tilespmem:$0x1E000] =	vst v63  }
0x48a: {  	s1 =	simm.s32 $0x16480;
	s24 =	simm.s32 $0x3DA0  }
0x48b: {  	[tilespmem:s1], [sflag:$0x2] =	stream.indirect.gather [hbm4b:s3+s23], $0x40, s24, s23, $0xb8;
	[tilespmem:$0x1E000] =	vst v63  }
0x48c: {  	s1 =	simm.s32 $0x16B00;
	s24 =	simm.s32 $0x3DC0  }
0x48d: {  	[tilespmem:s1], [sflag:$0x2] =	stream.indirect.gather [hbm4b:s3+s23], $0x40, s24, s23, $0xb8;
	[tilespmem:$0x1E000] =	vst v63  }
0x48e: {  	s1 =	simm.s32 $0x17180;
	s24 =	simm.s32 $0x3DE0  }
0x48f: {  	[tilespmem:s1], [sflag:$0x2] =	stream.indirect.gather [hbm4b:s3+s23], $0x40, s24, s23, $0xb8;
	[tilespmem:$0x1E000] =	vst v63  }
0x490: {  	s1 =	simm.s32 $0x17800;
	s24 =	simm.s32 $0x3E00  }
0x491: {  	[tilespmem:s1], [sflag:$0x2] =	stream.indirect.gather [hbm4b:s3+s23], $0x40, s24, s23, $0xb8;
	[tilespmem:$0x1E000] =	vst v63  }
0x492: {  	s1 =	simm.s32 $0x17E80;
	s24 =	simm.s32 $0x3E20  }
0x493: {  	[tilespmem:s1], [sflag:$0x2] =	stream.indirect.gather [hbm4b:s3+s23], $0x40, s24, s23, $0xb8;
	[tilespmem:$0x1E000] =	vst v63  }
0x494: {  	s1 =	simm.s32 $0x18500;
	s24 =	simm.s32 $0x3E40  }
0x495: {  	[tilespmem:s1], [sflag:$0x2] =	stream.indirect.gather [hbm4b:s3+s23], $0x40, s24, s23, $0xb8;
	[tilespmem:$0x1E000] =	vst v63  }
0x496: {  	s1 =	simm.s32 $0x18B80;
	s24 =	simm.s32 $0x3E60  }
0x497: {  	[tilespmem:s1], [sflag:$0x2] =	stream.indirect.gather [hbm4b:s3+s23], $0x40, s24, s23, $0xb8;
	[tilespmem:$0x1E000] =	vst v63  }
0x498: {  	s1 =	simm.s32 $0x19200;
	s24 =	simm.s32 $0x3E80  }
0x499: {  	[tilespmem:s1], [sflag:$0x2] =	stream.indirect.gather [hbm4b:s3+s23], $0x40, s24, s23, $0xb8;
	[tilespmem:$0x1E000] =	vst v63  }
0x49a: {  	s1 =	simm.s32 $0x19880;
	s24 =	simm.s32 $0x3EA0  }
0x49b: {  	[tilespmem:s1], [sflag:$0x2] =	stream.indirect.gather [hbm4b:s3+s23], $0x40, s24, s23, $0xb8;
	[tilespmem:$0x1E000] =	vst v63  }
0x49c: {  	s1 =	simm.s32 $0x19F00;
	s24 =	simm.s32 $0x3EC0  }
0x49d: {  	[tilespmem:s1], [sflag:$0x2] =	stream.indirect.gather [hbm4b:s3+s23], $0x40, s24, s23, $0xb8;
	[tilespmem:$0x1E000] =	vst v63  }
0x49e: {  	s1 =	simm.s32 $0x1A580;
	s24 =	simm.s32 $0x3EE0  }
0x49f: {  	[tilespmem:s1], [sflag:$0x2] =	stream.indirect.gather [hbm4b:s3+s23], $0x40, s24, s23, $0xb8;
	[tilespmem:$0x1E000] =	vst v63  }
0x4a0: {  	s1 =	simm.s32 $0x1AC00;
	s24 =	simm.s32 $0x3F00  }
0x4a1: {  	[tilespmem:s1], [sflag:$0x2] =	stream.indirect.gather [hbm4b:s3+s23], $0x40, s24, s23, $0xb8;
	[tilespmem:$0x1E000] =	vst v63  }
0x4a2: {  	s1 =	simm.s32 $0x1B280;
	s24 =	simm.s32 $0x3F20  }
0x4a3: {  	[tilespmem:s1], [sflag:$0x2] =	stream.indirect.gather [hbm4b:s3+s23], $0x40, s24, s23, $0xb8;
	[tilespmem:$0x1E000] =	vst v63  }
0x4a4: {  	s1 =	simm.s32 $0x1B900;
	s24 =	simm.s32 $0x3F40  }
0x4a5: {  	[tilespmem:s1], [sflag:$0x2] =	stream.indirect.gather [hbm4b:s3+s23], $0x40, s24, s23, $0xb8;
	[tilespmem:$0x1E000] =	vst v63  }
0x4a6: {  	s1 =	simm.s32 $0x1BF80;
	s24 =	simm.s32 $0x3F60  }
0x4a7: {  	[tilespmem:s1], [sflag:$0x2] =	stream.indirect.gather [hbm4b:s3+s23], $0x40, s24, s23, $0xb8;
	[tilespmem:$0x1E000] =	vst v63  }
0x4a8: {  	s1 =	simm.s32 $0x1C600;
	s24 =	simm.s32 $0x3F80  }
0x4a9: {  	[tilespmem:s1], [sflag:$0x2] =	stream.indirect.gather [hbm4b:s3+s23], $0x40, s24, s23, $0xb8;
	[tilespmem:$0x1E000] =	vst v63  }
0x4aa: {  	s1 =	simm.s32 $0x1CC80;
	s24 =	simm.s32 $0x3FA0  }
0x4ab: {  	[tilespmem:s1], [sflag:$0x2] =	stream.indirect.gather [hbm4b:s3+s23], $0x40, s24, s23, $0xb8;
	[tilespmem:$0x1E000] =	vst v63  }
0x4ac: {  	s1 =	simm.s32 $0x1D300;
	s24 =	simm.s32 $0x3FC0  }
0x4ad: {  	[tilespmem:s1], [sflag:$0x2] =	stream.indirect.gather [hbm4b:s3+s23], $0x40, s24, s23, $0xb8;
	[tilespmem:$0x1E000] =	vst v63  }
0x4ae: {  	s24 =	simm.s32 $0x3FE0  }
0x4af: {  	[tilespmem:s2], [sflag:$0x2] =	stream.indirect.gather [hbm4b:s3+s23], $0x40, s24, s23, $0xb8;
	[tilespmem:$0x1E000] =	vst v63  }
0x4b0: {  	_ =	swait.ge [sflag:s4], $0xD000  }
0x4b1: {  	s0 =	simm.s32 $0x4000;
	s29 =	sadd.s32 $0x0, s19;
	[sflag:s4] =	ssyncset.done $0x0  }
0x4b2: {  	s1 =	simm.s32 $0x4680;
	s24 =	simm.s32 $0x200;
	[sflag:s4] =	ssyncadd.s32 $0xFFFF3000  }
.LBB2_30:
0x4b3: {  	[hbm4b:s29+s26] =	stream.strided.scatter [tilespmem:s0], [sflag:$0x3], $0x680, s31, s26, $0x38;
	[tilespmem:$0x1E000] =	vst v63  }
0x4b4: {  	s29 =	smov.u32 s24;
	s0 =	smov.u32 s1;
	p0 =	sne.s32 s24, $0x3E00  }
.Ltmp14:
0x4b5: {  	s24 =	sadd.s32 $0x200, s24;
	(pc) =	sbr.rel @p0 .LBB2_30-.Ltmp14, $2  }
0x4b6: {  	_ =	sdelay $0x2  }
0x4b7: {  	s1 =	sadd.s32 $0x680, s1;
	s29 =	sadd.s32 s29, s19  }
0x4b8: {  	[hbm4b:s29+s26] =	stream.strided.scatter [tilespmem:s0], [sflag:$0x3], $0x680, s31, s26, $0x38;
	[tilespmem:$0x1E000] =	vst v63  }
0x4b9: {  	_ =	swait.ge [sflag:s25], $0xD000  }
0x4ba: {  	s0 =	simm.s32 $0x11000;
	s24 =	simm.s32 $0x200;
	[sflag:s25] =	ssyncset.done $0x0  }
0x4bb: {  	s29 =	sadd.s32 $0x0, s20;
	s1 =	simm.s32 $0x11680;
	[sflag:s25] =	ssyncadd.s32 $0xFFFF3000  }
.LBB2_32:
0x4bc: {  	[hbm4b:s29+s26] =	stream.strided.scatter [tilespmem:s0], [sflag:$0x4], $0x680, s31, s26, $0x38;
	[tilespmem:$0x1E000] =	vst v63  }
0x4bd: {  	s29 =	smov.u32 s24;
	s0 =	smov.u32 s1;
	p0 =	sne.s32 s24, $0x3E00  }
.Ltmp15:
0x4be: {  	s24 =	sadd.s32 $0x200, s24;
	(pc) =	sbr.rel @p0 .LBB2_32-.Ltmp15, $2  }
0x4bf: {  	_ =	sdelay $0x2  }
0x4c0: {  	s1 =	sadd.s32 $0x680, s1;
	s29 =	sadd.s32 s29, s20  }
0x4c1: {  	[hbm4b:s29+s26] =	stream.strided.scatter [tilespmem:s0], [sflag:$0x4], $0x680, s31, s26, $0x38;
	[tilespmem:$0x1E000] =	vst v63  }
0x4c2: {  	_ =	swait.ge [sflag:s21], $0xD000  }
0x4c3: {  	[sflag:s21] =	ssyncset.done $0x0  }
0x4c4: {  	[sflag:s21] =	ssyncadd.s32 $0xFFFF3000  }
0x4c5: {  	_ =	swait.ge [sflag:s28], $0xD000  }
0x4c6: {  	s30 =	sadd.s32 $0x1, s30;
	s29 =	rddreg [dreg:$0x4]  }
0x4c7: {  	p0 =	sne.s32 s30, s29  }
.Ltmp16:
0x4c8: {  	_ = 	snop;
	(pc) =	sbr.rel @p0 .LBB2_1-.Ltmp16, $3  }
0x4c9: {  	_ =	sdelay $0x1  }
0x4ca: {  	[sflag:s28] =	ssyncset.done $0x0  }
0x4cb: {  	[sflag:s28] =	ssyncadd.s32 $0xFFFF3000  }
0x4cc: {  	_ =	sfence.sel $0x180000  }
0x4cd: {  	[bflag:$0x0] =	sbarrier.arrive $0xFFFF  }
0x4ce: {  	_ =	strace $0x9000004A  }
0x4cf: {  	s0 =	stileid.u32;
	[bflag:$0x2] =	sbarrier.arrive $0xFFFF  }
0x4d0: {  	p0 =	sne.s32 s0, $0x0;
	s0 =	rddreg [dreg:$0x2]  }
0x4d1: {  	s0 =	sadd.s32 @!p0 $0x100000, s0  }
0x4d2: {  	[sflag:s0] =	ssyncadd.tile.s32 @!p0 $0x1;
	_ =	shalt  }
.Lfunc_end2:
_tile_overlayer_lowered:
.L_overlay_start_2:
0x4d3: {  	(tag) =	ssettag $0x2  }
0x4d4: {  	s0 =	rddreg [dreg:$0x0];
	s2 =	stileid.u32  }
0x4d5: {  	s1 =	rddreg [dreg:$0x1];
	p0 =	sne.s32 s2, $0x0  }
0x4d6: {  	s3 =	rddreg [dreg:$0x2];
	[bflag:$0x3] =	sbarrier.arrive $0xFFFF;
	s2 =	simm.s32 @!p0 $0x1C05  }
0x4d7: {  	[timem:s3], [sflag:s2] =	dma.local @!p0 [hbm:s0], s1  }
0x4d8: {  	s0 =	simm.s32 @!p0 $0x5  }
0x4d9: {  	_ =	swait.ge @!p0 [sflag:s0], s1  }
0x4da: {  	s1 =	ssub.s32 @!p0 $0x0, s1;
	[sflag:s0] =	ssyncset.done @!p0 $0x0  }
0x4db: {  	[sflag:s0] =	ssyncadd.s32 @!p0 s1  }
0x4dc: {  	[bflag:$0x3] =	sbarrier.arrive $0xFFFF  }
0x4dd: {  	_ =	shalt  }

// kernel: sparse-core-data-format-call.1.cloned.1.call-start
scs
called_computation.1_lowered:
.L_overlay_start_0:
0x0: {  	s2 =	sld [smem:$0x3FD9]  }
0x1: {  	s3 =	sld [smem:$0x3FFE];
	_ =	sdelay $0x1  }
0x2: {  	s1 =	srdreg.scid  }
0x3: {  	s0 =	sand.u32 $0x1, s1  }
0x4: {  	s18 =	sshll.u32 s0, $0xA;
	s2 =	sadd.s32 s3, s2  }
0x5: {  	s2 =	sadd.s32 s2, s18  }
0x6: {  	[smem:$0x3FC6] =	sst s2  }
0x7: {  	_ = 	snop  }
0x8: {  	s2 =	sld [smem:$0x3FC8];
	(tm) =	ssettm $0x1  }
0x9: {  	s19 =	sld [smem:$0x3FFB];
	_ =	sdelay $0x3  }
0xa: {  	_ =	strace s19  }
0xb: {  	s3 =	sld [smem:$0x3FFC];
	_ =	sdelay $0x3  }
0xc: {  	_ =	strace s3  }
0xd: {  	s3 =	sld [smem:$0x3FFD];
	_ =	sdelay $0x3  }
0xe: {  	_ =	strace s3  }
0xf: {  	_ =	strace $0x8FFFFFFF  }
0x10: {  	s20 =	sld [smem:$0x3FDB];
	_ =	sdelay $0x1  }
0x11: {  	s4 =	simm.s32 $_scs_section_size  }
0x12: {  	s5 =	simm.s32 $_size__tile_overlayer_lowered;
	s6 =	simm.s32 $_tile_overlayer_lowered  }
0x13: {  	s23 =	simm.s32 $0x1BFF;
	s22 =	sshll.u32 s6, $0x1;
	s3 =	sadd.s32 s4, s20  }
0x14: {  	s7 =	simm.s32 $0x0;
	s21 =	sshll.u32 s5, $0x1;
	s5 =	sadd.s32 s22, s3  }
0x15: {  	[timem:s7], [sflag:s23] =	dma.local [hbm:s5], s21  }
0x16: {  	_ =	swait.ge [sflag:s23], s21  }
0x17: {  	s4 =	ssub.s32 $0x0, s21;
	[sflag:s23] =	ssyncset.done $0x0  }
0x18: {  	[sflag:s23] =	ssyncadd.s32 s4;
	_ =	sdelay $0x1  }
0x19: {  	s24 =	simm.s32 $0x1B8B  }
0x1a: {  	_ =	swait.ge [sflag:s24], $0x1  }
0x1b: {  	[sflag:s24] =	ssyncset.done $0x0  }
0x1c: {  	s26 =	simm.s32 $0x1B8E;
	s25 =	sld [smem:$0x3FFE];
	[sflag:s24] =	ssyncadd.s32 $0xFFFFFFFF  }
0x1d: {  	s27 =	simm.s32 $execute0_lowered;
	[smem:$0x3FD2] =	sst s26  }
0x1e: {  	s5 =	sshll.u32 s27, $0x1;
	_ =	strace $0x80000046;
	[dreg:$0x1] =	wrdreg $0xFFFFFFFF  }
0x1f: {  	s28 =	simm.s32 $_size_execute0_lowered;
	s3 =	sadd.s32 s3, s5;
	[dreg:$0x0] =	wrdreg $0x0  }
0x20: {  	s5 =	sshll.u32 s28, $0x1;
	[dreg:$0x2] =	wrdreg s3  }
0x21: {  	[dreg:$0x3] =	wrdreg s5  }
0x22: {  	[dreg:$0x4] =	wrdreg $0xC0  }
0x23: {  	_ =	task [dreg:s7], $0x5FFFF  }
0x24: {  	[dreg:$0x1] =	wrdreg $0xFFFFFFFF  }
0x25: {  	[dreg:$0x0] =	wrdreg $0x60  }
0x26: {  	[dreg:$0x2] =	wrdreg s2  }
0x27: {  	[dreg:$0x3] =	wrdreg s25  }
0x28: {  	[dreg:$0x4] =	wrdreg $0x9  }
0x29: {  	_ =	task.clear_ibuf [dreg:s7], $0x5FFFF;
	_ =	strace $0x90000046  }
0x2a: {  	s29 =	simm.s32 $0x9;
	_ =	strace $0x80000048  }
0x2b: {  	_ =	swait.ge [sflag:s29], $0x1  }
0x2c: {  	[sflag:s29] =	ssyncadd.s32 $0xFFFFFFFF  }
0x2d: {  	_ =	strace $0x90000048  }
0x2e: {  	_ =	sfence  }
0x2f: {  	s30 =	sld [smem:$0x0];
	_ =	sdelay $0x2  }
0x30: {  	s31 =	sshll.u32 s1, $0xD;
	s1 =	sshrl.u32 s1, $0x2  }
0x31: {  	s3 =	sand.u32 $0x4000, s31;
	s1 =	sadd.s32 s1, s30  }
0x32: {  	s0 =	sor.u32 s3, s0;
	s1 =	sshll.u32 s1, $0x11  }
0x33: {  	s0 =	sor.u32 s1, s0  }
0x34: {  	s0 =	sadd.s32 $0x8F2B, s0  }
0x35: {  	[sflag:s0] =	ssyncadd.remote.s32 $0x1  }
0x36: {  	_ =	sfence.sel $0xFFFF  }
0x37: {  	[dreg:$0x0] =	wrdreg $0xFFFFFFFF;
	(pc) =	sbr.abs _section_cstart, $3  }
0x38: {  	[dreg:$0x1] =	wrdreg $0xFFFFFFFF  }
0x39: {  	_ =	task.clear_ibuf [dreg:s7], $0x2FFFF;
	_ =	strace $0x9FFFFFFF  }
0x3a: {  	(tm) =	ssettm $0x7FFFFFFF  }
0x3b: {  	_ =	shalt  }
tec
execute0_lowered:
.L_overlay_start_1:
0x0: {  	(tag) =	ssettag $0x1  }
0x1: {  	s0 =	srdreg.scid;
	s2 =	rddreg [dreg:$0x0]  }
0x2: {  	s5 =	rddreg [dreg:$0x1];
	s1 =	stileid.u32  }
0x3: {  	s4 =	simm.s32 $0x1;
	s6 =	simm.s32 $0x2;
	s15 =	simm.s32 $0x0  }
0x4: {  	p0 =	por $0x0, $0x0;
	s8 =	simm.s32 $0x80;
	s0 =	sshll.u32 s0, $0x4  }
0x5: {  	s14 =	simm.s32 $0x0;
	s9 =	simm.s32 $0x0;
	s3 =	sand.u32 $0x10, s0  }
.Ltmp0:
0x6: {  	s10 =	simm.s32 $0x0;
	s3 =	sor.u32 s1, s3;
	(pc) =	sbr.rel .LBB1_1-.Ltmp0, $4  }
0x7: {  	s0 =	rddreg [dreg:$0x2];
	_ =	strace $0x80000047;
	s3 =	sshll.u32 s3, $0x7  }
0x8: {  	s12 =	simm.s32 $0x0;
	[sflag:s4] =	ssyncpa.u1 $0x0;
	s7 =	ssub.s32 $0xF4200, s3  }
0x9: {  	s13 =	simm.s32 $0x0;
	[sflag:s6] =	ssyncpa.u1 $0x0;
	s6 =	sshrl.u32 s7, $0xC  }
0xa: {  	s5 =	sadd.s32 $0xE00, s5;
	s11 =	smov.u32 s3;
	s7 =	sadd.s32 $0x2, s6  }
.LBB1_5:
0xb: {  	p1 =	slt.u32 s13, $0x2  }
0xc: {  	s17 =	smov.u32 s15;
	p2 =	sgt.s32 @!p1 s15, $0xF41C0;
	s16 =	sshra.s32 @!p1 s15, $0x1F  }
0xd: {  	p3 =	sgt.s32 @!p1 s14, $0x40;
	s18 =	sshra.s32 @!p1 s14, $0x1F;
	p2 =	por !p2, p1  }
0xe: {  	s15 =	sand.u32 @!p1 s16, s15;
	p3 =	por !p3, p1;
	s16 =	smov.u32 s14  }
0xf: {  	s14 =	sand.u32 @!p1 s18, s14;
	s17 =	simm.s32 @p2 $0xF41C0;
	s16 =	simm.s32 @p3 $0x40  }
0x10: {  	s15 =	ssub.s32 @!p1 s17, s15;
	s14 =	ssub.s32 @!p1 s16, s14  }
0x11: {  	s18 =	smov.u32 s12;
	s16 =	sadd.s32 @!p1 $0xFFF0BE40, s15;
	s17 =	sadd.s32 @!p1 $0xFFFFFFC0, s14  }
0x12: {  	s15 =	ssub.s32 @!p1 $0xF4240, s15;
	p2 =	sgt.s32 @!p1 s16, $0x7F;
	p3 =	sgt.s32 @!p1 s17, $0x3F  }
0x13: {  	s14 =	ssub.s32 @!p1 $0x80, s14;
	p2 =	por !p2, p1;
	p3 =	por !p3, p1  }
0x14: {  	s16 =	sadd.s32 $0x1000, s11;
	s15 =	simm.s32 @!p2 $0x0;
	s14 =	simm.s32 @!p3 $0x0  }
0x15: {  	p2 =	sgt.s32 s16, $0xF423F;
	s14 =	smul.u32 @!p1 s14, s15;
	s15 =	sadd.s32 $0x40, s12  }
0x16: {  	s18 =	smov.u32 @p2 s15  }
0x17: {  	s16 =	smov.u32 @p2 s3;
	p2 =	sgt.s32 s18, $0x3F  }
0x18: {  	s18 =	simm.s32 @p2 $0x0;
	p2 =	sne.s32 s13, s7  }
.Ltmp1:
0x19: {  	p0 =	por !p0, !p0;
	s17 =	simm.s32 @!p1 $0x2;
	(pc) =	sbr.rel @!p2 .LBB1_6-.Ltmp1, $4  }
0x1a: {  	s15 =	smov.u32 s9;
	s9 =	smov.u32 s11;
	s14 =	sand.u32 @!p1 $0x3FFFFFFF, s14  }
0x1b: {  	s11 =	smov.u32 s16;
	_ =	swait.ge @!p1 [sflag:s17], s14;
	s19 =	ssub.s32 @!p1 $0x0, s14  }
0x1c: {  	s14 =	smov.u32 s10;
	s13 =	sadd.s32 $0x1, s13;
	[sflag:s17] =	ssyncset.done @!p1 $0x0  }
0x1d: {  	s10 =	smov.u32 s12;
	s12 =	smov.u32 s18;
	[sflag:s17] =	ssyncadd.s32 @!p1 s19  }
.LBB1_1:
0x1e: {  	p1 =	sgt.u32 s13, s6  }
0x1f: {  	s16 =	sshrl.u32 @!p1 s12, $0x3  }
0x20: {  	s17 =	sshll.u32 @!p1 s11, $0x3;
	s16 =	smul.u32 @!p1 $0x7A1400, s16  }
0x21: {  	s18 =	sshll.u32 @!p1 s12, $0x7;
	s17 =	sand.u32 @!p1 $0xFFFFFC00, s17  }
0x22: {  	s16 =	sadd.s32 @!p1 s16, s17;
	s17 =	sand.u32 @!p1 $0x380, s18  }
0x23: {  	s18 =	sand.u32 @!p1 $0x7F, s11;
	s16 =	sor.u32 @!p1 s17, s16  }
0x24: {  	s17 =	sor.u32 @!p1 s18, s16  }
0x25: {  	s18 =	smulhi.u32 @!p1 $0x218D6287, s17;
	_ =	sdelay $0x1  }
0x26: {  	s16 =	smulhi.u32 @!p1 $0x218D6287, s16;
	s18 =	sshrl.u32 @!p1 s18, $0x11  }
0x27: {  	s18 =	smul.u32 @!p1 $0xF4280, s18  }
0x28: {  	s19 =	sxor.u32 @!p1 $0xFFFFFFFF, s13;
	s16 =	sshrl.u32 @!p1 s16, $0x11  }
0x29: {  	s19 =	sshll.u32 @!p1 s19, $0xD;
	s16 =	sand.u32 @!p1 $0x3F, s16;
	s17 =	ssub.s32 @!p1 s17, s18  }
0x2a: {  	s16 =	smul.u32 @!p1 $0x1E850, s16;
	s18 =	sshrl.u32 @!p1 s17, $0x3;
	s17 =	sand.u32 @!p1 $0x7, s17  }
0x2b: {  	s19 =	sand.u32 @!p1 $0x2000, s19;
	s18 =	sadd.s32 @!p1 s2, s18;
	s17 =	sshll.u32 @!p1 s17, $0x12  }
0x2c: {  	s16 =	sadd.s32 @!p1 s16, s18;
	s17 =	sor.u32 @!p1 $0x400, s17;
	s18 =	simm.s32 @!p1 $0x7A1400  }
0x2d: {  	[tilespmem:s19], [sflag:$0x1] =	stream.strided.gather @!p1 [hbm4b:s16+s17], $0x2000, s18, s17, $0x38;
	[tilespmem:$0x8100] =	vst v63  }
0x2e: {  	p1 =	seq.s32 s13, $0x0  }
0x2f: {  	p2 =	sge.u32 @!p1 s13, s7  }
0x30: {  	p1 =	por p1, p2  }
.Ltmp2:
0x31: {  	_ = 	snop;
	(pc) =	sbr.rel @p1 .LBB1_5-.Ltmp2, $1  }
0x32: {  	_ =	sdelay $0x3  }
0x33: {  	s16 =	simm.s32 $0x1  }
0x34: {  	_ =	swait.ge [sflag:s4], $0x2000;
	s16 =	simm.s32 @!p0 $0x0  }
0x35: {  	[sflag:s4] =	ssyncset.done $0x0;
	s17 =	sshll.u32 s16, $0xD  }
0x36: {  	[sflag:s4] =	ssyncadd.s32 $0xFFFFE000;
	s17 =	sor.u32 $0x40, s17  }
0x37: {  	s16 =	smul.u32 $0x8200, s16;
	v0 =	vld [tilespmem:s17+$0x30]  }
0x38: {  	v1 =	vld [tilespmem:s17+$0xFFFFFFD0]  }
0x39: {  	s16 =	sshrl.u32 s16, $0x2;
	v5 =	vld [tilespmem:s17+$0xFFFFFFE0]  }
0x3a: {  	v6 =	vld [tilespmem:s17+$0xFFFFFFF0];
	s19 =	sor.u32 $0x4000, s16  }
0x3b: {  	s31 =	sand.u32 $0x1, s13;
	v4 =	vld [tilespmem:s17+$0x0];
	s18 =	sadd.s32 $0x0, s19  }
0x3c: {  	v3 =	vld [tilespmem:s17+$0x10];
	s16 =	smul.u32 $0x8200, s31;
	[tilespmem:s18+$0x1C70 ss:$0x41] =	vst.msk $0xffff, v0  }
0x3d: {  	v2 =	vld [tilespmem:s17+$0x20];
	[tilespmem:s18+$0x410 ss:$0x41] =	vst.msk $0xffff, v1  }
0x3e: {  	s16 =	sshrl.u32 s16, $0x2;
	v1 =	vld [tilespmem:s17+$0xFFFFFFC0];
	[tilespmem:s18+$0x820 ss:$0x41] =	vst.msk $0xffff, v5;
	s17 =	sadd.s32 $0x80, s17  }
0x3f: {  	s20 =	simm.s32 $0x4;
	s21 =	simm.s32 $0x8;
	s16 =	sor.u32 $0x4000, s16;
	[tilespmem:s18+$0xC30 ss:$0x41] =	vst.msk $0xffff, v6;
	v0 =	vld [tilespmem:s17+$0x30]  }
.LBB1_3:
0x40: {  	p1 =	sne.s32 s21, $0xFC;
	v5 =	vld [tilespmem:s17+$0xFFFFFFD0];
	[tilespmem:s18+$0x1040 ss:$0x41] =	vst.msk $0xffff, v4  }
0x41: {  	v6 =	vld [tilespmem:s17+$0xFFFFFFE0];
	[tilespmem:s18+$0x1450 ss:$0x41] =	vst.msk $0xffff, v3  }
0x42: {  	s22 =	sshra.s32 s20, $0x2;
	s20 =	smov.u32 s21;
	v7 =	vld [tilespmem:s17+$0xFFFFFFF0];
	[tilespmem:s18+$0x1860 ss:$0x41] =	vst.msk $0xffff, v2  }
.Ltmp3:
0x43: {  	v4 =	vld [tilespmem:s17+$0x0];
	[tilespmem:s18+$0x0 ss:$0x41] =	vst.msk $0xffff, v1;
	s18 =	sadd.s32 s22, s19;
	(pc) =	sbr.rel @p1 .LBB1_3-.Ltmp3, $4  }
0x44: {  	v3 =	vld [tilespmem:s17+$0x10];
	[tilespmem:s18+$0x1C70 ss:$0x41] =	vst.msk $0xffff, v0  }
0x45: {  	[tilespmem:s18+$0x410 ss:$0x41] =	vst.msk $0xffff, v5;
	v2 =	vld [tilespmem:s17+$0x20]  }
0x46: {  	v1 =	vld [tilespmem:s17+$0xFFFFFFC0];
	[tilespmem:s18+$0x820 ss:$0x41] =	vst.msk $0xffff, v6;
	s17 =	sadd.s32 $0x80, s17  }
0x47: {  	s21 =	sadd.s32 $0x4, s21;
	v0 =	vld [tilespmem:s17+$0x30];
	[tilespmem:s18+$0xC30 ss:$0x41] =	vst.msk $0xffff, v7  }
0x48: {  	s21 =	sshll.u32 s9, $0x7;
	s22 =	sshll.u32 s10, $0x3;
	s20 =	sshra.s32 s20, $0x2  }
0x49: {  	p1 =	sgt.s32 s9, $0xF41C0;
	s30 =	sshra.s32 s9, $0x1F;
	s25 =	sshra.s32 s10, $0x1F  }
0x4a: {  	v5 =	vld [tilespmem:s17+$0xFFFFFFD0];
	s28 =	sshrl.u32 s10, $0x3;
	s23 =	sand.u32 $0xFFFFFC00, s21;
	s22 =	sand.u32 $0xFFFFFC00, s22  }
0x4b: {  	[tilespmem:s18+$0x1040 ss:$0x41] =	vst.msk $0xffff, v4;
	v58 =	vld [tilespmem:s17+$0xFFFFFFE0];
	s21 =	sand.u32 $0x380, s21;
	s19 =	sadd.s32 s20, s19;
	s22 =	sadd.s32 s22, s23  }
0x4c: {  	v59 =	vld [tilespmem:s17+$0xFFFFFFF0];
	[tilespmem:s18+$0x1450 ss:$0x41] =	vst.msk $0xffff, v3;
	s29 =	sor.u32 s21, s22;
	s21 =	smov.u32 s9;
	s22 =	sand.u32 s30, s9  }
0x4d: {  	v60 =	vld [tilespmem:s17+$0x0];
	[tilespmem:s18+$0x1860 ss:$0x41] =	vst.msk $0xffff, v2;
	s30 =	sand.u32 $0x7, s10;
	s20 =	sshrl.u32 s29, $0x7;
	s21 =	simm.s32 @!p1 $0xF41C0  }
0x4e: {  	v61 =	vld [tilespmem:s17+$0x10];
	[tilespmem:s18+$0x0 ss:$0x41] =	vst.msk $0xffff, v1;
	p1 =	sgt.s32 s10, $0x40;
	s24 =	ssub.s32 s21, s22;
	s21 =	smov.u32 s10  }
0x4f: {  	v62 =	vld [tilespmem:s17+$0x20];
	[tilespmem:s19+$0x1C70 ss:$0x41] =	vst.msk $0xffff, v0;
	s31 =	smulhi.u32 $0x218DEF5, s20;
	s22 =	sand.u32 s25, s10;
	s21 =	simm.s32 @!p1 $0x40  }
0x50: {  	v63 =	vld [tilespmem:s17+$0xFFFFFFC0];
	[tilespmem:s19+$0x410 ss:$0x41] =	vst.msk $0xffff, v5;
	s26 =	sadd.s32 $0xFFF0BE40, s24;
	s17 =	ssub.s32 $0xF4240, s24;
	s21 =	ssub.s32 s21, s22  }
0x51: {  	[tilespmem:s19+$0x820 ss:$0x41] =	vst.msk $0xffff, v58;
	s23 =	sshrl.u32 s31, $0xD;
	p1 =	sgt.s32 s26, $0x7F;
	s27 =	sadd.s32 $0xFFFFFFC0, s21  }
0x52: {  	[tilespmem:s19+$0xC30 ss:$0x41] =	vst.msk $0xffff, v59;
	s23 =	smul.u32 $0xF4240, s23;
	s18 =	ssub.s32 $0x80, s21;
	p2 =	sgt.s32 s27, $0x3F  }
.Ltmp4:
0x53: {  	[tilespmem:s19+$0x1040 ss:$0x41] =	vst.msk $0xffff, v60;
	s17 =	simm.s32 @p1 $0x0;
	s18 =	simm.s32 @p2 $0x0;
	(pc) =	sbr.rel .LBB1_5-.Ltmp4, $4  }
0x54: {  	s29 =	sand.u32 $0xF, s28;
	[tilespmem:s19+$0x1450 ss:$0x41] =	vst.msk $0xffff, v61;
	s20 =	ssub.s32 s20, s23;
	s17 =	smul.u32 s18, s17  }
0x55: {  	[tilespmem:s19+$0x1860 ss:$0x41] =	vst.msk $0xffff, v62;
	s21 =	sshll.u32 s30, $0x12;
	s20 =	sshll.u32 s20, $0x4;
	s18 =	sadd.s32 s5, s29  }
0x56: {  	[tilespmem:s19+$0x0 ss:$0x41] =	vst.msk $0xffff, v63;
	s31 =	sor.u32 $0x40, s21;
	s18 =	sadd.s32 s20, s18;
	s17 =	sand.u32 $0x3FFFFFFF, s17  }
0x57: {  	[hbm4b:s18+s31] =	stream.strided.scatter [tilespmem:s16], [sflag:$0x2], s17, s8, s31, $0x18;
	[tilespmem:$0x8100] =	vst v63  }
.LBB1_6:
0x58: {  	_ =	sfence.sel $0x180000  }
0x59: {  	s2 =	simm.s32 $0x1;
	[bflag:$0x0] =	sbarrier.arrive $0xFFFF  }
0x5a: {  	s31 =	simm.s32 $0x2;
	[sflag:s2] =	ssyncpa.u1 $0x1  }
0x5b: {  	[sflag:s31] =	ssyncpa.u1 $0x1  }
0x5c: {  	p0 =	sne.s32 s1, $0x0;
	_ =	strace $0x90000047  }
0x5d: {  	s0 =	sadd.s32 @!p0 $0x100000, s0;
	[bflag:$0x2] =	sbarrier.arrive $0xFFFF  }
0x5e: {  	[sflag:s0] =	ssyncadd.tile.s32 @!p0 $0x1;
	_ =	shalt  }
.Lfunc_end1:
_tile_overlayer_lowered:
.L_overlay_start_2:
0x5f: {  	(tag) =	ssettag $0x2  }
0x60: {  	s0 =	rddreg [dreg:$0x0];
	s2 =	stileid.u32  }
0x61: {  	s1 =	rddreg [dreg:$0x1];
	p0 =	sne.s32 s2, $0x0  }
0x62: {  	s3 =	rddreg [dreg:$0x2];
	[bflag:$0x3] =	sbarrier.arrive $0xFFFF;
	s2 =	simm.s32 @!p0 $0x1C01  }
0x63: {  	[timem:s3], [sflag:s2] =	dma.local @!p0 [hbm:s0], s1  }
0x64: {  	s0 =	simm.s32 @!p0 $0x1  }
0x65: {  	_ =	swait.ge @!p0 [sflag:s0], s1  }
0x66: {  	s1 =	ssub.s32 @!p0 $0x0, s1;
	[sflag:s0] =	ssyncset.done @!p0 $0x0  }
0x67: {  	[sflag:s0] =	ssyncadd.s32 @!p0 s1  }
0x68: {  	[bflag:$0x3] =	sbarrier.arrive $0xFFFF  }
0x69: {  	_ =	shalt  }

// kernel: sparse-core-data-format-call.cloned.1.call-start
scs
called_computation_lowered:
.L_overlay_start_0:
0x0: {  	s2 =	sld [smem:$0x3FD9]  }
0x1: {  	s3 =	sld [smem:$0x3FFE];
	_ =	sdelay $0x1  }
0x2: {  	s1 =	srdreg.scid  }
0x3: {  	s0 =	sand.u32 $0x1, s1  }
0x4: {  	s18 =	sshll.u32 s0, $0xA;
	s2 =	sadd.s32 s3, s2  }
0x5: {  	s2 =	sadd.s32 s2, s18  }
0x6: {  	[smem:$0x3FC6] =	sst s2  }
0x7: {  	_ = 	snop  }
0x8: {  	s2 =	sld [smem:$0x3FD0];
	(tm) =	ssettm $0x1  }
0x9: {  	s19 =	sld [smem:$0x3FFB];
	_ =	sdelay $0x3  }
0xa: {  	_ =	strace s19  }
0xb: {  	s3 =	sld [smem:$0x3FFC];
	_ =	sdelay $0x3  }
0xc: {  	_ =	strace s3  }
0xd: {  	s3 =	sld [smem:$0x3FFD];
	_ =	sdelay $0x3  }
0xe: {  	_ =	strace s3  }
0xf: {  	_ =	strace $0x8FFFFFFF  }
0x10: {  	s20 =	sld [smem:$0x3FDB];
	_ =	sdelay $0x1  }
0x11: {  	s4 =	simm.s32 $_scs_section_size  }
0x12: {  	s5 =	simm.s32 $_size__tile_overlayer_lowered;
	s6 =	simm.s32 $_tile_overlayer_lowered  }
0x13: {  	s23 =	simm.s32 $0x1BFF;
	s22 =	sshll.u32 s6, $0x1;
	s3 =	sadd.s32 s4, s20  }
0x14: {  	s7 =	simm.s32 $0x0;
	s21 =	sshll.u32 s5, $0x1;
	s5 =	sadd.s32 s22, s3  }
0x15: {  	[timem:s7], [sflag:s23] =	dma.local [hbm:s5], s21  }
0x16: {  	_ =	swait.ge [sflag:s23], s21  }
0x17: {  	s4 =	ssub.s32 $0x0, s21;
	[sflag:s23] =	ssyncset.done $0x0  }
0x18: {  	[sflag:s23] =	ssyncadd.s32 s4;
	_ =	sdelay $0x1  }
0x19: {  	s24 =	simm.s32 $0x1B8B  }
0x1a: {  	_ =	swait.ge [sflag:s24], $0x1  }
0x1b: {  	[sflag:s24] =	ssyncset.done $0x0  }
0x1c: {  	s26 =	simm.s32 $0x1B8E;
	s25 =	sld [smem:$0x3FFE];
	[sflag:s24] =	ssyncadd.s32 $0xFFFFFFFF  }
0x1d: {  	s27 =	simm.s32 $execute0_lowered;
	[smem:$0x3FD2] =	sst s26  }
0x1e: {  	s5 =	sshll.u32 s27, $0x1;
	_ =	strace $0x8000004C;
	[dreg:$0x1] =	wrdreg $0xFFFFFFFF  }
0x1f: {  	s28 =	simm.s32 $_size_execute0_lowered;
	s3 =	sadd.s32 s3, s5;
	[dreg:$0x0] =	wrdreg $0x0  }
0x20: {  	s5 =	sshll.u32 s28, $0x1;
	[dreg:$0x2] =	wrdreg s3  }
0x21: {  	[dreg:$0x3] =	wrdreg s5  }
0x22: {  	[dreg:$0x4] =	wrdreg $0xC0  }
0x23: {  	_ =	task [dreg:s7], $0x5FFFF  }
0x24: {  	[dreg:$0x1] =	wrdreg $0xFFFFFFFF  }
0x25: {  	[dreg:$0x0] =	wrdreg $0x60  }
0x26: {  	[dreg:$0x2] =	wrdreg s25  }
0x27: {  	[dreg:$0x3] =	wrdreg s2  }
0x28: {  	[dreg:$0x4] =	wrdreg $0x9  }
0x29: {  	_ =	task.clear_ibuf [dreg:s7], $0x5FFFF;
	_ =	strace $0x9000004C  }
0x2a: {  	s29 =	simm.s32 $0x9;
	_ =	strace $0x8000004E  }
0x2b: {  	_ =	swait.ge [sflag:s29], $0x1  }
0x2c: {  	[sflag:s29] =	ssyncadd.s32 $0xFFFFFFFF  }
0x2d: {  	_ =	strace $0x9000004E  }
0x2e: {  	_ =	sfence  }
0x2f: {  	s30 =	sld [smem:$0x0];
	_ =	sdelay $0x2  }
0x30: {  	s31 =	sshll.u32 s1, $0xD;
	s1 =	sshrl.u32 s1, $0x2  }
0x31: {  	s3 =	sand.u32 $0x4000, s31;
	s1 =	sadd.s32 s1, s30  }
0x32: {  	s0 =	sor.u32 s3, s0;
	s1 =	sshll.u32 s1, $0x11  }
0x33: {  	s0 =	sor.u32 s1, s0  }
0x34: {  	s0 =	sadd.s32 $0x8F2B, s0  }
0x35: {  	[sflag:s0] =	ssyncadd.remote.s32 $0x1  }
0x36: {  	_ =	sfence.sel $0xFFFF  }
0x37: {  	[dreg:$0x0] =	wrdreg $0xFFFFFFFF;
	(pc) =	sbr.abs _section_cstart, $3  }
0x38: {  	[dreg:$0x1] =	wrdreg $0xFFFFFFFF  }
0x39: {  	_ =	task.clear_ibuf [dreg:s7], $0x2FFFF;
	_ =	strace $0x9FFFFFFF  }
0x3a: {  	(tm) =	ssettm $0x7FFFFFFF  }
0x3b: {  	_ =	shalt  }
tec
execute0_lowered:
.L_overlay_start_1:
0x0: {  	(tag) =	ssettag $0x1  }
0x1: {  	s0 =	srdreg.scid  }
0x2: {  	s1 =	sshll.u32 s0, $0x4  }
0x3: {  	s0 =	stileid.u32;
	s1 =	sand.u32 $0x10, s1  }
0x4: {  	s1 =	sor.u32 s0, s1  }
0x5: {  	s6 =	rddreg [dreg:$0x0];
	s4 =	simm.s32 $0x1;
	s2 =	sshll.u32 s1, $0x7  }
0x6: {  	s7 =	simm.s32 $0x2;
	s12 =	simm.s32 $0x0;
	s1 =	ssub.s32 $0x4000, s2  }
0x7: {  	s8 =	simm.s32 $0x20000;
	s13 =	simm.s32 $0x0;
	s3 =	sand.u32 $0xF80, s1  }
0x8: {  	s9 =	simm.s32 $0x0;
	s5 =	sshrl.u32 s1, $0xC;
	p0 =	sne.s32 s3, $0x0  }
.Ltmp0:
0x9: {  	s1 =	rddreg [dreg:$0x2];
	s4 =	simm.s32 @!p0 $0x0;
	(pc) =	sbr.rel .LBB1_1-.Ltmp0, $4  }
0xa: {  	s11 =	simm.s32 $0x0;
	s3 =	rddreg [dreg:$0x1];
	s5 =	sadd.s32 s4, s5  }
0xb: {  	_ =	strace $0x8000004D;
	s4 =	simm.s32 $0x1;
	s5 =	smul.u32 $0x1A, s5  }
0xc: {  	s6 =	sadd.s32 $0xE00, s6;
	s10 =	smov.u32 s2;
	[sflag:s4] =	ssyncpa.u1 $0x0  }
0xd: {  	p0 =	por $0x0, $0x0;
	[sflag:s7] =	ssyncpa.u1 $0x0;
	s7 =	sor.u32 $0x1, s5  }
.LBB1_4:
0xe: {  	s16 =	sshll.u32 s13, $0x3;
	s17 =	sand.u32 $0x78, s13  }
0xf: {  	s30 =	sand.u32 $0x1F800, s13;
	s12 =	sshll.u32 s12, $0x11;
	s16 =	sand.u32 $0x3C00, s16  }
0x10: {  	[tilespmem:s15+$0x810 ss:$0x81] =	vst.msk $0xffff, v2;
	s31 =	sand.u32 $0x7, s13;
	s16 =	sor.u32 s17, s16;
	s17 =	sadd.s32 s3, s30  }
0x11: {  	[tilespmem:s15+$0x1020 ss:$0x81] =	vst.msk $0xffff, v0;
	s13 =	sshll.u32 s31, $0x12;
	s12 =	sadd.s32 s12, s17;
	s16 =	sshrl.u32 s16, $0x3  }
0x12: {  	[tilespmem:s15+$0x0 ss:$0x81] =	vst.msk $0xffff, v1;
	s13 =	sor.u32 $0x400, s13;
	s12 =	sadd.s32 s16, s12  }
0x13: {  	[hbm4b:s12+s13] =	stream.strided.scatter [tilespmem:s14], [sflag:$0x2], $0x2000, s8, s13, $0x20;
	[tilespmem:$0x8080] =	vst v63  }
.LBB1_5:
0x14: {  	s14 =	sadd.s32 $0x1, s9  }
0x15: {  	s12 =	sadd.s32 $0x1000, s10;
	s16 =	smov.u32 s10;
	p2 =	sgt.s32 s14, $0x19  }
0x16: {  	s16 =	smov.u32 @p2 s12  }
0x17: {  	s14 =	simm.s32 @p2 $0x0;
	p2 =	sgt.s32 s16, $0x3FFF  }
0x18: {  	s16 =	smov.u32 @p2 s2;
	p2 =	sne.s32 s11, s7  }
.Ltmp1:
0x19: {  	p1 =	slt.u32 s11, $0x2;
	(pc) =	sbr.rel @!p2 .LBB1_6-.Ltmp1, $4  }
0x1a: {  	s15 =	simm.s32 @!p1 $0x2  }
0x1b: {  	s13 =	smov.u32 s10;
	p0 =	por !p0, !p0;
	_ =	swait.ge @!p1 [sflag:s15], $0x2000  }
0x1c: {  	s12 =	smov.u32 s9;
	[sflag:s15] =	ssyncset.done @!p1 $0x0;
	s9 =	smov.u32 s14  }
0x1d: {  	s11 =	sadd.s32 $0x1, s11;
	[sflag:s15] =	ssyncadd.s32 @!p1 $0xFFFFE000;
	s10 =	smov.u32 s16  }
.LBB1_1:
0x1e: {  	p1 =	sge.u32 s11, s5  }
0x1f: {  	s31 =	sadd.s32 $0xFFFFFFFF, s11;
	s14 =	sxor.u32 @!p1 $0xFFFFFFFF, s11  }
0x20: {  	s15 =	sshll.u32 @!p1 s10, $0x9;
	s16 =	sshll.u32 @!p1 s9, $0x4;
	s17 =	simm.s32 @!p1 $0x1000  }
0x21: {  	s14 =	sshll.u32 @!p1 s14, $0xD;
	s16 =	sand.u32 @!p1 $0x1F0, s16;
	s15 =	sadd.s32 @!p1 s6, s15  }
0x22: {  	s14 =	sand.u32 @!p1 $0x2000, s14;
	s15 =	sadd.s32 @!p1 s16, s15;
	s16 =	simm.s32 @!p1 $0x40  }
0x23: {  	[tilespmem:s14], [sflag:$0x1] =	stream.strided.gather @!p1 [hbm4b:s15+s16], $0x2000, s17, s16, $0x38;
	[tilespmem:$0x8080] =	vst v63  }
0x24: {  	p1 =	sge.u32 s31, s5  }
.Ltmp2:
0x25: {  	_ = 	snop;
	(pc) =	sbr.rel @p1 .LBB1_5-.Ltmp2, $1  }
0x26: {  	_ =	sdelay $0x3  }
0x27: {  	s14 =	simm.s32 $0x1  }
0x28: {  	_ =	swait.ge [sflag:s4], $0x2000;
	s14 =	simm.s32 @!p0 $0x0  }
0x29: {  	[sflag:s4] =	ssyncset.done $0x0;
	s15 =	sshll.u32 s14, $0xD  }
0x2a: {  	[sflag:s4] =	ssyncadd.s32 $0xFFFFE000;
	s18 =	sor.u32 $0x20, s15  }
0x2b: {  	s14 =	smul.u32 $0x8100, s14;
	v3 =	vld [tilespmem:s18+$0x10]  }
0x2c: {  	s30 =	sand.u32 $0x1, s11;
	v2 =	vld [tilespmem:s18+$0xFFFFFFF0]  }
0x2d: {  	s15 =	smul.u32 $0x8100, s30;
	s14 =	sshrl.u32 s14, $0x2;
	v0 =	vld [tilespmem:s18+$0x0]  }
0x2e: {  	v1 =	vld [tilespmem:s18+$0xFFFFFFE0];
	s16 =	sor.u32 $0x4000, s14  }
0x2f: {  	s31 =	sshrl.u32 s15, $0x2;
	s15 =	sadd.s32 $0x0, s16  }
0x30: {  	s17 =	simm.s32 $0x4;
	s18 =	sadd.s32 $0x40, s18;
	s14 =	sor.u32 $0x4000, s31;
	[tilespmem:s15+$0x1830 ss:$0x81] =	vst.msk $0xffff, v3  }
.LBB1_3:
0x31: {  	v3 =	vld [tilespmem:s18+$0x10];
	p1 =	sne.s32 s17, $0x1FC;
	[tilespmem:s15+$0x810 ss:$0x81] =	vst.msk $0xffff, v2;
	s19 =	smov.u32 s17;
	s17 =	sadd.s32 $0x4, s17  }
.Ltmp3:
0x32: {  	v2 =	vld [tilespmem:s18+$0xFFFFFFF0];
	[tilespmem:s15+$0x1020 ss:$0x81] =	vst.msk $0xffff, v0;
	(pc) =	sbr.rel @p1 .LBB1_3-.Ltmp3, $4  }
0x33: {  	v0 =	vld [tilespmem:s18+$0x0];
	[tilespmem:s15+$0x0 ss:$0x81] =	vst.msk $0xffff, v1  }
0x34: {  	s15 =	sshra.s32 s19, $0x2;
	v1 =	vld [tilespmem:s18+$0xFFFFFFE0]  }
0x35: {  	s15 =	sadd.s32 s15, s16  }
0x36: {  	s18 =	sadd.s32 $0x40, s18;
	[tilespmem:s15+$0x1830 ss:$0x81] =	vst.msk $0xffff, v3  }
.Ltmp4:
0x37: {  	_ = 	snop;
	(pc) =	sbr.rel .LBB1_4-.Ltmp4, $1  }
0x38: {  	_ =	sdelay $0x3  }
.LBB1_6:
0x39: {  	_ =	sfence.sel $0x180000  }
0x3a: {  	s2 =	simm.s32 $0x1;
	[bflag:$0x0] =	sbarrier.arrive $0xFFFF  }
0x3b: {  	s31 =	simm.s32 $0x2;
	[sflag:s2] =	ssyncpa.u1 $0x1  }
0x3c: {  	[sflag:s31] =	ssyncpa.u1 $0x1  }
0x3d: {  	p0 =	sne.s32 s0, $0x0;
	_ =	strace $0x9000004D  }
0x3e: {  	s0 =	sadd.s32 @!p0 $0x100000, s1;
	[bflag:$0x2] =	sbarrier.arrive $0xFFFF  }
0x3f: {  	[sflag:s0] =	ssyncadd.tile.s32 @!p0 $0x1;
	_ =	shalt  }
.Lfunc_end1:
_tile_overlayer_lowered:
.L_overlay_start_2:
0x40: {  	(tag) =	ssettag $0x2  }
0x41: {  	s0 =	rddreg [dreg:$0x0];
	s2 =	stileid.u32  }
0x42: {  	s1 =	rddreg [dreg:$0x1];
	p0 =	sne.s32 s2, $0x0  }
0x43: {  	s3 =	rddreg [dreg:$0x2];
	[bflag:$0x3] =	sbarrier.arrive $0xFFFF;
	s2 =	simm.s32 @!p0 $0x1C01  }
0x44: {  	[timem:s3], [sflag:s2] =	dma.local @!p0 [hbm:s0], s1  }
0x45: {  	s0 =	simm.s32 @!p0 $0x1  }
0x46: {  	_ =	swait.ge @!p0 [sflag:s0], s1  }
0x47: {  	s1 =	ssub.s32 @!p0 $0x0, s1;
	[sflag:s0] =	ssyncset.done @!p0 $0x0  }
0x48: {  	[sflag:s0] =	ssyncadd.s32 @!p0 s1  }
0x49: {  	[bflag:$0x3] =	sbarrier.arrive $0xFFFF  }
0x4a: {  	_ =	shalt  }

</sc_bundles>
